<compile_context>
chip_gen: v7x
topology: tpu7x:2x2x1
jax: 0.10.2.dev20260603
libtpu: 0.0.44.dev20260713+nightly
codegen_flags: <defaults>
</compile_context>

<pallas_src>
import jax
import jax.numpy as jnp
from jax import lax
from jax.experimental import pallas as pl
from jax.experimental.pallas import tpu as pltpu
from jax.experimental.pallas import tpu_sc as plsc

NUM_CORES = 2
NUM_SUBCORES = 16
LANES = 16
NUM_WORKERS = NUM_CORES * NUM_SUBCORES
DIM = 32
BLK = 128
CH = 2
NBUF = 4
B_PER_W = 512
N_CHUNKS = B_PER_W // CH


def _sc_kernel(uidx_hbm, iidx_hbm, utab_hbm, itab_hbm, params_hbm, out_hbm,
               idx_u, idx_i, u_st0, u_st1, u_st2, u_st3,
               i_st0, i_st1, i_st2, i_st3, params_v, out_v,
               sem_u0, sem_u1, sem_u2, sem_u3,
               sem_i0, sem_i1, sem_i2, sem_i3):
    wid = lax.axis_index("s") * NUM_CORES + lax.axis_index("c")
    base = wid * B_PER_W

    pltpu.sync_copy(params_hbm, params_v)
    pltpu.sync_copy(uidx_hbm.at[pl.ds(base, B_PER_W)],
                    idx_u.at[pl.ds(0, B_PER_W)])
    pltpu.sync_copy(iidx_hbm.at[pl.ds(base, B_PER_W)],
                    idx_i.at[pl.ds(0, B_PER_W)])

    u_bufs = (u_st0, u_st1, u_st2, u_st3)
    i_bufs = (i_st0, i_st1, i_st2, i_st3)
    u_sems = (sem_u0, sem_u1, sem_u2, sem_u3)
    i_sems = (sem_i0, sem_i1, sem_i2, sem_i3)

    def issue_chunk(c, buf_id):
        ub = u_bufs[buf_id]
        ib = i_bufs[buf_id]
        iv_u = idx_u[pl.ds(c * CH, LANES)]
        iv_i = idx_i[pl.ds(c * CH, LANES)]
        for k in range(CH):
            bu = pl.multiple_of((iv_u[k] // BLK) * BLK, BLK)
            bi = pl.multiple_of((iv_i[k] // BLK) * BLK, BLK)
            pltpu.async_copy(utab_hbm.at[:, pl.ds(bu, BLK)],
                             ub.at[:, pl.ds(k * BLK, BLK)], u_sems[buf_id])
            pltpu.async_copy(itab_hbm.at[:, pl.ds(bi, BLK)],
                             ib.at[:, pl.ds(k * BLK, BLK)], i_sems[buf_id])

    def wait_chunk(buf_id):
        pltpu.make_async_copy(utab_hbm.at[:, pl.ds(0, CH * BLK)],
                              u_bufs[buf_id], u_sems[buf_id]).wait()
        pltpu.make_async_copy(itab_hbm.at[:, pl.ds(0, CH * BLK)],
                              i_bufs[buf_id], i_sems[buf_id]).wait()

    w_lo = params_v[pl.ds(0, LANES)]
    w_hi = params_v[pl.ds(LANES, LANES)]
    bias = params_v[pl.ds(DIM, LANES)][0]
    iota16 = lax.iota(jnp.int32, LANES)
    rows_lo = iota16
    rows_hi = iota16 + LANES

    def compute_chunk(c, buf_id, j, vals):
        ub = u_bufs[buf_id]
        ib = i_bufs[buf_id]
        iv_u = idx_u[pl.ds(c * CH, LANES)]
        iv_i = idx_i[pl.ds(c * CH, LANES)]
        for k in range(CH):
            cu = jnp.full((LANES,), (iv_u[k] % BLK) + k * BLK, jnp.int32)
            ci = jnp.full((LANES,), (iv_i[k] % BLK) + k * BLK, jnp.int32)
            u0 = plsc.load_gather(ub, [rows_lo, cu])
            u1 = plsc.load_gather(ub, [rows_hi, cu])
            i0 = plsc.load_gather(ib, [rows_lo, ci])
            i1 = plsc.load_gather(ib, [rows_hi, ci])
            s = jnp.sum(u0 * i0 * w_lo + u1 * i1 * w_hi)
            vals = jnp.where(iota16 == (c * CH + k) % LANES, s, vals)
        return vals

    issue_chunk(0, 0)
    issue_chunk(1, 1)
    issue_chunk(2, 2)
    zeros = jnp.zeros((LANES,), jnp.float32)

    def body(t, vals):
        c0 = 4 * t
        vals = jnp.where((t % 2) == 0, zeros, vals)
        for j in range(4):
            c = c0 + j

            @pl.when(c + 3 < N_CHUNKS)
            def _():
                issue_chunk(c + 3, (j + 3) % 4)

            wait_chunk(j)
            vals = compute_chunk(c, j, j, vals)

        @pl.when((t % 2) == 1)
        def _():
            out_v[pl.ds((t // 2) * LANES, LANES)] = vals + bias

        return vals

    lax.fori_loop(0, N_CHUNKS // 4, body, zeros)

    pltpu.sync_copy(out_v, out_hbm.at[pl.ds(base, B_PER_W)])


def kernel(user_indices, item_indices, user_table, item_table, fc_w, fc_b):
    batch = user_indices.shape[0]
    params = jnp.concatenate(
        [fc_w.reshape(DIM), fc_b.reshape(1),
         jnp.zeros((15,), jnp.float32)]).astype(jnp.float32)

    mesh = plsc.VectorSubcoreMesh(core_axis_name="c", subcore_axis_name="s")
    stage = pltpu.VMEM((DIM, CH * BLK), jnp.float32)
    run = pl.kernel(
        _sc_kernel,
        out_type=jax.ShapeDtypeStruct((batch,), jnp.float32),
        mesh=mesh,
        compiler_params=pltpu.CompilerParams(
            needs_layout_passes=False, use_tc_tiling_on_sc=True),
        scratch_types=[
            pltpu.VMEM((B_PER_W + LANES,), jnp.int32),
            pltpu.VMEM((B_PER_W + LANES,), jnp.int32),
            stage, stage, stage, stage,
            stage, stage, stage, stage,
            pltpu.VMEM((DIM + 16,), jnp.float32),
            pltpu.VMEM((B_PER_W,), jnp.float32),
            pltpu.SemaphoreType.DMA, pltpu.SemaphoreType.DMA,
            pltpu.SemaphoreType.DMA, pltpu.SemaphoreType.DMA,
            pltpu.SemaphoreType.DMA, pltpu.SemaphoreType.DMA,
            pltpu.SemaphoreType.DMA, pltpu.SemaphoreType.DMA,
        ],
    )
    return run(user_indices.astype(jnp.int32), item_indices.astype(jnp.int32),
               user_table.T, item_table.T, params)

# --- scband reference (transcript-rebuilt; emitter-appended) ---
"""Pipeline reference for scband-grouping-90177133347634 (READ-ONLY COPY).

The authoritative reference and input builder live on the scoring server;
editing this copy changes nothing except your own understanding.
"""

import jax, jax.numpy as jnp
import numpy as np

NUM_USERS = 1000000
NUM_ITEMS = 1000000
LATENT_DIM = 32
BATCH = 16384


def setup_inputs(seed: int = 0) -> dict:
    key = jax.random.key(seed)
    k1, k2, k3, k4, k5, k6 = jax.random.split(key, 6)
    user_indices = jax.random.randint(k1, (BATCH,), 0, NUM_USERS, dtype=jnp.int64 if jax.config.jax_enable_x64 else jnp.int32)
    item_indices = jax.random.randint(k2, (BATCH,), 0, NUM_ITEMS, dtype=jnp.int64 if jax.config.jax_enable_x64 else jnp.int32)
    user_table = jax.random.normal(k3, (NUM_USERS, LATENT_DIM), dtype=jnp.float32)
    item_table = jax.random.normal(k4, (NUM_ITEMS, LATENT_DIM), dtype=jnp.float32)
    bound = 1.0 / np.sqrt(LATENT_DIM)
    fc_w = jax.random.uniform(k5, (LATENT_DIM, 1), minval=-bound, maxval=bound, dtype=jnp.float32)
    fc_b = jax.random.uniform(k6, (1,), minval=-bound, maxval=bound, dtype=jnp.float32)
    return {
        "user_indices": user_indices,
        "item_indices": item_indices,
        "user_table": user_table,
        "item_table": item_table,
        "fc_w": fc_w,
        "fc_b": fc_b,
    }


def reference(user_indices, item_indices, user_table, item_table, fc_w, fc_b):
    user_embedding = jnp.take(user_table, user_indices, axis=0)
    item_embedding = jnp.take(item_table, item_indices, axis=0)
    element_product = user_embedding * item_embedding
    score = element_product @ fc_w + fc_b
    return jnp.squeeze(score)

if __name__ == "__main__":
    import jax
    _d = setup_inputs()
    print(jax.jit(kernel)(*tuple(_d.values())))

</pallas_src>

<mosaic_0001>
#map = affine_map<(d0, d1) -> (0)>
#map1 = affine_map<(d0, d1) -> (0, 0)>
module attributes {stable_mosaic.version = 14 : i64} {
  func.func @_sc_kernel(%arg0: i32, %arg1: i32, %arg2: memref<16384xi32, #tpu.memory_space<hbm>>, %arg3: memref<16384xi32, #tpu.memory_space<hbm>>, %arg4: memref<32x1000000xf32, #tpu.memory_space<hbm>>, %arg5: memref<32x1000000xf32, #tpu.memory_space<hbm>>, %arg6: memref<48xf32, #tpu.memory_space<hbm>>, %arg7: memref<16384xf32, #tpu.memory_space<hbm>>, %arg8: memref<528xi32, #tpu.memory_space<vmem>>, %arg9: memref<528xi32, #tpu.memory_space<vmem>>, %arg10: memref<32x256xf32, #tpu.memory_space<vmem>>, %arg11: memref<32x256xf32, #tpu.memory_space<vmem>>, %arg12: memref<32x256xf32, #tpu.memory_space<vmem>>, %arg13: memref<32x256xf32, #tpu.memory_space<vmem>>, %arg14: memref<32x256xf32, #tpu.memory_space<vmem>>, %arg15: memref<32x256xf32, #tpu.memory_space<vmem>>, %arg16: memref<32x256xf32, #tpu.memory_space<vmem>>, %arg17: memref<32x256xf32, #tpu.memory_space<vmem>>, %arg18: memref<48xf32, #tpu.memory_space<vmem>>, %arg19: memref<512xf32, #tpu.memory_space<vmem>>, %arg20: memref<!tpu.dma_semaphore, #tpu.memory_space<semaphore_mem>>, %arg21: memref<!tpu.dma_semaphore, #tpu.memory_space<semaphore_mem>>, %arg22: memref<!tpu.dma_semaphore, #tpu.memory_space<semaphore_mem>>, %arg23: memref<!tpu.dma_semaphore, #tpu.memory_space<semaphore_mem>>, %arg24: memref<!tpu.dma_semaphore, #tpu.memory_space<semaphore_mem>>, %arg25: memref<!tpu.dma_semaphore, #tpu.memory_space<semaphore_mem>>, %arg26: memref<!tpu.dma_semaphore, #tpu.memory_space<semaphore_mem>>, %arg27: memref<!tpu.dma_semaphore, #tpu.memory_space<semaphore_mem>>) attributes {dimension_semantics = [#tpu.dimension_semantics<core_parallel>, #tpu.dimension_semantics<subcore_parallel>], iteration_bounds = array<i64: 2, 16>, scalar_prefetch = 0 : i64, scratch_operands = 20 : i64, tpu.core_type = #tpu.core_type<sc_vector_subcore>, window_params = [{transform_indices = #map}, {transform_indices = #map}, {transform_indices = #map1}, {transform_indices = #map1}, {transform_indices = #map}, {transform_indices = #map}]} {
    %mul3A = arith.constant 2 : i32
    %mul3A_0 = arith.muli %arg1, %mul3A : i32
    %add3A = arith.addi %mul3A_0, %arg0 : i32
    %mul3A_1 = arith.constant 512 : i32
    %mul3A_2 = arith.muli %add3A, %mul3A_1 : i32
    "tpu.region"() ({
      %run_scoped3A = tpu.sem_alloc : memref<!tpu.dma_semaphore, #tpu.memory_space<semaphore_mem>>
      tpu.enqueue_dma source(%arg6 : memref<48xf32, #tpu.memory_space<hbm>>) target(%arg18 : memref<48xf32, #tpu.memory_space<vmem>>) target_semaphore(%run_scoped3A : memref<!tpu.dma_semaphore, #tpu.memory_space<semaphore_mem>>)
      tpu.wait_dma2 semaphore(%run_scoped3A : memref<!tpu.dma_semaphore, #tpu.memory_space<semaphore_mem>>) src(%arg6 : memref<48xf32, #tpu.memory_space<hbm>>) dst(%arg18 : memref<48xf32, #tpu.memory_space<vmem>>)
      tpu.yield
    }) : () -> ()
    "tpu.region"() ({
      %run_scoped3A = tpu.sem_alloc : memref<!tpu.dma_semaphore, #tpu.memory_space<semaphore_mem>>
      %dma_start3A_487 = arith.constant 0 : i32
      %dma_start3A_488 = tpu.memref_slice %arg8[%dma_start3A_487] : memref<528xi32, #tpu.memory_space<vmem>> -> memref<512xi32, #tpu.memory_space<vmem>>
      %dma_start3A_489 = tpu.memref_slice %arg2[%mul3A_2] : memref<16384xi32, #tpu.memory_space<hbm>> -> memref<512xi32, #tpu.memory_space<hbm>>
      %dma_start3A_490 = arith.constant 0 : i32
      %dma_start3A_491 = tpu.memref_slice %arg8[%dma_start3A_490] : memref<528xi32, #tpu.memory_space<vmem>> -> memref<512xi32, #tpu.memory_space<vmem>>
      %dma_start3A_492 = tpu.memref_slice %arg2[%mul3A_2] : memref<16384xi32, #tpu.memory_space<hbm>> -> memref<512xi32, #tpu.memory_space<hbm>>
      tpu.enqueue_dma source(%dma_start3A_492 : memref<512xi32, #tpu.memory_space<hbm>>) target(%dma_start3A_491 : memref<512xi32, #tpu.memory_space<vmem>>) target_semaphore(%run_scoped3A : memref<!tpu.dma_semaphore, #tpu.memory_space<semaphore_mem>>)
      %dma_wait3A = arith.constant 0 : i32
      %dma_wait3A_493 = tpu.memref_slice %arg8[%dma_wait3A] : memref<528xi32, #tpu.memory_space<vmem>> -> memref<512xi32, #tpu.memory_space<vmem>>
      %dma_wait3A_494 = tpu.memref_slice %arg2[%mul3A_2] : memref<16384xi32, #tpu.memory_space<hbm>> -> memref<512xi32, #tpu.memory_space<hbm>>
      %dma_wait3A_495 = arith.constant 0 : i32
      %dma_wait3A_496 = tpu.memref_slice %arg8[%dma_wait3A_495] : memref<528xi32, #tpu.memory_space<vmem>> -> memref<512xi32, #tpu.memory_space<vmem>>
      %dma_wait3A_497 = tpu.memref_slice %arg2[%mul3A_2] : memref<16384xi32, #tpu.memory_space<hbm>> -> memref<512xi32, #tpu.memory_space<hbm>>
      tpu.wait_dma2 semaphore(%run_scoped3A : memref<!tpu.dma_semaphore, #tpu.memory_space<semaphore_mem>>) src(%dma_wait3A_497 : memref<512xi32, #tpu.memory_space<hbm>>) dst(%dma_wait3A_496 : memref<512xi32, #tpu.memory_space<vmem>>)
      tpu.yield
    }) : () -> ()
    "tpu.region"() ({
      %run_scoped3A = tpu.sem_alloc : memref<!tpu.dma_semaphore, #tpu.memory_space<semaphore_mem>>
      %dma_start3A_487 = arith.constant 0 : i32
      %dma_start3A_488 = tpu.memref_slice %arg9[%dma_start3A_487] : memref<528xi32, #tpu.memory_space<vmem>> -> memref<512xi32, #tpu.memory_space<vmem>>
      %dma_start3A_489 = tpu.memref_slice %arg3[%mul3A_2] : memref<16384xi32, #tpu.memory_space<hbm>> -> memref<512xi32, #tpu.memory_space<hbm>>
      %dma_start3A_490 = arith.constant 0 : i32
      %dma_start3A_491 = tpu.memref_slice %arg9[%dma_start3A_490] : memref<528xi32, #tpu.memory_space<vmem>> -> memref<512xi32, #tpu.memory_space<vmem>>
      %dma_start3A_492 = tpu.memref_slice %arg3[%mul3A_2] : memref<16384xi32, #tpu.memory_space<hbm>> -> memref<512xi32, #tpu.memory_space<hbm>>
      tpu.enqueue_dma source(%dma_start3A_492 : memref<512xi32, #tpu.memory_space<hbm>>) target(%dma_start3A_491 : memref<512xi32, #tpu.memory_space<vmem>>) target_semaphore(%run_scoped3A : memref<!tpu.dma_semaphore, #tpu.memory_space<semaphore_mem>>)
      %dma_wait3A = arith.constant 0 : i32
      %dma_wait3A_493 = tpu.memref_slice %arg9[%dma_wait3A] : memref<528xi32, #tpu.memory_space<vmem>> -> memref<512xi32, #tpu.memory_space<vmem>>
      %dma_wait3A_494 = tpu.memref_slice %arg3[%mul3A_2] : memref<16384xi32, #tpu.memory_space<hbm>> -> memref<512xi32, #tpu.memory_space<hbm>>
      %dma_wait3A_495 = arith.constant 0 : i32
      %dma_wait3A_496 = tpu.memref_slice %arg9[%dma_wait3A_495] : memref<528xi32, #tpu.memory_space<vmem>> -> memref<512xi32, #tpu.memory_space<vmem>>
      %dma_wait3A_497 = tpu.memref_slice %arg3[%mul3A_2] : memref<16384xi32, #tpu.memory_space<hbm>> -> memref<512xi32, #tpu.memory_space<hbm>>
      tpu.wait_dma2 semaphore(%run_scoped3A : memref<!tpu.dma_semaphore, #tpu.memory_space<semaphore_mem>>) src(%dma_wait3A_497 : memref<512xi32, #tpu.memory_space<hbm>>) dst(%dma_wait3A_496 : memref<512xi32, #tpu.memory_space<vmem>>)
      tpu.yield
    }) : () -> ()
    %get3A = arith.constant 0 : index
    %get3A_3 = tpu.vector_load %arg18[%get3A] {strides = array<i32>} : memref<48xf32, #tpu.memory_space<vmem>>, vector<16xf32>,
    %get3A_4 = arith.constant 16 : index
    %get3A_5 = tpu.vector_load %arg18[%get3A_4] {strides = array<i32>} : memref<48xf32, #tpu.memory_space<vmem>>, vector<16xf32>,
    %get3A_6 = arith.constant 32 : index
    %get3A_7 = tpu.vector_load %arg18[%get3A_6] {strides = array<i32>} : memref<48xf32, #tpu.memory_space<vmem>>, vector<16xf32>,
    %slice3A = vector.extract_strided_slice %get3A_7 {offsets = [0], sizes = [1], strides = [1]} : vector<16xf32> to vector<1xf32>
    %squeeze3A = vector.extract %slice3A[0] : f32 from vector<1xf32>
    %iota3A = tpu.iota {dimensions = array<i32: 0>} : vector<16xi32>
    %add3A_8 = arith.constant 16 : i32
    %add3A_9 = vector.broadcast %add3A_8 : i32 to vector<16xi32>
    %add3A_10 = arith.addi %iota3A, %add3A_9 : vector<16xi32>
    %get3A_11 = arith.constant 0 : index
    %get3A_12 = tpu.vector_load %arg8[%get3A_11] {strides = array<i32>} : memref<528xi32, #tpu.memory_space<vmem>>, vector<16xi32>,
    %get3A_13 = arith.constant 0 : index
    %get3A_14 = tpu.vector_load %arg9[%get3A_13] {strides = array<i32>} : memref<528xi32, #tpu.memory_space<vmem>>, vector<16xi32>,
    %slice3A_15 = vector.extract_strided_slice %get3A_12 {offsets = [0], sizes = [1], strides = [1]} : vector<16xi32> to vector<1xi32>
    %squeeze3A_16 = vector.extract %slice3A_15[0] : i32 from vector<1xi32>
    %jit3A = arith.constant 128 : i32
    %div3A = arith.divsi %squeeze3A_16, %jit3A : i32
    %sign3A = arith.constant 0 : i32
    %sign3A_17 = arith.cmpi sgt, %squeeze3A_16, %sign3A : i32
    %sign3A_18 = arith.extui %sign3A_17 : i1 to i32
    %sign3A_19 = arith.constant 0 : i32
    %sign3A_20 = arith.cmpi slt, %squeeze3A_16, %sign3A_19 : i32
    %sign3A_21 = arith.extui %sign3A_20 : i1 to i32
    %sign3A_22 = arith.subi %sign3A_18, %sign3A_21 : i32
    %sign3A_23 = arith.constant 0 : i32
    %sign3A_24 = arith.cmpi sgt, %jit3A, %sign3A_23 : i32
    %sign3A_25 = arith.extui %sign3A_24 : i1 to i32
    %sign3A_26 = arith.constant 0 : i32
    %sign3A_27 = arith.cmpi slt, %jit3A, %sign3A_26 : i32
    %sign3A_28 = arith.extui %sign3A_27 : i1 to i32
    %sign3A_29 = arith.subi %sign3A_25, %sign3A_28 : i32
    %ne3A = arith.cmpi ne, %sign3A_22, %sign3A_29 : i32
    %rem3A = arith.remsi %squeeze3A_16, %jit3A : i32
    %ne3A_30 = arith.constant 0 : i32
    %ne3A_31 = arith.cmpi ne, %rem3A, %ne3A_30 : i32
    %and3A = arith.andi %ne3A, %ne3A_31 : i1
    %sub3A = arith.constant 1 : i32
    %sub3A_32 = arith.subi %div3A, %sub3A : i32
    %select_n3A = arith.select %and3A, %sub3A_32, %div3A : i32
    %mul3A_33 = arith.constant 128 : i32
    %mul3A_34 = arith.muli %select_n3A, %mul3A_33 : i32
    %multiple_of3A = tpu.assume_multiple %mul3A_34, 128 : i32
    %slice3A_35 = vector.extract_strided_slice %get3A_14 {offsets = [0], sizes = [1], strides = [1]} : vector<16xi32> to vector<1xi32>
    %squeeze3A_36 = vector.extract %slice3A_35[0] : i32 from vector<1xi32>
    %jit3A_37 = arith.constant 128 : i32
    %div3A_38 = arith.divsi %squeeze3A_36, %jit3A_37 : i32
    %sign3A_39 = arith.constant 0 : i32
    %sign3A_40 = arith.cmpi sgt, %squeeze3A_36, %sign3A_39 : i32
    %sign3A_41 = arith.extui %sign3A_40 : i1 to i32
    %sign3A_42 = arith.constant 0 : i32
    %sign3A_43 = arith.cmpi slt, %squeeze3A_36, %sign3A_42 : i32
    %sign3A_44 = arith.extui %sign3A_43 : i1 to i32
    %sign3A_45 = arith.subi %sign3A_41, %sign3A_44 : i32
    %sign3A_46 = arith.constant 0 : i32
    %sign3A_47 = arith.cmpi sgt, %jit3A_37, %sign3A_46 : i32
    %sign3A_48 = arith.extui %sign3A_47 : i1 to i32
    %sign3A_49 = arith.constant 0 : i32
    %sign3A_50 = arith.cmpi slt, %jit3A_37, %sign3A_49 : i32
    %sign3A_51 = arith.extui %sign3A_50 : i1 to i32
    %sign3A_52 = arith.subi %sign3A_48, %sign3A_51 : i32
    %ne3A_53 = arith.cmpi ne, %sign3A_45, %sign3A_52 : i32
    %rem3A_54 = arith.remsi %squeeze3A_36, %jit3A_37 : i32
    %ne3A_55 = arith.constant 0 : i32
    %ne3A_56 = arith.cmpi ne, %rem3A_54, %ne3A_55 : i32
    %and3A_57 = arith.andi %ne3A_53, %ne3A_56 : i1
    %sub3A_58 = arith.constant 1 : i32
    %sub3A_59 = arith.subi %div3A_38, %sub3A_58 : i32
    %select_n3A_60 = arith.select %and3A_57, %sub3A_59, %div3A_38 : i32
    %mul3A_61 = arith.constant 128 : i32
    %mul3A_62 = arith.muli %select_n3A_60, %mul3A_61 : i32
    %multiple_of3A_63 = tpu.assume_multiple %mul3A_62, 128 : i32
    %dma_start3A = arith.constant 0 : i32
    %dma_start3A_64 = arith.constant 0 : i32
    %dma_start3A_65 = tpu.memref_slice %arg10[%dma_start3A, %dma_start3A_64] : memref<32x256xf32, #tpu.memory_space<vmem>> -> memref<32x128xf32, #tpu.memory_space<vmem>>
    %dma_start3A_66 = arith.constant 0 : i32
    %dma_start3A_67 = tpu.memref_slice %arg4[%dma_start3A_66, %multiple_of3A] : memref<32x1000000xf32, #tpu.memory_space<hbm>> -> memref<32x128xf32, #tpu.memory_space<hbm>>
    %dma_start3A_68 = arith.constant 0 : i32
    %dma_start3A_69 = arith.constant 0 : i32
    %dma_start3A_70 = tpu.memref_slice %arg10[%dma_start3A_68, %dma_start3A_69] : memref<32x256xf32, #tpu.memory_space<vmem>> -> memref<32x128xf32, #tpu.memory_space<vmem>>
    %dma_start3A_71 = arith.constant 0 : i32
    %dma_start3A_72 = tpu.memref_slice %arg4[%dma_start3A_71, %multiple_of3A] : memref<32x1000000xf32, #tpu.memory_space<hbm>> -> memref<32x128xf32, #tpu.memory_space<hbm>>
    tpu.enqueue_dma source(%dma_start3A_72 : memref<32x128xf32, #tpu.memory_space<hbm>>) target(%dma_start3A_70 : memref<32x128xf32, #tpu.memory_space<vmem>>) target_semaphore(%arg20 : memref<!tpu.dma_semaphore, #tpu.memory_space<semaphore_mem>>)
    %dma_start3A_73 = arith.constant 0 : i32
    %dma_start3A_74 = arith.constant 0 : i32
    %dma_start3A_75 = tpu.memref_slice %arg14[%dma_start3A_73, %dma_start3A_74] : memref<32x256xf32, #tpu.memory_space<vmem>> -> memref<32x128xf32, #tpu.memory_space<vmem>>
    %dma_start3A_76 = arith.constant 0 : i32
    %dma_start3A_77 = tpu.memref_slice %arg5[%dma_start3A_76, %multiple_of3A_63] : memref<32x1000000xf32, #tpu.memory_space<hbm>> -> memref<32x128xf32, #tpu.memory_space<hbm>>
    %dma_start3A_78 = arith.constant 0 : i32
    %dma_start3A_79 = arith.constant 0 : i32
    %dma_start3A_80 = tpu.memref_slice %arg14[%dma_start3A_78, %dma_start3A_79] : memref<32x256xf32, #tpu.memory_space<vmem>> -> memref<32x128xf32, #tpu.memory_space<vmem>>
    %dma_start3A_81 = arith.constant 0 : i32
    %dma_start3A_82 = tpu.memref_slice %arg5[%dma_start3A_81, %multiple_of3A_63] : memref<32x1000000xf32, #tpu.memory_space<hbm>> -> memref<32x128xf32, #tpu.memory_space<hbm>>
    tpu.enqueue_dma source(%dma_start3A_82 : memref<32x128xf32, #tpu.memory_space<hbm>>) target(%dma_start3A_80 : memref<32x128xf32, #tpu.memory_space<vmem>>) target_semaphore(%arg24 : memref<!tpu.dma_semaphore, #tpu.memory_space<semaphore_mem>>)
    %slice3A_83 = vector.extract_strided_slice %get3A_12 {offsets = [1], sizes = [1], strides = [1]} : vector<16xi32> to vector<1xi32>
    %squeeze3A_84 = vector.extract %slice3A_83[0] : i32 from vector<1xi32>
    %jit3A_85 = arith.constant 128 : i32
    %div3A_86 = arith.divsi %squeeze3A_84, %jit3A_85 : i32
    %sign3A_87 = arith.constant 0 : i32
    %sign3A_88 = arith.cmpi sgt, %squeeze3A_84, %sign3A_87 : i32
    %sign3A_89 = arith.extui %sign3A_88 : i1 to i32
    %sign3A_90 = arith.constant 0 : i32
    %sign3A_91 = arith.cmpi slt, %squeeze3A_84, %sign3A_90 : i32
    %sign3A_92 = arith.extui %sign3A_91 : i1 to i32
    %sign3A_93 = arith.subi %sign3A_89, %sign3A_92 : i32
    %sign3A_94 = arith.constant 0 : i32
    %sign3A_95 = arith.cmpi sgt, %jit3A_85, %sign3A_94 : i32
    %sign3A_96 = arith.extui %sign3A_95 : i1 to i32
    %sign3A_97 = arith.constant 0 : i32
    %sign3A_98 = arith.cmpi slt, %jit3A_85, %sign3A_97 : i32
    %sign3A_99 = arith.extui %sign3A_98 : i1 to i32
    %sign3A_100 = arith.subi %sign3A_96, %sign3A_99 : i32
    %ne3A_101 = arith.cmpi ne, %sign3A_93, %sign3A_100 : i32
    %rem3A_102 = arith.remsi %squeeze3A_84, %jit3A_85 : i32
    %ne3A_103 = arith.constant 0 : i32
    %ne3A_104 = arith.cmpi ne, %rem3A_102, %ne3A_103 : i32
    %and3A_105 = arith.andi %ne3A_101, %ne3A_104 : i1
    %sub3A_106 = arith.constant 1 : i32
    %sub3A_107 = arith.subi %div3A_86, %sub3A_106 : i32
    %select_n3A_108 = arith.select %and3A_105, %sub3A_107, %div3A_86 : i32
    %mul3A_109 = arith.constant 128 : i32
    %mul3A_110 = arith.muli %select_n3A_108, %mul3A_109 : i32
    %multiple_of3A_111 = tpu.assume_multiple %mul3A_110, 128 : i32
    %slice3A_112 = vector.extract_strided_slice %get3A_14 {offsets = [1], sizes = [1], strides = [1]} : vector<16xi32> to vector<1xi32>
    %squeeze3A_113 = vector.extract %slice3A_112[0] : i32 from vector<1xi32>
    %jit3A_114 = arith.constant 128 : i32
    %div3A_115 = arith.divsi %squeeze3A_113, %jit3A_114 : i32
    %sign3A_116 = arith.constant 0 : i32
    %sign3A_117 = arith.cmpi sgt, %squeeze3A_113, %sign3A_116 : i32
    %sign3A_118 = arith.extui %sign3A_117 : i1 to i32
    %sign3A_119 = arith.constant 0 : i32
    %sign3A_120 = arith.cmpi slt, %squeeze3A_113, %sign3A_119 : i32
    %sign3A_121 = arith.extui %sign3A_120 : i1 to i32
    %sign3A_122 = arith.subi %sign3A_118, %sign3A_121 : i32
    %sign3A_123 = arith.constant 0 : i32
    %sign3A_124 = arith.cmpi sgt, %jit3A_114, %sign3A_123 : i32
    %sign3A_125 = arith.extui %sign3A_124 : i1 to i32
    %sign3A_126 = arith.constant 0 : i32
    %sign3A_127 = arith.cmpi slt, %jit3A_114, %sign3A_126 : i32
    %sign3A_128 = arith.extui %sign3A_127 : i1 to i32
    %sign3A_129 = arith.subi %sign3A_125, %sign3A_128 : i32
    %ne3A_130 = arith.cmpi ne, %sign3A_122, %sign3A_129 : i32
    %rem3A_131 = arith.remsi %squeeze3A_113, %jit3A_114 : i32
    %ne3A_132 = arith.constant 0 : i32
    %ne3A_133 = arith.cmpi ne, %rem3A_131, %ne3A_132 : i32
    %and3A_134 = arith.andi %ne3A_130, %ne3A_133 : i1
    %sub3A_135 = arith.constant 1 : i32
    %sub3A_136 = arith.subi %div3A_115, %sub3A_135 : i32
    %select_n3A_137 = arith.select %and3A_134, %sub3A_136, %div3A_115 : i32
    %mul3A_138 = arith.constant 128 : i32
    %mul3A_139 = arith.muli %select_n3A_137, %mul3A_138 : i32
    %multiple_of3A_140 = tpu.assume_multiple %mul3A_139, 128 : i32
    %dma_start3A_141 = arith.constant 0 : i32
    %dma_start3A_142 = arith.constant 128 : i32
    %dma_start3A_143 = tpu.memref_slice %arg10[%dma_start3A_141, %dma_start3A_142] : memref<32x256xf32, #tpu.memory_space<vmem>> -> memref<32x128xf32, #tpu.memory_space<vmem>>
    %dma_start3A_144 = arith.constant 0 : i32
    %dma_start3A_145 = tpu.memref_slice %arg4[%dma_start3A_144, %multiple_of3A_111] : memref<32x1000000xf32, #tpu.memory_space<hbm>> -> memref<32x128xf32, #tpu.memory_space<hbm>>
    %dma_start3A_146 = arith.constant 0 : i32
    %dma_start3A_147 = arith.constant 128 : i32
    %dma_start3A_148 = tpu.memref_slice %arg10[%dma_start3A_146, %dma_start3A_147] : memref<32x256xf32, #tpu.memory_space<vmem>> -> memref<32x128xf32, #tpu.memory_space<vmem>>
    %dma_start3A_149 = arith.constant 0 : i32
    %dma_start3A_150 = tpu.memref_slice %arg4[%dma_start3A_149, %multiple_of3A_111] : memref<32x1000000xf32, #tpu.memory_space<hbm>> -> memref<32x128xf32, #tpu.memory_space<hbm>>
    tpu.enqueue_dma source(%dma_start3A_150 : memref<32x128xf32, #tpu.memory_space<hbm>>) target(%dma_start3A_148 : memref<32x128xf32, #tpu.memory_space<vmem>>) target_semaphore(%arg20 : memref<!tpu.dma_semaphore, #tpu.memory_space<semaphore_mem>>)
    %dma_start3A_151 = arith.constant 0 : i32
    %dma_start3A_152 = arith.constant 128 : i32
    %dma_start3A_153 = tpu.memref_slice %arg14[%dma_start3A_151, %dma_start3A_152] : memref<32x256xf32, #tpu.memory_space<vmem>> -> memref<32x128xf32, #tpu.memory_space<vmem>>
    %dma_start3A_154 = arith.constant 0 : i32
    %dma_start3A_155 = tpu.memref_slice %arg5[%dma_start3A_154, %multiple_of3A_140] : memref<32x1000000xf32, #tpu.memory_space<hbm>> -> memref<32x128xf32, #tpu.memory_space<hbm>>
    %dma_start3A_156 = arith.constant 0 : i32
    %dma_start3A_157 = arith.constant 128 : i32
    %dma_start3A_158 = tpu.memref_slice %arg14[%dma_start3A_156, %dma_start3A_157] : memref<32x256xf32, #tpu.memory_space<vmem>> -> memref<32x128xf32, #tpu.memory_space<vmem>>
    %dma_start3A_159 = arith.constant 0 : i32
    %dma_start3A_160 = tpu.memref_slice %arg5[%dma_start3A_159, %multiple_of3A_140] : memref<32x1000000xf32, #tpu.memory_space<hbm>> -> memref<32x128xf32, #tpu.memory_space<hbm>>
    tpu.enqueue_dma source(%dma_start3A_160 : memref<32x128xf32, #tpu.memory_space<hbm>>) target(%dma_start3A_158 : memref<32x128xf32, #tpu.memory_space<vmem>>) target_semaphore(%arg24 : memref<!tpu.dma_semaphore, #tpu.memory_space<semaphore_mem>>)
    %get3A_161 = arith.constant 2 : index
    %get3A_162 = tpu.vector_load %arg8[%get3A_161] {strides = array<i32>} : memref<528xi32, #tpu.memory_space<vmem>>, vector<16xi32>,
    %get3A_163 = arith.constant 2 : index
    %get3A_164 = tpu.vector_load %arg9[%get3A_163] {strides = array<i32>} : memref<528xi32, #tpu.memory_space<vmem>>, vector<16xi32>,
    %slice3A_165 = vector.extract_strided_slice %get3A_162 {offsets = [0], sizes = [1], strides = [1]} : vector<16xi32> to vector<1xi32>
    %squeeze3A_166 = vector.extract %slice3A_165[0] : i32 from vector<1xi32>
    %jit3A_167 = arith.constant 128 : i32
    %div3A_168 = arith.divsi %squeeze3A_166, %jit3A_167 : i32
    %sign3A_169 = arith.constant 0 : i32
    %sign3A_170 = arith.cmpi sgt, %squeeze3A_166, %sign3A_169 : i32
    %sign3A_171 = arith.extui %sign3A_170 : i1 to i32
    %sign3A_172 = arith.constant 0 : i32
    %sign3A_173 = arith.cmpi slt, %squeeze3A_166, %sign3A_172 : i32
    %sign3A_174 = arith.extui %sign3A_173 : i1 to i32
    %sign3A_175 = arith.subi %sign3A_171, %sign3A_174 : i32
    %sign3A_176 = arith.constant 0 : i32
    %sign3A_177 = arith.cmpi sgt, %jit3A_167, %sign3A_176 : i32
    %sign3A_178 = arith.extui %sign3A_177 : i1 to i32
    %sign3A_179 = arith.constant 0 : i32
    %sign3A_180 = arith.cmpi slt, %jit3A_167, %sign3A_179 : i32
    %sign3A_181 = arith.extui %sign3A_180 : i1 to i32
    %sign3A_182 = arith.subi %sign3A_178, %sign3A_181 : i32
    %ne3A_183 = arith.cmpi ne, %sign3A_175, %sign3A_182 : i32
    %rem3A_184 = arith.remsi %squeeze3A_166, %jit3A_167 : i32
    %ne3A_185 = arith.constant 0 : i32
    %ne3A_186 = arith.cmpi ne, %rem3A_184, %ne3A_185 : i32
    %and3A_187 = arith.andi %ne3A_183, %ne3A_186 : i1
    %sub3A_188 = arith.constant 1 : i32
    %sub3A_189 = arith.subi %div3A_168, %sub3A_188 : i32
    %select_n3A_190 = arith.select %and3A_187, %sub3A_189, %div3A_168 : i32
    %mul3A_191 = arith.constant 128 : i32
    %mul3A_192 = arith.muli %select_n3A_190, %mul3A_191 : i32
    %multiple_of3A_193 = tpu.assume_multiple %mul3A_192, 128 : i32
    %slice3A_194 = vector.extract_strided_slice %get3A_164 {offsets = [0], sizes = [1], strides = [1]} : vector<16xi32> to vector<1xi32>
    %squeeze3A_195 = vector.extract %slice3A_194[0] : i32 from vector<1xi32>
    %jit3A_196 = arith.constant 128 : i32
    %div3A_197 = arith.divsi %squeeze3A_195, %jit3A_196 : i32
    %sign3A_198 = arith.constant 0 : i32
    %sign3A_199 = arith.cmpi sgt, %squeeze3A_195, %sign3A_198 : i32
    %sign3A_200 = arith.extui %sign3A_199 : i1 to i32
    %sign3A_201 = arith.constant 0 : i32
    %sign3A_202 = arith.cmpi slt, %squeeze3A_195, %sign3A_201 : i32
    %sign3A_203 = arith.extui %sign3A_202 : i1 to i32
    %sign3A_204 = arith.subi %sign3A_200, %sign3A_203 : i32
    %sign3A_205 = arith.constant 0 : i32
    %sign3A_206 = arith.cmpi sgt, %jit3A_196, %sign3A_205 : i32
    %sign3A_207 = arith.extui %sign3A_206 : i1 to i32
    %sign3A_208 = arith.constant 0 : i32
    %sign3A_209 = arith.cmpi slt, %jit3A_196, %sign3A_208 : i32
    %sign3A_210 = arith.extui %sign3A_209 : i1 to i32
    %sign3A_211 = arith.subi %sign3A_207, %sign3A_210 : i32
    %ne3A_212 = arith.cmpi ne, %sign3A_204, %sign3A_211 : i32
    %rem3A_213 = arith.remsi %squeeze3A_195, %jit3A_196 : i32
    %ne3A_214 = arith.constant 0 : i32
    %ne3A_215 = arith.cmpi ne, %rem3A_213, %ne3A_214 : i32
    %and3A_216 = arith.andi %ne3A_212, %ne3A_215 : i1
    %sub3A_217 = arith.constant 1 : i32
    %sub3A_218 = arith.subi %div3A_197, %sub3A_217 : i32
    %select_n3A_219 = arith.select %and3A_216, %sub3A_218, %div3A_197 : i32
    %mul3A_220 = arith.constant 128 : i32
    %mul3A_221 = arith.muli %select_n3A_219, %mul3A_220 : i32
    %multiple_of3A_222 = tpu.assume_multiple %mul3A_221, 128 : i32
    %dma_start3A_223 = arith.constant 0 : i32
    %dma_start3A_224 = arith.constant 0 : i32
    %dma_start3A_225 = tpu.memref_slice %arg11[%dma_start3A_223, %dma_start3A_224] : memref<32x256xf32, #tpu.memory_space<vmem>> -> memref<32x128xf32, #tpu.memory_space<vmem>>
    %dma_start3A_226 = arith.constant 0 : i32
    %dma_start3A_227 = tpu.memref_slice %arg4[%dma_start3A_226, %multiple_of3A_193] : memref<32x1000000xf32, #tpu.memory_space<hbm>> -> memref<32x128xf32, #tpu.memory_space<hbm>>
    %dma_start3A_228 = arith.constant 0 : i32
    %dma_start3A_229 = arith.constant 0 : i32
    %dma_start3A_230 = tpu.memref_slice %arg11[%dma_start3A_228, %dma_start3A_229] : memref<32x256xf32, #tpu.memory_space<vmem>> -> memref<32x128xf32, #tpu.memory_space<vmem>>
    %dma_start3A_231 = arith.constant 0 : i32
    %dma_start3A_232 = tpu.memref_slice %arg4[%dma_start3A_231, %multiple_of3A_193] : memref<32x1000000xf32, #tpu.memory_space<hbm>> -> memref<32x128xf32, #tpu.memory_space<hbm>>
    tpu.enqueue_dma source(%dma_start3A_232 : memref<32x128xf32, #tpu.memory_space<hbm>>) target(%dma_start3A_230 : memref<32x128xf32, #tpu.memory_space<vmem>>) target_semaphore(%arg21 : memref<!tpu.dma_semaphore, #tpu.memory_space<semaphore_mem>>)
    %dma_start3A_233 = arith.constant 0 : i32
    %dma_start3A_234 = arith.constant 0 : i32
    %dma_start3A_235 = tpu.memref_slice %arg15[%dma_start3A_233, %dma_start3A_234] : memref<32x256xf32, #tpu.memory_space<vmem>> -> memref<32x128xf32, #tpu.memory_space<vmem>>
    %dma_start3A_236 = arith.constant 0 : i32
    %dma_start3A_237 = tpu.memref_slice %arg5[%dma_start3A_236, %multiple_of3A_222] : memref<32x1000000xf32, #tpu.memory_space<hbm>> -> memref<32x128xf32, #tpu.memory_space<hbm>>
    %dma_start3A_238 = arith.constant 0 : i32
    %dma_start3A_239 = arith.constant 0 : i32
    %dma_start3A_240 = tpu.memref_slice %arg15[%dma_start3A_238, %dma_start3A_239] : memref<32x256xf32, #tpu.memory_space<vmem>> -> memref<32x128xf32, #tpu.memory_space<vmem>>
    %dma_start3A_241 = arith.constant 0 : i32
    %dma_start3A_242 = tpu.memref_slice %arg5[%dma_start3A_241, %multiple_of3A_222] : memref<32x1000000xf32, #tpu.memory_space<hbm>> -> memref<32x128xf32, #tpu.memory_space<hbm>>
    tpu.enqueue_dma source(%dma_start3A_242 : memref<32x128xf32, #tpu.memory_space<hbm>>) target(%dma_start3A_240 : memref<32x128xf32, #tpu.memory_space<vmem>>) target_semaphore(%arg25 : memref<!tpu.dma_semaphore, #tpu.memory_space<semaphore_mem>>)
    %slice3A_243 = vector.extract_strided_slice %get3A_162 {offsets = [1], sizes = [1], strides = [1]} : vector<16xi32> to vector<1xi32>
    %squeeze3A_244 = vector.extract %slice3A_243[0] : i32 from vector<1xi32>
    %jit3A_245 = arith.constant 128 : i32
    %div3A_246 = arith.divsi %squeeze3A_244, %jit3A_245 : i32
    %sign3A_247 = arith.constant 0 : i32
    %sign3A_248 = arith.cmpi sgt, %squeeze3A_244, %sign3A_247 : i32
    %sign3A_249 = arith.extui %sign3A_248 : i1 to i32
    %sign3A_250 = arith.constant 0 : i32
    %sign3A_251 = arith.cmpi slt, %squeeze3A_244, %sign3A_250 : i32
    %sign3A_252 = arith.extui %sign3A_251 : i1 to i32
    %sign3A_253 = arith.subi %sign3A_249, %sign3A_252 : i32
    %sign3A_254 = arith.constant 0 : i32
    %sign3A_255 = arith.cmpi sgt, %jit3A_245, %sign3A_254 : i32
    %sign3A_256 = arith.extui %sign3A_255 : i1 to i32
    %sign3A_257 = arith.constant 0 : i32
    %sign3A_258 = arith.cmpi slt, %jit3A_245, %sign3A_257 : i32
    %sign3A_259 = arith.extui %sign3A_258 : i1 to i32
    %sign3A_260 = arith.subi %sign3A_256, %sign3A_259 : i32
    %ne3A_261 = arith.cmpi ne, %sign3A_253, %sign3A_260 : i32
    %rem3A_262 = arith.remsi %squeeze3A_244, %jit3A_245 : i32
    %ne3A_263 = arith.constant 0 : i32
    %ne3A_264 = arith.cmpi ne, %rem3A_262, %ne3A_263 : i32
    %and3A_265 = arith.andi %ne3A_261, %ne3A_264 : i1
    %sub3A_266 = arith.constant 1 : i32
    %sub3A_267 = arith.subi %div3A_246, %sub3A_266 : i32
    %select_n3A_268 = arith.select %and3A_265, %sub3A_267, %div3A_246 : i32
    %mul3A_269 = arith.constant 128 : i32
    %mul3A_270 = arith.muli %select_n3A_268, %mul3A_269 : i32
    %multiple_of3A_271 = tpu.assume_multiple %mul3A_270, 128 : i32
    %slice3A_272 = vector.extract_strided_slice %get3A_164 {offsets = [1], sizes = [1], strides = [1]} : vector<16xi32> to vector<1xi32>
    %squeeze3A_273 = vector.extract %slice3A_272[0] : i32 from vector<1xi32>
    %jit3A_274 = arith.constant 128 : i32
    %div3A_275 = arith.divsi %squeeze3A_273, %jit3A_274 : i32
    %sign3A_276 = arith.constant 0 : i32
    %sign3A_277 = arith.cmpi sgt, %squeeze3A_273, %sign3A_276 : i32
    %sign3A_278 = arith.extui %sign3A_277 : i1 to i32
    %sign3A_279 = arith.constant 0 : i32
    %sign3A_280 = arith.cmpi slt, %squeeze3A_273, %sign3A_279 : i32
    %sign3A_281 = arith.extui %sign3A_280 : i1 to i32
    %sign3A_282 = arith.subi %sign3A_278, %sign3A_281 : i32
    %sign3A_283 = arith.constant 0 : i32
    %sign3A_284 = arith.cmpi sgt, %jit3A_274, %sign3A_283 : i32
    %sign3A_285 = arith.extui %sign3A_284 : i1 to i32
    %sign3A_286 = arith.constant 0 : i32
    %sign3A_287 = arith.cmpi slt, %jit3A_274, %sign3A_286 : i32
    %sign3A_288 = arith.extui %sign3A_287 : i1 to i32
    %sign3A_289 = arith.subi %sign3A_285, %sign3A_288 : i32
    %ne3A_290 = arith.cmpi ne, %sign3A_282, %sign3A_289 : i32
    %rem3A_291 = arith.remsi %squeeze3A_273, %jit3A_274 : i32
    %ne3A_292 = arith.constant 0 : i32
    %ne3A_293 = arith.cmpi ne, %rem3A_291, %ne3A_292 : i32
    %and3A_294 = arith.andi %ne3A_290, %ne3A_293 : i1
    %sub3A_295 = arith.constant 1 : i32
    %sub3A_296 = arith.subi %div3A_275, %sub3A_295 : i32
    %select_n3A_297 = arith.select %and3A_294, %sub3A_296, %div3A_275 : i32
    %mul3A_298 = arith.constant 128 : i32
    %mul3A_299 = arith.muli %select_n3A_297, %mul3A_298 : i32
    %multiple_of3A_300 = tpu.assume_multiple %mul3A_299, 128 : i32
    %dma_start3A_301 = arith.constant 0 : i32
    %dma_start3A_302 = arith.constant 128 : i32
    %dma_start3A_303 = tpu.memref_slice %arg11[%dma_start3A_301, %dma_start3A_302] : memref<32x256xf32, #tpu.memory_space<vmem>> -> memref<32x128xf32, #tpu.memory_space<vmem>>
    %dma_start3A_304 = arith.constant 0 : i32
    %dma_start3A_305 = tpu.memref_slice %arg4[%dma_start3A_304, %multiple_of3A_271] : memref<32x1000000xf32, #tpu.memory_space<hbm>> -> memref<32x128xf32, #tpu.memory_space<hbm>>
    %dma_start3A_306 = arith.constant 0 : i32
    %dma_start3A_307 = arith.constant 128 : i32
    %dma_start3A_308 = tpu.memref_slice %arg11[%dma_start3A_306, %dma_start3A_307] : memref<32x256xf32, #tpu.memory_space<vmem>> -> memref<32x128xf32, #tpu.memory_space<vmem>>
    %dma_start3A_309 = arith.constant 0 : i32
    %dma_start3A_310 = tpu.memref_slice %arg4[%dma_start3A_309, %multiple_of3A_271] : memref<32x1000000xf32, #tpu.memory_space<hbm>> -> memref<32x128xf32, #tpu.memory_space<hbm>>
    tpu.enqueue_dma source(%dma_start3A_310 : memref<32x128xf32, #tpu.memory_space<hbm>>) target(%dma_start3A_308 : memref<32x128xf32, #tpu.memory_space<vmem>>) target_semaphore(%arg21 : memref<!tpu.dma_semaphore, #tpu.memory_space<semaphore_mem>>)
    %dma_start3A_311 = arith.constant 0 : i32
    %dma_start3A_312 = arith.constant 128 : i32
    %dma_start3A_313 = tpu.memref_slice %arg15[%dma_start3A_311, %dma_start3A_312] : memref<32x256xf32, #tpu.memory_space<vmem>> -> memref<32x128xf32, #tpu.memory_space<vmem>>
    %dma_start3A_314 = arith.constant 0 : i32
    %dma_start3A_315 = tpu.memref_slice %arg5[%dma_start3A_314, %multiple_of3A_300] : memref<32x1000000xf32, #tpu.memory_space<hbm>> -> memref<32x128xf32, #tpu.memory_space<hbm>>
    %dma_start3A_316 = arith.constant 0 : i32
    %dma_start3A_317 = arith.constant 128 : i32
    %dma_start3A_318 = tpu.memref_slice %arg15[%dma_start3A_316, %dma_start3A_317] : memref<32x256xf32, #tpu.memory_space<vmem>> -> memref<32x128xf32, #tpu.memory_space<vmem>>
    %dma_start3A_319 = arith.constant 0 : i32
    %dma_start3A_320 = tpu.memref_slice %arg5[%dma_start3A_319, %multiple_of3A_300] : memref<32x1000000xf32, #tpu.memory_space<hbm>> -> memref<32x128xf32, #tpu.memory_space<hbm>>
    tpu.enqueue_dma source(%dma_start3A_320 : memref<32x128xf32, #tpu.memory_space<hbm>>) target(%dma_start3A_318 : memref<32x128xf32, #tpu.memory_space<vmem>>) target_semaphore(%arg25 : memref<!tpu.dma_semaphore, #tpu.memory_space<semaphore_mem>>)
    %get3A_321 = arith.constant 4 : index
    %get3A_322 = tpu.vector_load %arg8[%get3A_321] {strides = array<i32>} : memref<528xi32, #tpu.memory_space<vmem>>, vector<16xi32>,
    %get3A_323 = arith.constant 4 : index
    %get3A_324 = tpu.vector_load %arg9[%get3A_323] {strides = array<i32>} : memref<528xi32, #tpu.memory_space<vmem>>, vector<16xi32>,
    %slice3A_325 = vector.extract_strided_slice %get3A_322 {offsets = [0], sizes = [1], strides = [1]} : vector<16xi32> to vector<1xi32>
    %squeeze3A_326 = vector.extract %slice3A_325[0] : i32 from vector<1xi32>
    %jit3A_327 = arith.constant 128 : i32
    %div3A_328 = arith.divsi %squeeze3A_326, %jit3A_327 : i32
    %sign3A_329 = arith.constant 0 : i32
    %sign3A_330 = arith.cmpi sgt, %squeeze3A_326, %sign3A_329 : i32
    %sign3A_331 = arith.extui %sign3A_330 : i1 to i32
    %sign3A_332 = arith.constant 0 : i32
    %sign3A_333 = arith.cmpi slt, %squeeze3A_326, %sign3A_332 : i32
    %sign3A_334 = arith.extui %sign3A_333 : i1 to i32
    %sign3A_335 = arith.subi %sign3A_331, %sign3A_334 : i32
    %sign3A_336 = arith.constant 0 : i32
    %sign3A_337 = arith.cmpi sgt, %jit3A_327, %sign3A_336 : i32
    %sign3A_338 = arith.extui %sign3A_337 : i1 to i32
    %sign3A_339 = arith.constant 0 : i32
    %sign3A_340 = arith.cmpi slt, %jit3A_327, %sign3A_339 : i32
    %sign3A_341 = arith.extui %sign3A_340 : i1 to i32
    %sign3A_342 = arith.subi %sign3A_338, %sign3A_341 : i32
    %ne3A_343 = arith.cmpi ne, %sign3A_335, %sign3A_342 : i32
    %rem3A_344 = arith.remsi %squeeze3A_326, %jit3A_327 : i32
    %ne3A_345 = arith.constant 0 : i32
    %ne3A_346 = arith.cmpi ne, %rem3A_344, %ne3A_345 : i32
    %and3A_347 = arith.andi %ne3A_343, %ne3A_346 : i1
    %sub3A_348 = arith.constant 1 : i32
    %sub3A_349 = arith.subi %div3A_328, %sub3A_348 : i32
    %select_n3A_350 = arith.select %and3A_347, %sub3A_349, %div3A_328 : i32
    %mul3A_351 = arith.constant 128 : i32
    %mul3A_352 = arith.muli %select_n3A_350, %mul3A_351 : i32
    %multiple_of3A_353 = tpu.assume_multiple %mul3A_352, 128 : i32
    %slice3A_354 = vector.extract_strided_slice %get3A_324 {offsets = [0], sizes = [1], strides = [1]} : vector<16xi32> to vector<1xi32>
    %squeeze3A_355 = vector.extract %slice3A_354[0] : i32 from vector<1xi32>
    %jit3A_356 = arith.constant 128 : i32
    %div3A_357 = arith.divsi %squeeze3A_355, %jit3A_356 : i32
    %sign3A_358 = arith.constant 0 : i32
    %sign3A_359 = arith.cmpi sgt, %squeeze3A_355, %sign3A_358 : i32
    %sign3A_360 = arith.extui %sign3A_359 : i1 to i32
    %sign3A_361 = arith.constant 0 : i32
    %sign3A_362 = arith.cmpi slt, %squeeze3A_355, %sign3A_361 : i32
    %sign3A_363 = arith.extui %sign3A_362 : i1 to i32
    %sign3A_364 = arith.subi %sign3A_360, %sign3A_363 : i32
    %sign3A_365 = arith.constant 0 : i32
    %sign3A_366 = arith.cmpi sgt, %jit3A_356, %sign3A_365 : i32
    %sign3A_367 = arith.extui %sign3A_366 : i1 to i32
    %sign3A_368 = arith.constant 0 : i32
    %sign3A_369 = arith.cmpi slt, %jit3A_356, %sign3A_368 : i32
    %sign3A_370 = arith.extui %sign3A_369 : i1 to i32
    %sign3A_371 = arith.subi %sign3A_367, %sign3A_370 : i32
    %ne3A_372 = arith.cmpi ne, %sign3A_364, %sign3A_371 : i32
    %rem3A_373 = arith.remsi %squeeze3A_355, %jit3A_356 : i32
    %ne3A_374 = arith.constant 0 : i32
    %ne3A_375 = arith.cmpi ne, %rem3A_373, %ne3A_374 : i32
    %and3A_376 = arith.andi %ne3A_372, %ne3A_375 : i1
    %sub3A_377 = arith.constant 1 : i32
    %sub3A_378 = arith.subi %div3A_357, %sub3A_377 : i32
    %select_n3A_379 = arith.select %and3A_376, %sub3A_378, %div3A_357 : i32
    %mul3A_380 = arith.constant 128 : i32
    %mul3A_381 = arith.muli %select_n3A_379, %mul3A_380 : i32
    %multiple_of3A_382 = tpu.assume_multiple %mul3A_381, 128 : i32
    %dma_start3A_383 = arith.constant 0 : i32
    %dma_start3A_384 = arith.constant 0 : i32
    %dma_start3A_385 = tpu.memref_slice %arg12[%dma_start3A_383, %dma_start3A_384] : memref<32x256xf32, #tpu.memory_space<vmem>> -> memref<32x128xf32, #tpu.memory_space<vmem>>
    %dma_start3A_386 = arith.constant 0 : i32
    %dma_start3A_387 = tpu.memref_slice %arg4[%dma_start3A_386, %multiple_of3A_353] : memref<32x1000000xf32, #tpu.memory_space<hbm>> -> memref<32x128xf32, #tpu.memory_space<hbm>>
    %dma_start3A_388 = arith.constant 0 : i32
    %dma_start3A_389 = arith.constant 0 : i32
    %dma_start3A_390 = tpu.memref_slice %arg12[%dma_start3A_388, %dma_start3A_389] : memref<32x256xf32, #tpu.memory_space<vmem>> -> memref<32x128xf32, #tpu.memory_space<vmem>>
    %dma_start3A_391 = arith.constant 0 : i32
    %dma_start3A_392 = tpu.memref_slice %arg4[%dma_start3A_391, %multiple_of3A_353] : memref<32x1000000xf32, #tpu.memory_space<hbm>> -> memref<32x128xf32, #tpu.memory_space<hbm>>
    tpu.enqueue_dma source(%dma_start3A_392 : memref<32x128xf32, #tpu.memory_space<hbm>>) target(%dma_start3A_390 : memref<32x128xf32, #tpu.memory_space<vmem>>) target_semaphore(%arg22 : memref<!tpu.dma_semaphore, #tpu.memory_space<semaphore_mem>>)
    %dma_start3A_393 = arith.constant 0 : i32
    %dma_start3A_394 = arith.constant 0 : i32
    %dma_start3A_395 = tpu.memref_slice %arg16[%dma_start3A_393, %dma_start3A_394] : memref<32x256xf32, #tpu.memory_space<vmem>> -> memref<32x128xf32, #tpu.memory_space<vmem>>
    %dma_start3A_396 = arith.constant 0 : i32
    %dma_start3A_397 = tpu.memref_slice %arg5[%dma_start3A_396, %multiple_of3A_382] : memref<32x1000000xf32, #tpu.memory_space<hbm>> -> memref<32x128xf32, #tpu.memory_space<hbm>>
    %dma_start3A_398 = arith.constant 0 : i32
    %dma_start3A_399 = arith.constant 0 : i32
    %dma_start3A_400 = tpu.memref_slice %arg16[%dma_start3A_398, %dma_start3A_399] : memref<32x256xf32, #tpu.memory_space<vmem>> -> memref<32x128xf32, #tpu.memory_space<vmem>>
    %dma_start3A_401 = arith.constant 0 : i32
    %dma_start3A_402 = tpu.memref_slice %arg5[%dma_start3A_401, %multiple_of3A_382] : memref<32x1000000xf32, #tpu.memory_space<hbm>> -> memref<32x128xf32, #tpu.memory_space<hbm>>
    tpu.enqueue_dma source(%dma_start3A_402 : memref<32x128xf32, #tpu.memory_space<hbm>>) target(%dma_start3A_400 : memref<32x128xf32, #tpu.memory_space<vmem>>) target_semaphore(%arg26 : memref<!tpu.dma_semaphore, #tpu.memory_space<semaphore_mem>>)
    %slice3A_403 = vector.extract_strided_slice %get3A_322 {offsets = [1], sizes = [1], strides = [1]} : vector<16xi32> to vector<1xi32>
    %squeeze3A_404 = vector.extract %slice3A_403[0] : i32 from vector<1xi32>
    %jit3A_405 = arith.constant 128 : i32
    %div3A_406 = arith.divsi %squeeze3A_404, %jit3A_405 : i32
    %sign3A_407 = arith.constant 0 : i32
    %sign3A_408 = arith.cmpi sgt, %squeeze3A_404, %sign3A_407 : i32
    %sign3A_409 = arith.extui %sign3A_408 : i1 to i32
    %sign3A_410 = arith.constant 0 : i32
    %sign3A_411 = arith.cmpi slt, %squeeze3A_404, %sign3A_410 : i32
    %sign3A_412 = arith.extui %sign3A_411 : i1 to i32
    %sign3A_413 = arith.subi %sign3A_409, %sign3A_412 : i32
    %sign3A_414 = arith.constant 0 : i32
    %sign3A_415 = arith.cmpi sgt, %jit3A_405, %sign3A_414 : i32
    %sign3A_416 = arith.extui %sign3A_415 : i1 to i32
    %sign3A_417 = arith.constant 0 : i32
    %sign3A_418 = arith.cmpi slt, %jit3A_405, %sign3A_417 : i32
    %sign3A_419 = arith.extui %sign3A_418 : i1 to i32
    %sign3A_420 = arith.subi %sign3A_416, %sign3A_419 : i32
    %ne3A_421 = arith.cmpi ne, %sign3A_413, %sign3A_420 : i32
    %rem3A_422 = arith.remsi %squeeze3A_404, %jit3A_405 : i32
    %ne3A_423 = arith.constant 0 : i32
    %ne3A_424 = arith.cmpi ne, %rem3A_422, %ne3A_423 : i32
    %and3A_425 = arith.andi %ne3A_421, %ne3A_424 : i1
    %sub3A_426 = arith.constant 1 : i32
    %sub3A_427 = arith.subi %div3A_406, %sub3A_426 : i32
    %select_n3A_428 = arith.select %and3A_425, %sub3A_427, %div3A_406 : i32
    %mul3A_429 = arith.constant 128 : i32
    %mul3A_430 = arith.muli %select_n3A_428, %mul3A_429 : i32
    %multiple_of3A_431 = tpu.assume_multiple %mul3A_430, 128 : i32
    %slice3A_432 = vector.extract_strided_slice %get3A_324 {offsets = [1], sizes = [1], strides = [1]} : vector<16xi32> to vector<1xi32>
    %squeeze3A_433 = vector.extract %slice3A_432[0] : i32 from vector<1xi32>
    %jit3A_434 = arith.constant 128 : i32
    %div3A_435 = arith.divsi %squeeze3A_433, %jit3A_434 : i32
    %sign3A_436 = arith.constant 0 : i32
    %sign3A_437 = arith.cmpi sgt, %squeeze3A_433, %sign3A_436 : i32
    %sign3A_438 = arith.extui %sign3A_437 : i1 to i32
    %sign3A_439 = arith.constant 0 : i32
    %sign3A_440 = arith.cmpi slt, %squeeze3A_433, %sign3A_439 : i32
    %sign3A_441 = arith.extui %sign3A_440 : i1 to i32
    %sign3A_442 = arith.subi %sign3A_438, %sign3A_441 : i32
    %sign3A_443 = arith.constant 0 : i32
    %sign3A_444 = arith.cmpi sgt, %jit3A_434, %sign3A_443 : i32
    %sign3A_445 = arith.extui %sign3A_444 : i1 to i32
    %sign3A_446 = arith.constant 0 : i32
    %sign3A_447 = arith.cmpi slt, %jit3A_434, %sign3A_446 : i32
    %sign3A_448 = arith.extui %sign3A_447 : i1 to i32
    %sign3A_449 = arith.subi %sign3A_445, %sign3A_448 : i32
    %ne3A_450 = arith.cmpi ne, %sign3A_442, %sign3A_449 : i32
    %rem3A_451 = arith.remsi %squeeze3A_433, %jit3A_434 : i32
    %ne3A_452 = arith.constant 0 : i32
    %ne3A_453 = arith.cmpi ne, %rem3A_451, %ne3A_452 : i32
    %and3A_454 = arith.andi %ne3A_450, %ne3A_453 : i1
    %sub3A_455 = arith.constant 1 : i32
    %sub3A_456 = arith.subi %div3A_435, %sub3A_455 : i32
    %select_n3A_457 = arith.select %and3A_454, %sub3A_456, %div3A_435 : i32
    %mul3A_458 = arith.constant 128 : i32
    %mul3A_459 = arith.muli %select_n3A_457, %mul3A_458 : i32
    %multiple_of3A_460 = tpu.assume_multiple %mul3A_459, 128 : i32
    %dma_start3A_461 = arith.constant 0 : i32
    %dma_start3A_462 = arith.constant 128 : i32
    %dma_start3A_463 = tpu.memref_slice %arg12[%dma_start3A_461, %dma_start3A_462] : memref<32x256xf32, #tpu.memory_space<vmem>> -> memref<32x128xf32, #tpu.memory_space<vmem>>
    %dma_start3A_464 = arith.constant 0 : i32
    %dma_start3A_465 = tpu.memref_slice %arg4[%dma_start3A_464, %multiple_of3A_431] : memref<32x1000000xf32, #tpu.memory_space<hbm>> -> memref<32x128xf32, #tpu.memory_space<hbm>>
    %dma_start3A_466 = arith.constant 0 : i32
    %dma_start3A_467 = arith.constant 128 : i32
    %dma_start3A_468 = tpu.memref_slice %arg12[%dma_start3A_466, %dma_start3A_467] : memref<32x256xf32, #tpu.memory_space<vmem>> -> memref<32x128xf32, #tpu.memory_space<vmem>>
    %dma_start3A_469 = arith.constant 0 : i32
    %dma_start3A_470 = tpu.memref_slice %arg4[%dma_start3A_469, %multiple_of3A_431] : memref<32x1000000xf32, #tpu.memory_space<hbm>> -> memref<32x128xf32, #tpu.memory_space<hbm>>
    tpu.enqueue_dma source(%dma_start3A_470 : memref<32x128xf32, #tpu.memory_space<hbm>>) target(%dma_start3A_468 : memref<32x128xf32, #tpu.memory_space<vmem>>) target_semaphore(%arg22 : memref<!tpu.dma_semaphore, #tpu.memory_space<semaphore_mem>>)
    %dma_start3A_471 = arith.constant 0 : i32
    %dma_start3A_472 = arith.constant 128 : i32
    %dma_start3A_473 = tpu.memref_slice %arg16[%dma_start3A_471, %dma_start3A_472] : memref<32x256xf32, #tpu.memory_space<vmem>> -> memref<32x128xf32, #tpu.memory_space<vmem>>
    %dma_start3A_474 = arith.constant 0 : i32
    %dma_start3A_475 = tpu.memref_slice %arg5[%dma_start3A_474, %multiple_of3A_460] : memref<32x1000000xf32, #tpu.memory_space<hbm>> -> memref<32x128xf32, #tpu.memory_space<hbm>>
    %dma_start3A_476 = arith.constant 0 : i32
    %dma_start3A_477 = arith.constant 128 : i32
    %dma_start3A_478 = tpu.memref_slice %arg16[%dma_start3A_476, %dma_start3A_477] : memref<32x256xf32, #tpu.memory_space<vmem>> -> memref<32x128xf32, #tpu.memory_space<vmem>>
    %dma_start3A_479 = arith.constant 0 : i32
    %dma_start3A_480 = tpu.memref_slice %arg5[%dma_start3A_479, %multiple_of3A_460] : memref<32x1000000xf32, #tpu.memory_space<hbm>> -> memref<32x128xf32, #tpu.memory_space<hbm>>
    tpu.enqueue_dma source(%dma_start3A_480 : memref<32x128xf32, #tpu.memory_space<hbm>>) target(%dma_start3A_478 : memref<32x128xf32, #tpu.memory_space<vmem>>) target_semaphore(%arg26 : memref<!tpu.dma_semaphore, #tpu.memory_space<semaphore_mem>>)
    %broadcast_in_dim3A = arith.constant 0.000000e+00 : f32
    %broadcast_in_dim3A_481 = vector.broadcast %broadcast_in_dim3A : f32 to vector<16xf32>
    %scan3A = arith.constant 0 : i32
    %scan3A_482 = arith.constant 64 : i32
    %scan3A_483 = arith.addi %scan3A, %scan3A_482 : i32
    %scan3A_484 = arith.constant 1 : i32
    %scan3A_485 = scf.for %scan3A_487 = %scan3A to %scan3A_483 step %scan3A_484 iter_args(%scan3A_488 = %broadcast_in_dim3A_481) -> (vector<16xf32>)  : i32 {
      %mul3A_489 = arith.constant 4 : i32
      %mul3A_490 = arith.muli %mul3A_489, %scan3A_487 : i32
      %jit3A_491 = arith.constant 2 : i32
      %eq3A = arith.constant 0 : i32
      %eq3A_492 = arith.cmpi eq, %jit3A_491, %eq3A : i32
      %jit3A_493 = arith.constant 1 : i32
      %select_n3A_494 = arith.select %eq3A_492, %jit3A_493, %jit3A_491 : i32
      %rem3A_495 = arith.remsi %scan3A_487, %select_n3A_494 : i32
      %ne3A_496 = arith.constant 0 : i32
      %ne3A_497 = arith.cmpi ne, %rem3A_495, %ne3A_496 : i32
      %lt3A = arith.constant 0 : i32
      %lt3A_498 = arith.cmpi slt, %rem3A_495, %lt3A : i32
      %lt3A_499 = arith.constant 0 : i32
      %lt3A_500 = arith.cmpi slt, %select_n3A_494, %lt3A_499 : i32
      %ne3A_501 = arith.xori %lt3A_498, %lt3A_500 : i1
      %and3A_502 = arith.andi %ne3A_501, %ne3A_497 : i1
      %add3A_503 = arith.addi %rem3A_495, %select_n3A_494 : i32
      %select_n3A_504 = arith.select %and3A_502, %add3A_503, %rem3A_495 : i32
      %eq3A_505 = arith.constant 0 : i32
      %eq3A_506 = arith.cmpi eq, %select_n3A_504, %eq3A_505 : i32
      %select_n3A_507 = arith.select %eq3A_506, %broadcast_in_dim3A_481, %scan3A_488 : vector<16xf32>
      %add3A_508 = arith.constant 0 : i32
      %add3A_509 = arith.addi %mul3A_490, %add3A_508 : i32
      %add3A_510 = arith.constant 3 : i32
      %add3A_511 = arith.addi %add3A_509, %add3A_510 : i32
      %lt3A_512 = arith.constant 256 : i32
      %lt3A_513 = arith.cmpi slt, %add3A_511, %lt3A_512 : i32
      %convert_element_type3A = arith.extui %lt3A_513 : i1 to i32
      %cond3A = arith.constant 0 : i32
      %cond3A_514 = arith.cmpi ne, %convert_element_type3A, %cond3A : i32
      scf.if %cond3A_514 {
        %add3A_1272 = arith.constant 3 : i32
        %add3A_1273 = arith.addi %add3A_509, %add3A_1272 : i32
        %mul3A_1274 = arith.constant 2 : i32
        %mul3A_1275 = arith.muli %add3A_1273, %mul3A_1274 : i32
        %get3A_1276 = arith.index_cast %mul3A_1275 : i32 to index
        %get3A_1277 = tpu.vector_load %arg8[%get3A_1276] {strides = array<i32>} : memref<528xi32, #tpu.memory_space<vmem>>, vector<16xi32>,
        %mul3A_1278 = arith.constant 2 : i32
        %mul3A_1279 = arith.muli %add3A_1273, %mul3A_1278 : i32
        %get3A_1280 = arith.index_cast %mul3A_1279 : i32 to index
        %get3A_1281 = tpu.vector_load %arg9[%get3A_1280] {strides = array<i32>} : memref<528xi32, #tpu.memory_space<vmem>>, vector<16xi32>,
        %slice3A_1282 = vector.extract_strided_slice %get3A_1277 {offsets = [0], sizes = [1], strides = [1]} : vector<16xi32> to vector<1xi32>
        %squeeze3A_1283 = vector.extract %slice3A_1282[0] : i32 from vector<1xi32>
        %jit3A_1284 = arith.constant 128 : i32
        %div3A_1285 = arith.divsi %squeeze3A_1283, %jit3A_1284 : i32
        %sign3A_1286 = arith.constant 0 : i32
        %sign3A_1287 = arith.cmpi sgt, %squeeze3A_1283, %sign3A_1286 : i32
        %sign3A_1288 = arith.extui %sign3A_1287 : i1 to i32
        %sign3A_1289 = arith.constant 0 : i32
        %sign3A_1290 = arith.cmpi slt, %squeeze3A_1283, %sign3A_1289 : i32
        %sign3A_1291 = arith.extui %sign3A_1290 : i1 to i32
        %sign3A_1292 = arith.subi %sign3A_1288, %sign3A_1291 : i32
        %sign3A_1293 = arith.constant 0 : i32
        %sign3A_1294 = arith.cmpi sgt, %jit3A_1284, %sign3A_1293 : i32
        %sign3A_1295 = arith.extui %sign3A_1294 : i1 to i32
        %sign3A_1296 = arith.constant 0 : i32
        %sign3A_1297 = arith.cmpi slt, %jit3A_1284, %sign3A_1296 : i32
        %sign3A_1298 = arith.extui %sign3A_1297 : i1 to i32
        %sign3A_1299 = arith.subi %sign3A_1295, %sign3A_1298 : i32
        %ne3A_1300 = arith.cmpi ne, %sign3A_1292, %sign3A_1299 : i32
        %rem3A_1301 = arith.remsi %squeeze3A_1283, %jit3A_1284 : i32
        %ne3A_1302 = arith.constant 0 : i32
        %ne3A_1303 = arith.cmpi ne, %rem3A_1301, %ne3A_1302 : i32
        %and3A_1304 = arith.andi %ne3A_1300, %ne3A_1303 : i1
        %sub3A_1305 = arith.constant 1 : i32
        %sub3A_1306 = arith.subi %div3A_1285, %sub3A_1305 : i32
        %select_n3A_1307 = arith.select %and3A_1304, %sub3A_1306, %div3A_1285 : i32
        %mul3A_1308 = arith.constant 128 : i32
        %mul3A_1309 = arith.muli %select_n3A_1307, %mul3A_1308 : i32
        %multiple_of3A_1310 = tpu.assume_multiple %mul3A_1309, 128 : i32
        %slice3A_1311 = vector.extract_strided_slice %get3A_1281 {offsets = [0], sizes = [1], strides = [1]} : vector<16xi32> to vector<1xi32>
        %squeeze3A_1312 = vector.extract %slice3A_1311[0] : i32 from vector<1xi32>
        %jit3A_1313 = arith.constant 128 : i32
        %div3A_1314 = arith.divsi %squeeze3A_1312, %jit3A_1313 : i32
        %sign3A_1315 = arith.constant 0 : i32
        %sign3A_1316 = arith.cmpi sgt, %squeeze3A_1312, %sign3A_1315 : i32
        %sign3A_1317 = arith.extui %sign3A_1316 : i1 to i32
        %sign3A_1318 = arith.constant 0 : i32
        %sign3A_1319 = arith.cmpi slt, %squeeze3A_1312, %sign3A_1318 : i32
        %sign3A_1320 = arith.extui %sign3A_1319 : i1 to i32
        %sign3A_1321 = arith.subi %sign3A_1317, %sign3A_1320 : i32
        %sign3A_1322 = arith.constant 0 : i32
        %sign3A_1323 = arith.cmpi sgt, %jit3A_1313, %sign3A_1322 : i32
        %sign3A_1324 = arith.extui %sign3A_1323 : i1 to i32
        %sign3A_1325 = arith.constant 0 : i32
        %sign3A_1326 = arith.cmpi slt, %jit3A_1313, %sign3A_1325 : i32
        %sign3A_1327 = arith.extui %sign3A_1326 : i1 to i32
        %sign3A_1328 = arith.subi %sign3A_1324, %sign3A_1327 : i32
        %ne3A_1329 = arith.cmpi ne, %sign3A_1321, %sign3A_1328 : i32
        %rem3A_1330 = arith.remsi %squeeze3A_1312, %jit3A_1313 : i32
        %ne3A_1331 = arith.constant 0 : i32
        %ne3A_1332 = arith.cmpi ne, %rem3A_1330, %ne3A_1331 : i32
        %and3A_1333 = arith.andi %ne3A_1329, %ne3A_1332 : i1
        %sub3A_1334 = arith.constant 1 : i32
        %sub3A_1335 = arith.subi %div3A_1314, %sub3A_1334 : i32
        %select_n3A_1336 = arith.select %and3A_1333, %sub3A_1335, %div3A_1314 : i32
        %mul3A_1337 = arith.constant 128 : i32
        %mul3A_1338 = arith.muli %select_n3A_1336, %mul3A_1337 : i32
        %multiple_of3A_1339 = tpu.assume_multiple %mul3A_1338, 128 : i32
        %dma_start3A_1340 = arith.constant 0 : i32
        %dma_start3A_1341 = arith.constant 0 : i32
        %dma_start3A_1342 = tpu.memref_slice %arg13[%dma_start3A_1340, %dma_start3A_1341] : memref<32x256xf32, #tpu.memory_space<vmem>> -> memref<32x128xf32, #tpu.memory_space<vmem>>
        %dma_start3A_1343 = arith.constant 0 : i32
        %dma_start3A_1344 = tpu.memref_slice %arg4[%dma_start3A_1343, %multiple_of3A_1310] : memref<32x1000000xf32, #tpu.memory_space<hbm>> -> memref<32x128xf32, #tpu.memory_space<hbm>>
        %dma_start3A_1345 = arith.constant 0 : i32
        %dma_start3A_1346 = arith.constant 0 : i32
        %dma_start3A_1347 = tpu.memref_slice %arg13[%dma_start3A_1345, %dma_start3A_1346] : memref<32x256xf32, #tpu.memory_space<vmem>> -> memref<32x128xf32, #tpu.memory_space<vmem>>
        %dma_start3A_1348 = arith.constant 0 : i32
        %dma_start3A_1349 = tpu.memref_slice %arg4[%dma_start3A_1348, %multiple_of3A_1310] : memref<32x1000000xf32, #tpu.memory_space<hbm>> -> memref<32x128xf32, #tpu.memory_space<hbm>>
        tpu.enqueue_dma source(%dma_start3A_1349 : memref<32x128xf32, #tpu.memory_space<hbm>>) target(%dma_start3A_1347 : memref<32x128xf32, #tpu.memory_space<vmem>>) target_semaphore(%arg23 : memref<!tpu.dma_semaphore, #tpu.memory_space<semaphore_mem>>)
        %dma_start3A_1350 = arith.constant 0 : i32
        %dma_start3A_1351 = arith.constant 0 : i32
        %dma_start3A_1352 = tpu.memref_slice %arg17[%dma_start3A_1350, %dma_start3A_1351] : memref<32x256xf32, #tpu.memory_space<vmem>> -> memref<32x128xf32, #tpu.memory_space<vmem>>
        %dma_start3A_1353 = arith.constant 0 : i32
        %dma_start3A_1354 = tpu.memref_slice %arg5[%dma_start3A_1353, %multiple_of3A_1339] : memref<32x1000000xf32, #tpu.memory_space<hbm>> -> memref<32x128xf32, #tpu.memory_space<hbm>>
        %dma_start3A_1355 = arith.constant 0 : i32
        %dma_start3A_1356 = arith.constant 0 : i32
        %dma_start3A_1357 = tpu.memref_slice %arg17[%dma_start3A_1355, %dma_start3A_1356] : memref<32x256xf32, #tpu.memory_space<vmem>> -> memref<32x128xf32, #tpu.memory_space<vmem>>
        %dma_start3A_1358 = arith.constant 0 : i32
        %dma_start3A_1359 = tpu.memref_slice %arg5[%dma_start3A_1358, %multiple_of3A_1339] : memref<32x1000000xf32, #tpu.memory_space<hbm>> -> memref<32x128xf32, #tpu.memory_space<hbm>>
        tpu.enqueue_dma source(%dma_start3A_1359 : memref<32x128xf32, #tpu.memory_space<hbm>>) target(%dma_start3A_1357 : memref<32x128xf32, #tpu.memory_space<vmem>>) target_semaphore(%arg27 : memref<!tpu.dma_semaphore, #tpu.memory_space<semaphore_mem>>)
        %slice3A_1360 = vector.extract_strided_slice %get3A_1277 {offsets = [1], sizes = [1], strides = [1]} : vector<16xi32> to vector<1xi32>
        %squeeze3A_1361 = vector.extract %slice3A_1360[0] : i32 from vector<1xi32>
        %jit3A_1362 = arith.constant 128 : i32
        %div3A_1363 = arith.divsi %squeeze3A_1361, %jit3A_1362 : i32
        %sign3A_1364 = arith.constant 0 : i32
        %sign3A_1365 = arith.cmpi sgt, %squeeze3A_1361, %sign3A_1364 : i32
        %sign3A_1366 = arith.extui %sign3A_1365 : i1 to i32
        %sign3A_1367 = arith.constant 0 : i32
        %sign3A_1368 = arith.cmpi slt, %squeeze3A_1361, %sign3A_1367 : i32
        %sign3A_1369 = arith.extui %sign3A_1368 : i1 to i32
        %sign3A_1370 = arith.subi %sign3A_1366, %sign3A_1369 : i32
        %sign3A_1371 = arith.constant 0 : i32
        %sign3A_1372 = arith.cmpi sgt, %jit3A_1362, %sign3A_1371 : i32
        %sign3A_1373 = arith.extui %sign3A_1372 : i1 to i32
        %sign3A_1374 = arith.constant 0 : i32
        %sign3A_1375 = arith.cmpi slt, %jit3A_1362, %sign3A_1374 : i32
        %sign3A_1376 = arith.extui %sign3A_1375 : i1 to i32
        %sign3A_1377 = arith.subi %sign3A_1373, %sign3A_1376 : i32
        %ne3A_1378 = arith.cmpi ne, %sign3A_1370, %sign3A_1377 : i32
        %rem3A_1379 = arith.remsi %squeeze3A_1361, %jit3A_1362 : i32
        %ne3A_1380 = arith.constant 0 : i32
        %ne3A_1381 = arith.cmpi ne, %rem3A_1379, %ne3A_1380 : i32
        %and3A_1382 = arith.andi %ne3A_1378, %ne3A_1381 : i1
        %sub3A_1383 = arith.constant 1 : i32
        %sub3A_1384 = arith.subi %div3A_1363, %sub3A_1383 : i32
        %select_n3A_1385 = arith.select %and3A_1382, %sub3A_1384, %div3A_1363 : i32
        %mul3A_1386 = arith.constant 128 : i32
        %mul3A_1387 = arith.muli %select_n3A_1385, %mul3A_1386 : i32
        %multiple_of3A_1388 = tpu.assume_multiple %mul3A_1387, 128 : i32
        %slice3A_1389 = vector.extract_strided_slice %get3A_1281 {offsets = [1], sizes = [1], strides = [1]} : vector<16xi32> to vector<1xi32>
        %squeeze3A_1390 = vector.extract %slice3A_1389[0] : i32 from vector<1xi32>
        %jit3A_1391 = arith.constant 128 : i32
        %div3A_1392 = arith.divsi %squeeze3A_1390, %jit3A_1391 : i32
        %sign3A_1393 = arith.constant 0 : i32
        %sign3A_1394 = arith.cmpi sgt, %squeeze3A_1390, %sign3A_1393 : i32
        %sign3A_1395 = arith.extui %sign3A_1394 : i1 to i32
        %sign3A_1396 = arith.constant 0 : i32
        %sign3A_1397 = arith.cmpi slt, %squeeze3A_1390, %sign3A_1396 : i32
        %sign3A_1398 = arith.extui %sign3A_1397 : i1 to i32
        %sign3A_1399 = arith.subi %sign3A_1395, %sign3A_1398 : i32
        %sign3A_1400 = arith.constant 0 : i32
        %sign3A_1401 = arith.cmpi sgt, %jit3A_1391, %sign3A_1400 : i32
        %sign3A_1402 = arith.extui %sign3A_1401 : i1 to i32
        %sign3A_1403 = arith.constant 0 : i32
        %sign3A_1404 = arith.cmpi slt, %jit3A_1391, %sign3A_1403 : i32
        %sign3A_1405 = arith.extui %sign3A_1404 : i1 to i32
        %sign3A_1406 = arith.subi %sign3A_1402, %sign3A_1405 : i32
        %ne3A_1407 = arith.cmpi ne, %sign3A_1399, %sign3A_1406 : i32
        %rem3A_1408 = arith.remsi %squeeze3A_1390, %jit3A_1391 : i32
        %ne3A_1409 = arith.constant 0 : i32
        %ne3A_1410 = arith.cmpi ne, %rem3A_1408, %ne3A_1409 : i32
        %and3A_1411 = arith.andi %ne3A_1407, %ne3A_1410 : i1
        %sub3A_1412 = arith.constant 1 : i32
        %sub3A_1413 = arith.subi %div3A_1392, %sub3A_1412 : i32
        %select_n3A_1414 = arith.select %and3A_1411, %sub3A_1413, %div3A_1392 : i32
        %mul3A_1415 = arith.constant 128 : i32
        %mul3A_1416 = arith.muli %select_n3A_1414, %mul3A_1415 : i32
        %multiple_of3A_1417 = tpu.assume_multiple %mul3A_1416, 128 : i32
        %dma_start3A_1418 = arith.constant 0 : i32
        %dma_start3A_1419 = arith.constant 128 : i32
        %dma_start3A_1420 = tpu.memref_slice %arg13[%dma_start3A_1418, %dma_start3A_1419] : memref<32x256xf32, #tpu.memory_space<vmem>> -> memref<32x128xf32, #tpu.memory_space<vmem>>
        %dma_start3A_1421 = arith.constant 0 : i32
        %dma_start3A_1422 = tpu.memref_slice %arg4[%dma_start3A_1421, %multiple_of3A_1388] : memref<32x1000000xf32, #tpu.memory_space<hbm>> -> memref<32x128xf32, #tpu.memory_space<hbm>>
        %dma_start3A_1423 = arith.constant 0 : i32
        %dma_start3A_1424 = arith.constant 128 : i32
        %dma_start3A_1425 = tpu.memref_slice %arg13[%dma_start3A_1423, %dma_start3A_1424] : memref<32x256xf32, #tpu.memory_space<vmem>> -> memref<32x128xf32, #tpu.memory_space<vmem>>
        %dma_start3A_1426 = arith.constant 0 : i32
        %dma_start3A_1427 = tpu.memref_slice %arg4[%dma_start3A_1426, %multiple_of3A_1388] : memref<32x1000000xf32, #tpu.memory_space<hbm>> -> memref<32x128xf32, #tpu.memory_space<hbm>>
        tpu.enqueue_dma source(%dma_start3A_1427 : memref<32x128xf32, #tpu.memory_space<hbm>>) target(%dma_start3A_1425 : memref<32x128xf32, #tpu.memory_space<vmem>>) target_semaphore(%arg23 : memref<!tpu.dma_semaphore, #tpu.memory_space<semaphore_mem>>)
        %dma_start3A_1428 = arith.constant 0 : i32
        %dma_start3A_1429 = arith.constant 128 : i32
        %dma_start3A_1430 = tpu.memref_slice %arg17[%dma_start3A_1428, %dma_start3A_1429] : memref<32x256xf32, #tpu.memory_space<vmem>> -> memref<32x128xf32, #tpu.memory_space<vmem>>
        %dma_start3A_1431 = arith.constant 0 : i32
        %dma_start3A_1432 = tpu.memref_slice %arg5[%dma_start3A_1431, %multiple_of3A_1417] : memref<32x1000000xf32, #tpu.memory_space<hbm>> -> memref<32x128xf32, #tpu.memory_space<hbm>>
        %dma_start3A_1433 = arith.constant 0 : i32
        %dma_start3A_1434 = arith.constant 128 : i32
        %dma_start3A_1435 = tpu.memref_slice %arg17[%dma_start3A_1433, %dma_start3A_1434] : memref<32x256xf32, #tpu.memory_space<vmem>> -> memref<32x128xf32, #tpu.memory_space<vmem>>
        %dma_start3A_1436 = arith.constant 0 : i32
        %dma_start3A_1437 = tpu.memref_slice %arg5[%dma_start3A_1436, %multiple_of3A_1417] : memref<32x1000000xf32, #tpu.memory_space<hbm>> -> memref<32x128xf32, #tpu.memory_space<hbm>>
        tpu.enqueue_dma source(%dma_start3A_1437 : memref<32x128xf32, #tpu.memory_space<hbm>>) target(%dma_start3A_1435 : memref<32x128xf32, #tpu.memory_space<vmem>>) target_semaphore(%arg27 : memref<!tpu.dma_semaphore, #tpu.memory_space<semaphore_mem>>)
      } else {
      }
      %dma_wait3A = arith.constant 0 : i32
      %dma_wait3A_515 = arith.constant 0 : i32
      %dma_wait3A_516 = tpu.memref_slice %arg4[%dma_wait3A, %dma_wait3A_515] : memref<32x1000000xf32, #tpu.memory_space<hbm>> -> memref<32x256xf32, #tpu.memory_space<hbm>>
      %dma_wait3A_517 = arith.constant 0 : i32
      %dma_wait3A_518 = arith.constant 0 : i32
      %dma_wait3A_519 = tpu.memref_slice %arg4[%dma_wait3A_517, %dma_wait3A_518] : memref<32x1000000xf32, #tpu.memory_space<hbm>> -> memref<32x256xf32, #tpu.memory_space<hbm>>
      tpu.wait_dma2 semaphore(%arg20 : memref<!tpu.dma_semaphore, #tpu.memory_space<semaphore_mem>>) src(%dma_wait3A_519 : memref<32x256xf32, #tpu.memory_space<hbm>>) dst(%arg10 : memref<32x256xf32, #tpu.memory_space<vmem>>)
      %dma_wait3A_520 = arith.constant 0 : i32
      %dma_wait3A_521 = arith.constant 0 : i32
      %dma_wait3A_522 = tpu.memref_slice %arg5[%dma_wait3A_520, %dma_wait3A_521] : memref<32x1000000xf32, #tpu.memory_space<hbm>> -> memref<32x256xf32, #tpu.memory_space<hbm>>
      %dma_wait3A_523 = arith.constant 0 : i32
      %dma_wait3A_524 = arith.constant 0 : i32
      %dma_wait3A_525 = tpu.memref_slice %arg5[%dma_wait3A_523, %dma_wait3A_524] : memref<32x1000000xf32, #tpu.memory_space<hbm>> -> memref<32x256xf32, #tpu.memory_space<hbm>>
      tpu.wait_dma2 semaphore(%arg24 : memref<!tpu.dma_semaphore, #tpu.memory_space<semaphore_mem>>) src(%dma_wait3A_525 : memref<32x256xf32, #tpu.memory_space<hbm>>) dst(%arg14 : memref<32x256xf32, #tpu.memory_space<vmem>>)
      %mul3A_526 = arith.constant 2 : i32
      %mul3A_527 = arith.muli %add3A_509, %mul3A_526 : i32
      %get3A_528 = arith.index_cast %mul3A_527 : i32 to index
      %get3A_529 = tpu.vector_load %arg8[%get3A_528] {strides = array<i32>} : memref<528xi32, #tpu.memory_space<vmem>>, vector<16xi32>,
      %mul3A_530 = arith.constant 2 : i32
      %mul3A_531 = arith.muli %add3A_509, %mul3A_530 : i32
      %get3A_532 = arith.index_cast %mul3A_531 : i32 to index
      %get3A_533 = tpu.vector_load %arg9[%get3A_532] {strides = array<i32>} : memref<528xi32, #tpu.memory_space<vmem>>, vector<16xi32>,
      %slice3A_534 = vector.extract_strided_slice %get3A_529 {offsets = [0], sizes = [1], strides = [1]} : vector<16xi32> to vector<1xi32>
      %squeeze3A_535 = vector.extract %slice3A_534[0] : i32 from vector<1xi32>
      %jit3A_536 = arith.constant 128 : i32
      %eq3A_537 = arith.constant 0 : i32
      %eq3A_538 = arith.cmpi eq, %jit3A_536, %eq3A_537 : i32
      %jit3A_539 = arith.constant 1 : i32
      %select_n3A_540 = arith.select %eq3A_538, %jit3A_539, %jit3A_536 : i32
      %rem3A_541 = arith.remsi %squeeze3A_535, %select_n3A_540 : i32
      %ne3A_542 = arith.constant 0 : i32
      %ne3A_543 = arith.cmpi ne, %rem3A_541, %ne3A_542 : i32
      %lt3A_544 = arith.constant 0 : i32
      %lt3A_545 = arith.cmpi slt, %rem3A_541, %lt3A_544 : i32
      %lt3A_546 = arith.constant 0 : i32
      %lt3A_547 = arith.cmpi slt, %select_n3A_540, %lt3A_546 : i32
      %ne3A_548 = arith.xori %lt3A_545, %lt3A_547 : i1
      %and3A_549 = arith.andi %ne3A_548, %ne3A_543 : i1
      %add3A_550 = arith.addi %rem3A_541, %select_n3A_540 : i32
      %select_n3A_551 = arith.select %and3A_549, %add3A_550, %rem3A_541 : i32
      %add3A_552 = arith.constant 0 : i32
      %add3A_553 = arith.addi %select_n3A_551, %add3A_552 : i32
      %broadcast_in_dim3A_554 = vector.broadcast %add3A_553 : i32 to vector<16xi32>
      %slice3A_555 = vector.extract_strided_slice %get3A_533 {offsets = [0], sizes = [1], strides = [1]} : vector<16xi32> to vector<1xi32>
      %squeeze3A_556 = vector.extract %slice3A_555[0] : i32 from vector<1xi32>
      %jit3A_557 = arith.constant 128 : i32
      %eq3A_558 = arith.constant 0 : i32
      %eq3A_559 = arith.cmpi eq, %jit3A_557, %eq3A_558 : i32
      %jit3A_560 = arith.constant 1 : i32
      %select_n3A_561 = arith.select %eq3A_559, %jit3A_560, %jit3A_557 : i32
      %rem3A_562 = arith.remsi %squeeze3A_556, %select_n3A_561 : i32
      %ne3A_563 = arith.constant 0 : i32
      %ne3A_564 = arith.cmpi ne, %rem3A_562, %ne3A_563 : i32
      %lt3A_565 = arith.constant 0 : i32
      %lt3A_566 = arith.cmpi slt, %rem3A_562, %lt3A_565 : i32
      %lt3A_567 = arith.constant 0 : i32
      %lt3A_568 = arith.cmpi slt, %select_n3A_561, %lt3A_567 : i32
      %ne3A_569 = arith.xori %lt3A_566, %lt3A_568 : i1
      %and3A_570 = arith.andi %ne3A_569, %ne3A_564 : i1
      %add3A_571 = arith.addi %rem3A_562, %select_n3A_561 : i32
      %select_n3A_572 = arith.select %and3A_570, %add3A_571, %rem3A_562 : i32
      %add3A_573 = arith.constant 0 : i32
      %add3A_574 = arith.addi %select_n3A_572, %add3A_573 : i32
      %broadcast_in_dim3A_575 = vector.broadcast %add3A_574 : i32 to vector<16xi32>
      %gather3A = tpu.vector_load_idx %arg10[%iota3A, %broadcast_in_dim3A_554] : memref<32x256xf32, #tpu.memory_space<vmem>>[vector<16xi32>, vector<16xi32>], vector<16xf32>,
      %gather3A_576 = tpu.vector_load_idx %arg10[%add3A_10, %broadcast_in_dim3A_554] : memref<32x256xf32, #tpu.memory_space<vmem>>[vector<16xi32>, vector<16xi32>], vector<16xf32>,
      %gather3A_577 = tpu.vector_load_idx %arg14[%iota3A, %broadcast_in_dim3A_575] : memref<32x256xf32, #tpu.memory_space<vmem>>[vector<16xi32>, vector<16xi32>], vector<16xf32>,
      %gather3A_578 = tpu.vector_load_idx %arg14[%add3A_10, %broadcast_in_dim3A_575] : memref<32x256xf32, #tpu.memory_space<vmem>>[vector<16xi32>, vector<16xi32>], vector<16xf32>,
      %mul3A_579 = arith.mulf %gather3A, %gather3A_577 : vector<16xf32>
      %mul3A_580 = arith.mulf %mul3A_579, %get3A_3 : vector<16xf32>
      %mul3A_581 = arith.mulf %gather3A_576, %gather3A_578 : vector<16xf32>
      %mul3A_582 = arith.mulf %mul3A_581, %get3A_5 : vector<16xf32>
      %add3A_583 = arith.addf %mul3A_580, %mul3A_582 : vector<16xf32>
      %reduce_sum3A = arith.constant true
      %reduce_sum3A_584 = vector.broadcast %reduce_sum3A : i1 to vector<16xi1>
      %reduce_sum3A_585 = tpu.scan <sum>, %add3A_583 masked %reduce_sum3A_584 : vector<16xf32>, vector<16xi1> -> vector<16xf32>
      %reduce_sum3A_586 = vector.extract %reduce_sum3A_585[15] : f32 from vector<16xf32>
      %mul3A_587 = arith.constant 2 : i32
      %mul3A_588 = arith.muli %add3A_509, %mul3A_587 : i32
      %add3A_589 = arith.constant 0 : i32
      %add3A_590 = arith.addi %mul3A_588, %add3A_589 : i32
      %jit3A_591 = arith.constant 16 : i32
      %eq3A_592 = arith.constant 0 : i32
      %eq3A_593 = arith.cmpi eq, %jit3A_591, %eq3A_592 : i32
      %jit3A_594 = arith.constant 1 : i32
      %select_n3A_595 = arith.select %eq3A_593, %jit3A_594, %jit3A_591 : i32
      %rem3A_596 = arith.remsi %add3A_590, %select_n3A_595 : i32
      %ne3A_597 = arith.constant 0 : i32
      %ne3A_598 = arith.cmpi ne, %rem3A_596, %ne3A_597 : i32
      %lt3A_599 = arith.constant 0 : i32
      %lt3A_600 = arith.cmpi slt, %rem3A_596, %lt3A_599 : i32
      %lt3A_601 = arith.constant 0 : i32
      %lt3A_602 = arith.cmpi slt, %select_n3A_595, %lt3A_601 : i32
      %ne3A_603 = arith.xori %lt3A_600, %lt3A_602 : i1
      %and3A_604 = arith.andi %ne3A_603, %ne3A_598 : i1
      %add3A_605 = arith.addi %rem3A_596, %select_n3A_595 : i32
      %select_n3A_606 = arith.select %and3A_604, %add3A_605, %rem3A_596 : i32
      %eq3A_607 = vector.broadcast %select_n3A_606 : i32 to vector<16xi32>
      %eq3A_608 = arith.cmpi eq, %iota3A, %eq3A_607 : vector<16xi32>
      %broadcast_in_dim3A_609 = vector.broadcast %reduce_sum3A_586 : f32 to vector<16xf32>
      %select_n3A_610 = arith.select %eq3A_608, %broadcast_in_dim3A_609, %select_n3A_507 : vector<16xi1>, vector<16xf32>
      %slice3A_611 = vector.extract_strided_slice %get3A_529 {offsets = [1], sizes = [1], strides = [1]} : vector<16xi32> to vector<1xi32>
      %squeeze3A_612 = vector.extract %slice3A_611[0] : i32 from vector<1xi32>
      %jit3A_613 = arith.constant 128 : i32
      %eq3A_614 = arith.constant 0 : i32
      %eq3A_615 = arith.cmpi eq, %jit3A_613, %eq3A_614 : i32
      %jit3A_616 = arith.constant 1 : i32
      %select_n3A_617 = arith.select %eq3A_615, %jit3A_616, %jit3A_613 : i32
      %rem3A_618 = arith.remsi %squeeze3A_612, %select_n3A_617 : i32
      %ne3A_619 = arith.constant 0 : i32
      %ne3A_620 = arith.cmpi ne, %rem3A_618, %ne3A_619 : i32
      %lt3A_621 = arith.constant 0 : i32
      %lt3A_622 = arith.cmpi slt, %rem3A_618, %lt3A_621 : i32
      %lt3A_623 = arith.constant 0 : i32
      %lt3A_624 = arith.cmpi slt, %select_n3A_617, %lt3A_623 : i32
      %ne3A_625 = arith.xori %lt3A_622, %lt3A_624 : i1
      %and3A_626 = arith.andi %ne3A_625, %ne3A_620 : i1
      %add3A_627 = arith.addi %rem3A_618, %select_n3A_617 : i32
      %select_n3A_628 = arith.select %and3A_626, %add3A_627, %rem3A_618 : i32
      %add3A_629 = arith.constant 128 : i32
      %add3A_630 = arith.addi %select_n3A_628, %add3A_629 : i32
      %broadcast_in_dim3A_631 = vector.broadcast %add3A_630 : i32 to vector<16xi32>
      %slice3A_632 = vector.extract_strided_slice %get3A_533 {offsets = [1], sizes = [1], strides = [1]} : vector<16xi32> to vector<1xi32>
      %squeeze3A_633 = vector.extract %slice3A_632[0] : i32 from vector<1xi32>
      %jit3A_634 = arith.constant 128 : i32
      %eq3A_635 = arith.constant 0 : i32
      %eq3A_636 = arith.cmpi eq, %jit3A_634, %eq3A_635 : i32
      %jit3A_637 = arith.constant 1 : i32
      %select_n3A_638 = arith.select %eq3A_636, %jit3A_637, %jit3A_634 : i32
      %rem3A_639 = arith.remsi %squeeze3A_633, %select_n3A_638 : i32
      %ne3A_640 = arith.constant 0 : i32
      %ne3A_641 = arith.cmpi ne, %rem3A_639, %ne3A_640 : i32
      %lt3A_642 = arith.constant 0 : i32
      %lt3A_643 = arith.cmpi slt, %rem3A_639, %lt3A_642 : i32
      %lt3A_644 = arith.constant 0 : i32
      %lt3A_645 = arith.cmpi slt, %select_n3A_638, %lt3A_644 : i32
      %ne3A_646 = arith.xori %lt3A_643, %lt3A_645 : i1
      %and3A_647 = arith.andi %ne3A_646, %ne3A_641 : i1
      %add3A_648 = arith.addi %rem3A_639, %select_n3A_638 : i32
      %select_n3A_649 = arith.select %and3A_647, %add3A_648, %rem3A_639 : i32
      %add3A_650 = arith.constant 128 : i32
      %add3A_651 = arith.addi %select_n3A_649, %add3A_650 : i32
      %broadcast_in_dim3A_652 = vector.broadcast %add3A_651 : i32 to vector<16xi32>
      %gather3A_653 = tpu.vector_load_idx %arg10[%iota3A, %broadcast_in_dim3A_631] : memref<32x256xf32, #tpu.memory_space<vmem>>[vector<16xi32>, vector<16xi32>], vector<16xf32>,
      %gather3A_654 = tpu.vector_load_idx %arg10[%add3A_10, %broadcast_in_dim3A_631] : memref<32x256xf32, #tpu.memory_space<vmem>>[vector<16xi32>, vector<16xi32>], vector<16xf32>,
      %gather3A_655 = tpu.vector_load_idx %arg14[%iota3A, %broadcast_in_dim3A_652] : memref<32x256xf32, #tpu.memory_space<vmem>>[vector<16xi32>, vector<16xi32>], vector<16xf32>,
      %gather3A_656 = tpu.vector_load_idx %arg14[%add3A_10, %broadcast_in_dim3A_652] : memref<32x256xf32, #tpu.memory_space<vmem>>[vector<16xi32>, vector<16xi32>], vector<16xf32>,
      %mul3A_657 = arith.mulf %gather3A_653, %gather3A_655 : vector<16xf32>
      %mul3A_658 = arith.mulf %mul3A_657, %get3A_3 : vector<16xf32>
      %mul3A_659 = arith.mulf %gather3A_654, %gather3A_656 : vector<16xf32>
      %mul3A_660 = arith.mulf %mul3A_659, %get3A_5 : vector<16xf32>
      %add3A_661 = arith.addf %mul3A_658, %mul3A_660 : vector<16xf32>
      %reduce_sum3A_662 = arith.constant true
      %reduce_sum3A_663 = vector.broadcast %reduce_sum3A_662 : i1 to vector<16xi1>
      %reduce_sum3A_664 = tpu.scan <sum>, %add3A_661 masked %reduce_sum3A_663 : vector<16xf32>, vector<16xi1> -> vector<16xf32>
      %reduce_sum3A_665 = vector.extract %reduce_sum3A_664[15] : f32 from vector<16xf32>
      %mul3A_666 = arith.constant 2 : i32
      %mul3A_667 = arith.muli %add3A_509, %mul3A_666 : i32
      %add3A_668 = arith.constant 1 : i32
      %add3A_669 = arith.addi %mul3A_667, %add3A_668 : i32
      %jit3A_670 = arith.constant 16 : i32
      %eq3A_671 = arith.constant 0 : i32
      %eq3A_672 = arith.cmpi eq, %jit3A_670, %eq3A_671 : i32
      %jit3A_673 = arith.constant 1 : i32
      %select_n3A_674 = arith.select %eq3A_672, %jit3A_673, %jit3A_670 : i32
      %rem3A_675 = arith.remsi %add3A_669, %select_n3A_674 : i32
      %ne3A_676 = arith.constant 0 : i32
      %ne3A_677 = arith.cmpi ne, %rem3A_675, %ne3A_676 : i32
      %lt3A_678 = arith.constant 0 : i32
      %lt3A_679 = arith.cmpi slt, %rem3A_675, %lt3A_678 : i32
      %lt3A_680 = arith.constant 0 : i32
      %lt3A_681 = arith.cmpi slt, %select_n3A_674, %lt3A_680 : i32
      %ne3A_682 = arith.xori %lt3A_679, %lt3A_681 : i1
      %and3A_683 = arith.andi %ne3A_682, %ne3A_677 : i1
      %add3A_684 = arith.addi %rem3A_675, %select_n3A_674 : i32
      %select_n3A_685 = arith.select %and3A_683, %add3A_684, %rem3A_675 : i32
      %eq3A_686 = vector.broadcast %select_n3A_685 : i32 to vector<16xi32>
      %eq3A_687 = arith.cmpi eq, %iota3A, %eq3A_686 : vector<16xi32>
      %broadcast_in_dim3A_688 = vector.broadcast %reduce_sum3A_665 : f32 to vector<16xf32>
      %select_n3A_689 = arith.select %eq3A_687, %broadcast_in_dim3A_688, %select_n3A_610 : vector<16xi1>, vector<16xf32>
      %add3A_690 = arith.constant 1 : i32
      %add3A_691 = arith.addi %mul3A_490, %add3A_690 : i32
      %add3A_692 = arith.constant 3 : i32
      %add3A_693 = arith.addi %add3A_691, %add3A_692 : i32
      %lt3A_694 = arith.constant 256 : i32
      %lt3A_695 = arith.cmpi slt, %add3A_693, %lt3A_694 : i32
      %convert_element_type3A_696 = arith.extui %lt3A_695 : i1 to i32
      %cond3A_697 = arith.constant 0 : i32
      %cond3A_698 = arith.cmpi ne, %convert_element_type3A_696, %cond3A_697 : i32
      scf.if %cond3A_698 {
        %add3A_1272 = arith.constant 3 : i32
        %add3A_1273 = arith.addi %add3A_691, %add3A_1272 : i32
        %mul3A_1274 = arith.constant 2 : i32
        %mul3A_1275 = arith.muli %add3A_1273, %mul3A_1274 : i32
        %get3A_1276 = arith.index_cast %mul3A_1275 : i32 to index
        %get3A_1277 = tpu.vector_load %arg8[%get3A_1276] {strides = array<i32>} : memref<528xi32, #tpu.memory_space<vmem>>, vector<16xi32>,
        %mul3A_1278 = arith.constant 2 : i32
        %mul3A_1279 = arith.muli %add3A_1273, %mul3A_1278 : i32
        %get3A_1280 = arith.index_cast %mul3A_1279 : i32 to index
        %get3A_1281 = tpu.vector_load %arg9[%get3A_1280] {strides = array<i32>} : memref<528xi32, #tpu.memory_space<vmem>>, vector<16xi32>,
        %slice3A_1282 = vector.extract_strided_slice %get3A_1277 {offsets = [0], sizes = [1], strides = [1]} : vector<16xi32> to vector<1xi32>
        %squeeze3A_1283 = vector.extract %slice3A_1282[0] : i32 from vector<1xi32>
        %jit3A_1284 = arith.constant 128 : i32
        %div3A_1285 = arith.divsi %squeeze3A_1283, %jit3A_1284 : i32
        %sign3A_1286 = arith.constant 0 : i32
        %sign3A_1287 = arith.cmpi sgt, %squeeze3A_1283, %sign3A_1286 : i32
        %sign3A_1288 = arith.extui %sign3A_1287 : i1 to i32
        %sign3A_1289 = arith.constant 0 : i32
        %sign3A_1290 = arith.cmpi slt, %squeeze3A_1283, %sign3A_1289 : i32
        %sign3A_1291 = arith.extui %sign3A_1290 : i1 to i32
        %sign3A_1292 = arith.subi %sign3A_1288, %sign3A_1291 : i32
        %sign3A_1293 = arith.constant 0 : i32
        %sign3A_1294 = arith.cmpi sgt, %jit3A_1284, %sign3A_1293 : i32
        %sign3A_1295 = arith.extui %sign3A_1294 : i1 to i32
        %sign3A_1296 = arith.constant 0 : i32
        %sign3A_1297 = arith.cmpi slt, %jit3A_1284, %sign3A_1296 : i32
        %sign3A_1298 = arith.extui %sign3A_1297 : i1 to i32
        %sign3A_1299 = arith.subi %sign3A_1295, %sign3A_1298 : i32
        %ne3A_1300 = arith.cmpi ne, %sign3A_1292, %sign3A_1299 : i32
        %rem3A_1301 = arith.remsi %squeeze3A_1283, %jit3A_1284 : i32
        %ne3A_1302 = arith.constant 0 : i32
        %ne3A_1303 = arith.cmpi ne, %rem3A_1301, %ne3A_1302 : i32
        %and3A_1304 = arith.andi %ne3A_1300, %ne3A_1303 : i1
        %sub3A_1305 = arith.constant 1 : i32
        %sub3A_1306 = arith.subi %div3A_1285, %sub3A_1305 : i32
        %select_n3A_1307 = arith.select %and3A_1304, %sub3A_1306, %div3A_1285 : i32
        %mul3A_1308 = arith.constant 128 : i32
        %mul3A_1309 = arith.muli %select_n3A_1307, %mul3A_1308 : i32
        %multiple_of3A_1310 = tpu.assume_multiple %mul3A_1309, 128 : i32
        %slice3A_1311 = vector.extract_strided_slice %get3A_1281 {offsets = [0], sizes = [1], strides = [1]} : vector<16xi32> to vector<1xi32>
        %squeeze3A_1312 = vector.extract %slice3A_1311[0] : i32 from vector<1xi32>
        %jit3A_1313 = arith.constant 128 : i32
        %div3A_1314 = arith.divsi %squeeze3A_1312, %jit3A_1313 : i32
        %sign3A_1315 = arith.constant 0 : i32
        %sign3A_1316 = arith.cmpi sgt, %squeeze3A_1312, %sign3A_1315 : i32
        %sign3A_1317 = arith.extui %sign3A_1316 : i1 to i32
        %sign3A_1318 = arith.constant 0 : i32
        %sign3A_1319 = arith.cmpi slt, %squeeze3A_1312, %sign3A_1318 : i32
        %sign3A_1320 = arith.extui %sign3A_1319 : i1 to i32
        %sign3A_1321 = arith.subi %sign3A_1317, %sign3A_1320 : i32
        %sign3A_1322 = arith.constant 0 : i32
        %sign3A_1323 = arith.cmpi sgt, %jit3A_1313, %sign3A_1322 : i32
        %sign3A_1324 = arith.extui %sign3A_1323 : i1 to i32
        %sign3A_1325 = arith.constant 0 : i32
        %sign3A_1326 = arith.cmpi slt, %jit3A_1313, %sign3A_1325 : i32
        %sign3A_1327 = arith.extui %sign3A_1326 : i1 to i32
        %sign3A_1328 = arith.subi %sign3A_1324, %sign3A_1327 : i32
        %ne3A_1329 = arith.cmpi ne, %sign3A_1321, %sign3A_1328 : i32
        %rem3A_1330 = arith.remsi %squeeze3A_1312, %jit3A_1313 : i32
        %ne3A_1331 = arith.constant 0 : i32
        %ne3A_1332 = arith.cmpi ne, %rem3A_1330, %ne3A_1331 : i32
        %and3A_1333 = arith.andi %ne3A_1329, %ne3A_1332 : i1
        %sub3A_1334 = arith.constant 1 : i32
        %sub3A_1335 = arith.subi %div3A_1314, %sub3A_1334 : i32
        %select_n3A_1336 = arith.select %and3A_1333, %sub3A_1335, %div3A_1314 : i32
        %mul3A_1337 = arith.constant 128 : i32
        %mul3A_1338 = arith.muli %select_n3A_1336, %mul3A_1337 : i32
        %multiple_of3A_1339 = tpu.assume_multiple %mul3A_1338, 128 : i32
        %dma_start3A_1340 = arith.constant 0 : i32
        %dma_start3A_1341 = arith.constant 0 : i32
        %dma_start3A_1342 = tpu.memref_slice %arg10[%dma_start3A_1340, %dma_start3A_1341] : memref<32x256xf32, #tpu.memory_space<vmem>> -> memref<32x128xf32, #tpu.memory_space<vmem>>
        %dma_start3A_1343 = arith.constant 0 : i32
        %dma_start3A_1344 = tpu.memref_slice %arg4[%dma_start3A_1343, %multiple_of3A_1310] : memref<32x1000000xf32, #tpu.memory_space<hbm>> -> memref<32x128xf32, #tpu.memory_space<hbm>>
        %dma_start3A_1345 = arith.constant 0 : i32
        %dma_start3A_1346 = arith.constant 0 : i32
        %dma_start3A_1347 = tpu.memref_slice %arg10[%dma_start3A_1345, %dma_start3A_1346] : memref<32x256xf32, #tpu.memory_space<vmem>> -> memref<32x128xf32, #tpu.memory_space<vmem>>
        %dma_start3A_1348 = arith.constant 0 : i32
        %dma_start3A_1349 = tpu.memref_slice %arg4[%dma_start3A_1348, %multiple_of3A_1310] : memref<32x1000000xf32, #tpu.memory_space<hbm>> -> memref<32x128xf32, #tpu.memory_space<hbm>>
        tpu.enqueue_dma source(%dma_start3A_1349 : memref<32x128xf32, #tpu.memory_space<hbm>>) target(%dma_start3A_1347 : memref<32x128xf32, #tpu.memory_space<vmem>>) target_semaphore(%arg20 : memref<!tpu.dma_semaphore, #tpu.memory_space<semaphore_mem>>)
        %dma_start3A_1350 = arith.constant 0 : i32
        %dma_start3A_1351 = arith.constant 0 : i32
        %dma_start3A_1352 = tpu.memref_slice %arg14[%dma_start3A_1350, %dma_start3A_1351] : memref<32x256xf32, #tpu.memory_space<vmem>> -> memref<32x128xf32, #tpu.memory_space<vmem>>
        %dma_start3A_1353 = arith.constant 0 : i32
        %dma_start3A_1354 = tpu.memref_slice %arg5[%dma_start3A_1353, %multiple_of3A_1339] : memref<32x1000000xf32, #tpu.memory_space<hbm>> -> memref<32x128xf32, #tpu.memory_space<hbm>>
        %dma_start3A_1355 = arith.constant 0 : i32
        %dma_start3A_1356 = arith.constant 0 : i32
        %dma_start3A_1357 = tpu.memref_slice %arg14[%dma_start3A_1355, %dma_start3A_1356] : memref<32x256xf32, #tpu.memory_space<vmem>> -> memref<32x128xf32, #tpu.memory_space<vmem>>
        %dma_start3A_1358 = arith.constant 0 : i32
        %dma_start3A_1359 = tpu.memref_slice %arg5[%dma_start3A_1358, %multiple_of3A_1339] : memref<32x1000000xf32, #tpu.memory_space<hbm>> -> memref<32x128xf32, #tpu.memory_space<hbm>>
        tpu.enqueue_dma source(%dma_start3A_1359 : memref<32x128xf32, #tpu.memory_space<hbm>>) target(%dma_start3A_1357 : memref<32x128xf32, #tpu.memory_space<vmem>>) target_semaphore(%arg24 : memref<!tpu.dma_semaphore, #tpu.memory_space<semaphore_mem>>)
        %slice3A_1360 = vector.extract_strided_slice %get3A_1277 {offsets = [1], sizes = [1], strides = [1]} : vector<16xi32> to vector<1xi32>
        %squeeze3A_1361 = vector.extract %slice3A_1360[0] : i32 from vector<1xi32>
        %jit3A_1362 = arith.constant 128 : i32
        %div3A_1363 = arith.divsi %squeeze3A_1361, %jit3A_1362 : i32
        %sign3A_1364 = arith.constant 0 : i32
        %sign3A_1365 = arith.cmpi sgt, %squeeze3A_1361, %sign3A_1364 : i32
        %sign3A_1366 = arith.extui %sign3A_1365 : i1 to i32
        %sign3A_1367 = arith.constant 0 : i32
        %sign3A_1368 = arith.cmpi slt, %squeeze3A_1361, %sign3A_1367 : i32
        %sign3A_1369 = arith.extui %sign3A_1368 : i1 to i32
        %sign3A_1370 = arith.subi %sign3A_1366, %sign3A_1369 : i32
        %sign3A_1371 = arith.constant 0 : i32
        %sign3A_1372 = arith.cmpi sgt, %jit3A_1362, %sign3A_1371 : i32
        %sign3A_1373 = arith.extui %sign3A_1372 : i1 to i32
        %sign3A_1374 = arith.constant 0 : i32
        %sign3A_1375 = arith.cmpi slt, %jit3A_1362, %sign3A_1374 : i32
        %sign3A_1376 = arith.extui %sign3A_1375 : i1 to i32
        %sign3A_1377 = arith.subi %sign3A_1373, %sign3A_1376 : i32
        %ne3A_1378 = arith.cmpi ne, %sign3A_1370, %sign3A_1377 : i32
        %rem3A_1379 = arith.remsi %squeeze3A_1361, %jit3A_1362 : i32
        %ne3A_1380 = arith.constant 0 : i32
        %ne3A_1381 = arith.cmpi ne, %rem3A_1379, %ne3A_1380 : i32
        %and3A_1382 = arith.andi %ne3A_1378, %ne3A_1381 : i1
        %sub3A_1383 = arith.constant 1 : i32
        %sub3A_1384 = arith.subi %div3A_1363, %sub3A_1383 : i32
        %select_n3A_1385 = arith.select %and3A_1382, %sub3A_1384, %div3A_1363 : i32
        %mul3A_1386 = arith.constant 128 : i32
        %mul3A_1387 = arith.muli %select_n3A_1385, %mul3A_1386 : i32
        %multiple_of3A_1388 = tpu.assume_multiple %mul3A_1387, 128 : i32
        %slice3A_1389 = vector.extract_strided_slice %get3A_1281 {offsets = [1], sizes = [1], strides = [1]} : vector<16xi32> to vector<1xi32>
        %squeeze3A_1390 = vector.extract %slice3A_1389[0] : i32 from vector<1xi32>
        %jit3A_1391 = arith.constant 128 : i32
        %div3A_1392 = arith.divsi %squeeze3A_1390, %jit3A_1391 : i32
        %sign3A_1393 = arith.constant 0 : i32
        %sign3A_1394 = arith.cmpi sgt, %squeeze3A_1390, %sign3A_1393 : i32
        %sign3A_1395 = arith.extui %sign3A_1394 : i1 to i32
        %sign3A_1396 = arith.constant 0 : i32
        %sign3A_1397 = arith.cmpi slt, %squeeze3A_1390, %sign3A_1396 : i32
        %sign3A_1398 = arith.extui %sign3A_1397 : i1 to i32
        %sign3A_1399 = arith.subi %sign3A_1395, %sign3A_1398 : i32
        %sign3A_1400 = arith.constant 0 : i32
        %sign3A_1401 = arith.cmpi sgt, %jit3A_1391, %sign3A_1400 : i32
        %sign3A_1402 = arith.extui %sign3A_1401 : i1 to i32
        %sign3A_1403 = arith.constant 0 : i32
        %sign3A_1404 = arith.cmpi slt, %jit3A_1391, %sign3A_1403 : i32
        %sign3A_1405 = arith.extui %sign3A_1404 : i1 to i32
        %sign3A_1406 = arith.subi %sign3A_1402, %sign3A_1405 : i32
        %ne3A_1407 = arith.cmpi ne, %sign3A_1399, %sign3A_1406 : i32
        %rem3A_1408 = arith.remsi %squeeze3A_1390, %jit3A_1391 : i32
        %ne3A_1409 = arith.constant 0 : i32
        %ne3A_1410 = arith.cmpi ne, %rem3A_1408, %ne3A_1409 : i32
        %and3A_1411 = arith.andi %ne3A_1407, %ne3A_1410 : i1
        %sub3A_1412 = arith.constant 1 : i32
        %sub3A_1413 = arith.subi %div3A_1392, %sub3A_1412 : i32
        %select_n3A_1414 = arith.select %and3A_1411, %sub3A_1413, %div3A_1392 : i32
        %mul3A_1415 = arith.constant 128 : i32
        %mul3A_1416 = arith.muli %select_n3A_1414, %mul3A_1415 : i32
        %multiple_of3A_1417 = tpu.assume_multiple %mul3A_1416, 128 : i32
        %dma_start3A_1418 = arith.constant 0 : i32
        %dma_start3A_1419 = arith.constant 128 : i32
        %dma_start3A_1420 = tpu.memref_slice %arg10[%dma_start3A_1418, %dma_start3A_1419] : memref<32x256xf32, #tpu.memory_space<vmem>> -> memref<32x128xf32, #tpu.memory_space<vmem>>
        %dma_start3A_1421 = arith.constant 0 : i32
        %dma_start3A_1422 = tpu.memref_slice %arg4[%dma_start3A_1421, %multiple_of3A_1388] : memref<32x1000000xf32, #tpu.memory_space<hbm>> -> memref<32x128xf32, #tpu.memory_space<hbm>>
        %dma_start3A_1423 = arith.constant 0 : i32
        %dma_start3A_1424 = arith.constant 128 : i32
        %dma_start3A_1425 = tpu.memref_slice %arg10[%dma_start3A_1423, %dma_start3A_1424] : memref<32x256xf32, #tpu.memory_space<vmem>> -> memref<32x128xf32, #tpu.memory_space<vmem>>
        %dma_start3A_1426 = arith.constant 0 : i32
        %dma_start3A_1427 = tpu.memref_slice %arg4[%dma_start3A_1426, %multiple_of3A_1388] : memref<32x1000000xf32, #tpu.memory_space<hbm>> -> memref<32x128xf32, #tpu.memory_space<hbm>>
        tpu.enqueue_dma source(%dma_start3A_1427 : memref<32x128xf32, #tpu.memory_space<hbm>>) target(%dma_start3A_1425 : memref<32x128xf32, #tpu.memory_space<vmem>>) target_semaphore(%arg20 : memref<!tpu.dma_semaphore, #tpu.memory_space<semaphore_mem>>)
        %dma_start3A_1428 = arith.constant 0 : i32
        %dma_start3A_1429 = arith.constant 128 : i32
        %dma_start3A_1430 = tpu.memref_slice %arg14[%dma_start3A_1428, %dma_start3A_1429] : memref<32x256xf32, #tpu.memory_space<vmem>> -> memref<32x128xf32, #tpu.memory_space<vmem>>
        %dma_start3A_1431 = arith.constant 0 : i32
        %dma_start3A_1432 = tpu.memref_slice %arg5[%dma_start3A_1431, %multiple_of3A_1417] : memref<32x1000000xf32, #tpu.memory_space<hbm>> -> memref<32x128xf32, #tpu.memory_space<hbm>>
        %dma_start3A_1433 = arith.constant 0 : i32
        %dma_start3A_1434 = arith.constant 128 : i32
        %dma_start3A_1435 = tpu.memref_slice %arg14[%dma_start3A_1433, %dma_start3A_1434] : memref<32x256xf32, #tpu.memory_space<vmem>> -> memref<32x128xf32, #tpu.memory_space<vmem>>
        %dma_start3A_1436 = arith.constant 0 : i32
        %dma_start3A_1437 = tpu.memref_slice %arg5[%dma_start3A_1436, %multiple_of3A_1417] : memref<32x1000000xf32, #tpu.memory_space<hbm>> -> memref<32x128xf32, #tpu.memory_space<hbm>>
        tpu.enqueue_dma source(%dma_start3A_1437 : memref<32x128xf32, #tpu.memory_space<hbm>>) target(%dma_start3A_1435 : memref<32x128xf32, #tpu.memory_space<vmem>>) target_semaphore(%arg24 : memref<!tpu.dma_semaphore, #tpu.memory_space<semaphore_mem>>)
      } else {
      }
      %dma_wait3A_699 = arith.constant 0 : i32
      %dma_wait3A_700 = arith.constant 0 : i32
      %dma_wait3A_701 = tpu.memref_slice %arg4[%dma_wait3A_699, %dma_wait3A_700] : memref<32x1000000xf32, #tpu.memory_space<hbm>> -> memref<32x256xf32, #tpu.memory_space<hbm>>
      %dma_wait3A_702 = arith.constant 0 : i32
      %dma_wait3A_703 = arith.constant 0 : i32
      %dma_wait3A_704 = tpu.memref_slice %arg4[%dma_wait3A_702, %dma_wait3A_703] : memref<32x1000000xf32, #tpu.memory_space<hbm>> -> memref<32x256xf32, #tpu.memory_space<hbm>>
      tpu.wait_dma2 semaphore(%arg21 : memref<!tpu.dma_semaphore, #tpu.memory_space<semaphore_mem>>) src(%dma_wait3A_704 : memref<32x256xf32, #tpu.memory_space<hbm>>) dst(%arg11 : memref<32x256xf32, #tpu.memory_space<vmem>>)
      %dma_wait3A_705 = arith.constant 0 : i32
      %dma_wait3A_706 = arith.constant 0 : i32
      %dma_wait3A_707 = tpu.memref_slice %arg5[%dma_wait3A_705, %dma_wait3A_706] : memref<32x1000000xf32, #tpu.memory_space<hbm>> -> memref<32x256xf32, #tpu.memory_space<hbm>>
      %dma_wait3A_708 = arith.constant 0 : i32
      %dma_wait3A_709 = arith.constant 0 : i32
      %dma_wait3A_710 = tpu.memref_slice %arg5[%dma_wait3A_708, %dma_wait3A_709] : memref<32x1000000xf32, #tpu.memory_space<hbm>> -> memref<32x256xf32, #tpu.memory_space<hbm>>
      tpu.wait_dma2 semaphore(%arg25 : memref<!tpu.dma_semaphore, #tpu.memory_space<semaphore_mem>>) src(%dma_wait3A_710 : memref<32x256xf32, #tpu.memory_space<hbm>>) dst(%arg15 : memref<32x256xf32, #tpu.memory_space<vmem>>)
      %mul3A_711 = arith.constant 2 : i32
      %mul3A_712 = arith.muli %add3A_691, %mul3A_711 : i32
      %get3A_713 = arith.index_cast %mul3A_712 : i32 to index
      %get3A_714 = tpu.vector_load %arg8[%get3A_713] {strides = array<i32>} : memref<528xi32, #tpu.memory_space<vmem>>, vector<16xi32>,
      %mul3A_715 = arith.constant 2 : i32
      %mul3A_716 = arith.muli %add3A_691, %mul3A_715 : i32
      %get3A_717 = arith.index_cast %mul3A_716 : i32 to index
      %get3A_718 = tpu.vector_load %arg9[%get3A_717] {strides = array<i32>} : memref<528xi32, #tpu.memory_space<vmem>>, vector<16xi32>,
      %slice3A_719 = vector.extract_strided_slice %get3A_714 {offsets = [0], sizes = [1], strides = [1]} : vector<16xi32> to vector<1xi32>
      %squeeze3A_720 = vector.extract %slice3A_719[0] : i32 from vector<1xi32>
      %jit3A_721 = arith.constant 128 : i32
      %eq3A_722 = arith.constant 0 : i32
      %eq3A_723 = arith.cmpi eq, %jit3A_721, %eq3A_722 : i32
      %jit3A_724 = arith.constant 1 : i32
      %select_n3A_725 = arith.select %eq3A_723, %jit3A_724, %jit3A_721 : i32
      %rem3A_726 = arith.remsi %squeeze3A_720, %select_n3A_725 : i32
      %ne3A_727 = arith.constant 0 : i32
      %ne3A_728 = arith.cmpi ne, %rem3A_726, %ne3A_727 : i32
      %lt3A_729 = arith.constant 0 : i32
      %lt3A_730 = arith.cmpi slt, %rem3A_726, %lt3A_729 : i32
      %lt3A_731 = arith.constant 0 : i32
      %lt3A_732 = arith.cmpi slt, %select_n3A_725, %lt3A_731 : i32
      %ne3A_733 = arith.xori %lt3A_730, %lt3A_732 : i1
      %and3A_734 = arith.andi %ne3A_733, %ne3A_728 : i1
      %add3A_735 = arith.addi %rem3A_726, %select_n3A_725 : i32
      %select_n3A_736 = arith.select %and3A_734, %add3A_735, %rem3A_726 : i32
      %add3A_737 = arith.constant 0 : i32
      %add3A_738 = arith.addi %select_n3A_736, %add3A_737 : i32
      %broadcast_in_dim3A_739 = vector.broadcast %add3A_738 : i32 to vector<16xi32>
      %slice3A_740 = vector.extract_strided_slice %get3A_718 {offsets = [0], sizes = [1], strides = [1]} : vector<16xi32> to vector<1xi32>
      %squeeze3A_741 = vector.extract %slice3A_740[0] : i32 from vector<1xi32>
      %jit3A_742 = arith.constant 128 : i32
      %eq3A_743 = arith.constant 0 : i32
      %eq3A_744 = arith.cmpi eq, %jit3A_742, %eq3A_743 : i32
      %jit3A_745 = arith.constant 1 : i32
      %select_n3A_746 = arith.select %eq3A_744, %jit3A_745, %jit3A_742 : i32
      %rem3A_747 = arith.remsi %squeeze3A_741, %select_n3A_746 : i32
      %ne3A_748 = arith.constant 0 : i32
      %ne3A_749 = arith.cmpi ne, %rem3A_747, %ne3A_748 : i32
      %lt3A_750 = arith.constant 0 : i32
      %lt3A_751 = arith.cmpi slt, %rem3A_747, %lt3A_750 : i32
      %lt3A_752 = arith.constant 0 : i32
      %lt3A_753 = arith.cmpi slt, %select_n3A_746, %lt3A_752 : i32
      %ne3A_754 = arith.xori %lt3A_751, %lt3A_753 : i1
      %and3A_755 = arith.andi %ne3A_754, %ne3A_749 : i1
      %add3A_756 = arith.addi %rem3A_747, %select_n3A_746 : i32
      %select_n3A_757 = arith.select %and3A_755, %add3A_756, %rem3A_747 : i32
      %add3A_758 = arith.constant 0 : i32
      %add3A_759 = arith.addi %select_n3A_757, %add3A_758 : i32
      %broadcast_in_dim3A_760 = vector.broadcast %add3A_759 : i32 to vector<16xi32>
      %gather3A_761 = tpu.vector_load_idx %arg11[%iota3A, %broadcast_in_dim3A_739] : memref<32x256xf32, #tpu.memory_space<vmem>>[vector<16xi32>, vector<16xi32>], vector<16xf32>,
      %gather3A_762 = tpu.vector_load_idx %arg11[%add3A_10, %broadcast_in_dim3A_739] : memref<32x256xf32, #tpu.memory_space<vmem>>[vector<16xi32>, vector<16xi32>], vector<16xf32>,
      %gather3A_763 = tpu.vector_load_idx %arg15[%iota3A, %broadcast_in_dim3A_760] : memref<32x256xf32, #tpu.memory_space<vmem>>[vector<16xi32>, vector<16xi32>], vector<16xf32>,
      %gather3A_764 = tpu.vector_load_idx %arg15[%add3A_10, %broadcast_in_dim3A_760] : memref<32x256xf32, #tpu.memory_space<vmem>>[vector<16xi32>, vector<16xi32>], vector<16xf32>,
      %mul3A_765 = arith.mulf %gather3A_761, %gather3A_763 : vector<16xf32>
      %mul3A_766 = arith.mulf %mul3A_765, %get3A_3 : vector<16xf32>
      %mul3A_767 = arith.mulf %gather3A_762, %gather3A_764 : vector<16xf32>
      %mul3A_768 = arith.mulf %mul3A_767, %get3A_5 : vector<16xf32>
      %add3A_769 = arith.addf %mul3A_766, %mul3A_768 : vector<16xf32>
      %reduce_sum3A_770 = arith.constant true
      %reduce_sum3A_771 = vector.broadcast %reduce_sum3A_770 : i1 to vector<16xi1>
      %reduce_sum3A_772 = tpu.scan <sum>, %add3A_769 masked %reduce_sum3A_771 : vector<16xf32>, vector<16xi1> -> vector<16xf32>
      %reduce_sum3A_773 = vector.extract %reduce_sum3A_772[15] : f32 from vector<16xf32>
      %mul3A_774 = arith.constant 2 : i32
      %mul3A_775 = arith.muli %add3A_691, %mul3A_774 : i32
      %add3A_776 = arith.constant 0 : i32
      %add3A_777 = arith.addi %mul3A_775, %add3A_776 : i32
      %jit3A_778 = arith.constant 16 : i32
      %eq3A_779 = arith.constant 0 : i32
      %eq3A_780 = arith.cmpi eq, %jit3A_778, %eq3A_779 : i32
      %jit3A_781 = arith.constant 1 : i32
      %select_n3A_782 = arith.select %eq3A_780, %jit3A_781, %jit3A_778 : i32
      %rem3A_783 = arith.remsi %add3A_777, %select_n3A_782 : i32
      %ne3A_784 = arith.constant 0 : i32
      %ne3A_785 = arith.cmpi ne, %rem3A_783, %ne3A_784 : i32
      %lt3A_786 = arith.constant 0 : i32
      %lt3A_787 = arith.cmpi slt, %rem3A_783, %lt3A_786 : i32
      %lt3A_788 = arith.constant 0 : i32
      %lt3A_789 = arith.cmpi slt, %select_n3A_782, %lt3A_788 : i32
      %ne3A_790 = arith.xori %lt3A_787, %lt3A_789 : i1
      %and3A_791 = arith.andi %ne3A_790, %ne3A_785 : i1
      %add3A_792 = arith.addi %rem3A_783, %select_n3A_782 : i32
      %select_n3A_793 = arith.select %and3A_791, %add3A_792, %rem3A_783 : i32
      %eq3A_794 = vector.broadcast %select_n3A_793 : i32 to vector<16xi32>
      %eq3A_795 = arith.cmpi eq, %iota3A, %eq3A_794 : vector<16xi32>
      %broadcast_in_dim3A_796 = vector.broadcast %reduce_sum3A_773 : f32 to vector<16xf32>
      %select_n3A_797 = arith.select %eq3A_795, %broadcast_in_dim3A_796, %select_n3A_689 : vector<16xi1>, vector<16xf32>
      %slice3A_798 = vector.extract_strided_slice %get3A_714 {offsets = [1], sizes = [1], strides = [1]} : vector<16xi32> to vector<1xi32>
      %squeeze3A_799 = vector.extract %slice3A_798[0] : i32 from vector<1xi32>
      %jit3A_800 = arith.constant 128 : i32
      %eq3A_801 = arith.constant 0 : i32
      %eq3A_802 = arith.cmpi eq, %jit3A_800, %eq3A_801 : i32
      %jit3A_803 = arith.constant 1 : i32
      %select_n3A_804 = arith.select %eq3A_802, %jit3A_803, %jit3A_800 : i32
      %rem3A_805 = arith.remsi %squeeze3A_799, %select_n3A_804 : i32
      %ne3A_806 = arith.constant 0 : i32
      %ne3A_807 = arith.cmpi ne, %rem3A_805, %ne3A_806 : i32
      %lt3A_808 = arith.constant 0 : i32
      %lt3A_809 = arith.cmpi slt, %rem3A_805, %lt3A_808 : i32
      %lt3A_810 = arith.constant 0 : i32
      %lt3A_811 = arith.cmpi slt, %select_n3A_804, %lt3A_810 : i32
      %ne3A_812 = arith.xori %lt3A_809, %lt3A_811 : i1
      %and3A_813 = arith.andi %ne3A_812, %ne3A_807 : i1
      %add3A_814 = arith.addi %rem3A_805, %select_n3A_804 : i32
      %select_n3A_815 = arith.select %and3A_813, %add3A_814, %rem3A_805 : i32
      %add3A_816 = arith.constant 128 : i32
      %add3A_817 = arith.addi %select_n3A_815, %add3A_816 : i32
      %broadcast_in_dim3A_818 = vector.broadcast %add3A_817 : i32 to vector<16xi32>
      %slice3A_819 = vector.extract_strided_slice %get3A_718 {offsets = [1], sizes = [1], strides = [1]} : vector<16xi32> to vector<1xi32>
      %squeeze3A_820 = vector.extract %slice3A_819[0] : i32 from vector<1xi32>
      %jit3A_821 = arith.constant 128 : i32
      %eq3A_822 = arith.constant 0 : i32
      %eq3A_823 = arith.cmpi eq, %jit3A_821, %eq3A_822 : i32
      %jit3A_824 = arith.constant 1 : i32
      %select_n3A_825 = arith.select %eq3A_823, %jit3A_824, %jit3A_821 : i32
      %rem3A_826 = arith.remsi %squeeze3A_820, %select_n3A_825 : i32
      %ne3A_827 = arith.constant 0 : i32
      %ne3A_828 = arith.cmpi ne, %rem3A_826, %ne3A_827 : i32
      %lt3A_829 = arith.constant 0 : i32
      %lt3A_830 = arith.cmpi slt, %rem3A_826, %lt3A_829 : i32
      %lt3A_831 = arith.constant 0 : i32
      %lt3A_832 = arith.cmpi slt, %select_n3A_825, %lt3A_831 : i32
      %ne3A_833 = arith.xori %lt3A_830, %lt3A_832 : i1
      %and3A_834 = arith.andi %ne3A_833, %ne3A_828 : i1
      %add3A_835 = arith.addi %rem3A_826, %select_n3A_825 : i32
      %select_n3A_836 = arith.select %and3A_834, %add3A_835, %rem3A_826 : i32
      %add3A_837 = arith.constant 128 : i32
      %add3A_838 = arith.addi %select_n3A_836, %add3A_837 : i32
      %broadcast_in_dim3A_839 = vector.broadcast %add3A_838 : i32 to vector<16xi32>
      %gather3A_840 = tpu.vector_load_idx %arg11[%iota3A, %broadcast_in_dim3A_818] : memref<32x256xf32, #tpu.memory_space<vmem>>[vector<16xi32>, vector<16xi32>], vector<16xf32>,
      %gather3A_841 = tpu.vector_load_idx %arg11[%add3A_10, %broadcast_in_dim3A_818] : memref<32x256xf32, #tpu.memory_space<vmem>>[vector<16xi32>, vector<16xi32>], vector<16xf32>,
      %gather3A_842 = tpu.vector_load_idx %arg15[%iota3A, %broadcast_in_dim3A_839] : memref<32x256xf32, #tpu.memory_space<vmem>>[vector<16xi32>, vector<16xi32>], vector<16xf32>,
      %gather3A_843 = tpu.vector_load_idx %arg15[%add3A_10, %broadcast_in_dim3A_839] : memref<32x256xf32, #tpu.memory_space<vmem>>[vector<16xi32>, vector<16xi32>], vector<16xf32>,
      %mul3A_844 = arith.mulf %gather3A_840, %gather3A_842 : vector<16xf32>
      %mul3A_845 = arith.mulf %mul3A_844, %get3A_3 : vector<16xf32>
      %mul3A_846 = arith.mulf %gather3A_841, %gather3A_843 : vector<16xf32>
      %mul3A_847 = arith.mulf %mul3A_846, %get3A_5 : vector<16xf32>
      %add3A_848 = arith.addf %mul3A_845, %mul3A_847 : vector<16xf32>
      %reduce_sum3A_849 = arith.constant true
      %reduce_sum3A_850 = vector.broadcast %reduce_sum3A_849 : i1 to vector<16xi1>
      %reduce_sum3A_851 = tpu.scan <sum>, %add3A_848 masked %reduce_sum3A_850 : vector<16xf32>, vector<16xi1> -> vector<16xf32>
      %reduce_sum3A_852 = vector.extract %reduce_sum3A_851[15] : f32 from vector<16xf32>
      %mul3A_853 = arith.constant 2 : i32
      %mul3A_854 = arith.muli %add3A_691, %mul3A_853 : i32
      %add3A_855 = arith.constant 1 : i32
      %add3A_856 = arith.addi %mul3A_854, %add3A_855 : i32
      %jit3A_857 = arith.constant 16 : i32
      %eq3A_858 = arith.constant 0 : i32
      %eq3A_859 = arith.cmpi eq, %jit3A_857, %eq3A_858 : i32
      %jit3A_860 = arith.constant 1 : i32
      %select_n3A_861 = arith.select %eq3A_859, %jit3A_860, %jit3A_857 : i32
      %rem3A_862 = arith.remsi %add3A_856, %select_n3A_861 : i32
      %ne3A_863 = arith.constant 0 : i32
      %ne3A_864 = arith.cmpi ne, %rem3A_862, %ne3A_863 : i32
      %lt3A_865 = arith.constant 0 : i32
      %lt3A_866 = arith.cmpi slt, %rem3A_862, %lt3A_865 : i32
      %lt3A_867 = arith.constant 0 : i32
      %lt3A_868 = arith.cmpi slt, %select_n3A_861, %lt3A_867 : i32
      %ne3A_869 = arith.xori %lt3A_866, %lt3A_868 : i1
      %and3A_870 = arith.andi %ne3A_869, %ne3A_864 : i1
      %add3A_871 = arith.addi %rem3A_862, %select_n3A_861 : i32
      %select_n3A_872 = arith.select %and3A_870, %add3A_871, %rem3A_862 : i32
      %eq3A_873 = vector.broadcast %select_n3A_872 : i32 to vector<16xi32>
      %eq3A_874 = arith.cmpi eq, %iota3A, %eq3A_873 : vector<16xi32>
      %broadcast_in_dim3A_875 = vector.broadcast %reduce_sum3A_852 : f32 to vector<16xf32>
      %select_n3A_876 = arith.select %eq3A_874, %broadcast_in_dim3A_875, %select_n3A_797 : vector<16xi1>, vector<16xf32>
      %add3A_877 = arith.constant 2 : i32
      %add3A_878 = arith.addi %mul3A_490, %add3A_877 : i32
      %add3A_879 = arith.constant 3 : i32
      %add3A_880 = arith.addi %add3A_878, %add3A_879 : i32
      %lt3A_881 = arith.constant 256 : i32
      %lt3A_882 = arith.cmpi slt, %add3A_880, %lt3A_881 : i32
      %convert_element_type3A_883 = arith.extui %lt3A_882 : i1 to i32
      %cond3A_884 = arith.constant 0 : i32
      %cond3A_885 = arith.cmpi ne, %convert_element_type3A_883, %cond3A_884 : i32
      scf.if %cond3A_885 {
        %add3A_1272 = arith.constant 3 : i32
        %add3A_1273 = arith.addi %add3A_878, %add3A_1272 : i32
        %mul3A_1274 = arith.constant 2 : i32
        %mul3A_1275 = arith.muli %add3A_1273, %mul3A_1274 : i32
        %get3A_1276 = arith.index_cast %mul3A_1275 : i32 to index
        %get3A_1277 = tpu.vector_load %arg8[%get3A_1276] {strides = array<i32>} : memref<528xi32, #tpu.memory_space<vmem>>, vector<16xi32>,
        %mul3A_1278 = arith.constant 2 : i32
        %mul3A_1279 = arith.muli %add3A_1273, %mul3A_1278 : i32
        %get3A_1280 = arith.index_cast %mul3A_1279 : i32 to index
        %get3A_1281 = tpu.vector_load %arg9[%get3A_1280] {strides = array<i32>} : memref<528xi32, #tpu.memory_space<vmem>>, vector<16xi32>,
        %slice3A_1282 = vector.extract_strided_slice %get3A_1277 {offsets = [0], sizes = [1], strides = [1]} : vector<16xi32> to vector<1xi32>
        %squeeze3A_1283 = vector.extract %slice3A_1282[0] : i32 from vector<1xi32>
        %jit3A_1284 = arith.constant 128 : i32
        %div3A_1285 = arith.divsi %squeeze3A_1283, %jit3A_1284 : i32
        %sign3A_1286 = arith.constant 0 : i32
        %sign3A_1287 = arith.cmpi sgt, %squeeze3A_1283, %sign3A_1286 : i32
        %sign3A_1288 = arith.extui %sign3A_1287 : i1 to i32
        %sign3A_1289 = arith.constant 0 : i32
        %sign3A_1290 = arith.cmpi slt, %squeeze3A_1283, %sign3A_1289 : i32
        %sign3A_1291 = arith.extui %sign3A_1290 : i1 to i32
        %sign3A_1292 = arith.subi %sign3A_1288, %sign3A_1291 : i32
        %sign3A_1293 = arith.constant 0 : i32
        %sign3A_1294 = arith.cmpi sgt, %jit3A_1284, %sign3A_1293 : i32
        %sign3A_1295 = arith.extui %sign3A_1294 : i1 to i32
        %sign3A_1296 = arith.constant 0 : i32
        %sign3A_1297 = arith.cmpi slt, %jit3A_1284, %sign3A_1296 : i32
        %sign3A_1298 = arith.extui %sign3A_1297 : i1 to i32
        %sign3A_1299 = arith.subi %sign3A_1295, %sign3A_1298 : i32
        %ne3A_1300 = arith.cmpi ne, %sign3A_1292, %sign3A_1299 : i32
        %rem3A_1301 = arith.remsi %squeeze3A_1283, %jit3A_1284 : i32
        %ne3A_1302 = arith.constant 0 : i32
        %ne3A_1303 = arith.cmpi ne, %rem3A_1301, %ne3A_1302 : i32
        %and3A_1304 = arith.andi %ne3A_1300, %ne3A_1303 : i1
        %sub3A_1305 = arith.constant 1 : i32
        %sub3A_1306 = arith.subi %div3A_1285, %sub3A_1305 : i32
        %select_n3A_1307 = arith.select %and3A_1304, %sub3A_1306, %div3A_1285 : i32
        %mul3A_1308 = arith.constant 128 : i32
        %mul3A_1309 = arith.muli %select_n3A_1307, %mul3A_1308 : i32
        %multiple_of3A_1310 = tpu.assume_multiple %mul3A_1309, 128 : i32
        %slice3A_1311 = vector.extract_strided_slice %get3A_1281 {offsets = [0], sizes = [1], strides = [1]} : vector<16xi32> to vector<1xi32>
        %squeeze3A_1312 = vector.extract %slice3A_1311[0] : i32 from vector<1xi32>
        %jit3A_1313 = arith.constant 128 : i32
        %div3A_1314 = arith.divsi %squeeze3A_1312, %jit3A_1313 : i32
        %sign3A_1315 = arith.constant 0 : i32
        %sign3A_1316 = arith.cmpi sgt, %squeeze3A_1312, %sign3A_1315 : i32
        %sign3A_1317 = arith.extui %sign3A_1316 : i1 to i32
        %sign3A_1318 = arith.constant 0 : i32
        %sign3A_1319 = arith.cmpi slt, %squeeze3A_1312, %sign3A_1318 : i32
        %sign3A_1320 = arith.extui %sign3A_1319 : i1 to i32
        %sign3A_1321 = arith.subi %sign3A_1317, %sign3A_1320 : i32
        %sign3A_1322 = arith.constant 0 : i32
        %sign3A_1323 = arith.cmpi sgt, %jit3A_1313, %sign3A_1322 : i32
        %sign3A_1324 = arith.extui %sign3A_1323 : i1 to i32
        %sign3A_1325 = arith.constant 0 : i32
        %sign3A_1326 = arith.cmpi slt, %jit3A_1313, %sign3A_1325 : i32
        %sign3A_1327 = arith.extui %sign3A_1326 : i1 to i32
        %sign3A_1328 = arith.subi %sign3A_1324, %sign3A_1327 : i32
        %ne3A_1329 = arith.cmpi ne, %sign3A_1321, %sign3A_1328 : i32
        %rem3A_1330 = arith.remsi %squeeze3A_1312, %jit3A_1313 : i32
        %ne3A_1331 = arith.constant 0 : i32
        %ne3A_1332 = arith.cmpi ne, %rem3A_1330, %ne3A_1331 : i32
        %and3A_1333 = arith.andi %ne3A_1329, %ne3A_1332 : i1
        %sub3A_1334 = arith.constant 1 : i32
        %sub3A_1335 = arith.subi %div3A_1314, %sub3A_1334 : i32
        %select_n3A_1336 = arith.select %and3A_1333, %sub3A_1335, %div3A_1314 : i32
        %mul3A_1337 = arith.constant 128 : i32
        %mul3A_1338 = arith.muli %select_n3A_1336, %mul3A_1337 : i32
        %multiple_of3A_1339 = tpu.assume_multiple %mul3A_1338, 128 : i32
        %dma_start3A_1340 = arith.constant 0 : i32
        %dma_start3A_1341 = arith.constant 0 : i32
        %dma_start3A_1342 = tpu.memref_slice %arg11[%dma_start3A_1340, %dma_start3A_1341] : memref<32x256xf32, #tpu.memory_space<vmem>> -> memref<32x128xf32, #tpu.memory_space<vmem>>
        %dma_start3A_1343 = arith.constant 0 : i32
        %dma_start3A_1344 = tpu.memref_slice %arg4[%dma_start3A_1343, %multiple_of3A_1310] : memref<32x1000000xf32, #tpu.memory_space<hbm>> -> memref<32x128xf32, #tpu.memory_space<hbm>>
        %dma_start3A_1345 = arith.constant 0 : i32
        %dma_start3A_1346 = arith.constant 0 : i32
        %dma_start3A_1347 = tpu.memref_slice %arg11[%dma_start3A_1345, %dma_start3A_1346] : memref<32x256xf32, #tpu.memory_space<vmem>> -> memref<32x128xf32, #tpu.memory_space<vmem>>
        %dma_start3A_1348 = arith.constant 0 : i32
        %dma_start3A_1349 = tpu.memref_slice %arg4[%dma_start3A_1348, %multiple_of3A_1310] : memref<32x1000000xf32, #tpu.memory_space<hbm>> -> memref<32x128xf32, #tpu.memory_space<hbm>>
        tpu.enqueue_dma source(%dma_start3A_1349 : memref<32x128xf32, #tpu.memory_space<hbm>>) target(%dma_start3A_1347 : memref<32x128xf32, #tpu.memory_space<vmem>>) target_semaphore(%arg21 : memref<!tpu.dma_semaphore, #tpu.memory_space<semaphore_mem>>)
        %dma_start3A_1350 = arith.constant 0 : i32
        %dma_start3A_1351 = arith.constant 0 : i32
        %dma_start3A_1352 = tpu.memref_slice %arg15[%dma_start3A_1350, %dma_start3A_1351] : memref<32x256xf32, #tpu.memory_space<vmem>> -> memref<32x128xf32, #tpu.memory_space<vmem>>
        %dma_start3A_1353 = arith.constant 0 : i32
        %dma_start3A_1354 = tpu.memref_slice %arg5[%dma_start3A_1353, %multiple_of3A_1339] : memref<32x1000000xf32, #tpu.memory_space<hbm>> -> memref<32x128xf32, #tpu.memory_space<hbm>>
        %dma_start3A_1355 = arith.constant 0 : i32
        %dma_start3A_1356 = arith.constant 0 : i32
        %dma_start3A_1357 = tpu.memref_slice %arg15[%dma_start3A_1355, %dma_start3A_1356] : memref<32x256xf32, #tpu.memory_space<vmem>> -> memref<32x128xf32, #tpu.memory_space<vmem>>
        %dma_start3A_1358 = arith.constant 0 : i32
        %dma_start3A_1359 = tpu.memref_slice %arg5[%dma_start3A_1358, %multiple_of3A_1339] : memref<32x1000000xf32, #tpu.memory_space<hbm>> -> memref<32x128xf32, #tpu.memory_space<hbm>>
        tpu.enqueue_dma source(%dma_start3A_1359 : memref<32x128xf32, #tpu.memory_space<hbm>>) target(%dma_start3A_1357 : memref<32x128xf32, #tpu.memory_space<vmem>>) target_semaphore(%arg25 : memref<!tpu.dma_semaphore, #tpu.memory_space<semaphore_mem>>)
        %slice3A_1360 = vector.extract_strided_slice %get3A_1277 {offsets = [1], sizes = [1], strides = [1]} : vector<16xi32> to vector<1xi32>
        %squeeze3A_1361 = vector.extract %slice3A_1360[0] : i32 from vector<1xi32>
        %jit3A_1362 = arith.constant 128 : i32
        %div3A_1363 = arith.divsi %squeeze3A_1361, %jit3A_1362 : i32
        %sign3A_1364 = arith.constant 0 : i32
        %sign3A_1365 = arith.cmpi sgt, %squeeze3A_1361, %sign3A_1364 : i32
        %sign3A_1366 = arith.extui %sign3A_1365 : i1 to i32
        %sign3A_1367 = arith.constant 0 : i32
        %sign3A_1368 = arith.cmpi slt, %squeeze3A_1361, %sign3A_1367 : i32
        %sign3A_1369 = arith.extui %sign3A_1368 : i1 to i32
        %sign3A_1370 = arith.subi %sign3A_1366, %sign3A_1369 : i32
        %sign3A_1371 = arith.constant 0 : i32
        %sign3A_1372 = arith.cmpi sgt, %jit3A_1362, %sign3A_1371 : i32
        %sign3A_1373 = arith.extui %sign3A_1372 : i1 to i32
        %sign3A_1374 = arith.constant 0 : i32
        %sign3A_1375 = arith.cmpi slt, %jit3A_1362, %sign3A_1374 : i32
        %sign3A_1376 = arith.extui %sign3A_1375 : i1 to i32
        %sign3A_1377 = arith.subi %sign3A_1373, %sign3A_1376 : i32
        %ne3A_1378 = arith.cmpi ne, %sign3A_1370, %sign3A_1377 : i32
        %rem3A_1379 = arith.remsi %squeeze3A_1361, %jit3A_1362 : i32
        %ne3A_1380 = arith.constant 0 : i32
        %ne3A_1381 = arith.cmpi ne, %rem3A_1379, %ne3A_1380 : i32
        %and3A_1382 = arith.andi %ne3A_1378, %ne3A_1381 : i1
        %sub3A_1383 = arith.constant 1 : i32
        %sub3A_1384 = arith.subi %div3A_1363, %sub3A_1383 : i32
        %select_n3A_1385 = arith.select %and3A_1382, %sub3A_1384, %div3A_1363 : i32
        %mul3A_1386 = arith.constant 128 : i32
        %mul3A_1387 = arith.muli %select_n3A_1385, %mul3A_1386 : i32
        %multiple_of3A_1388 = tpu.assume_multiple %mul3A_1387, 128 : i32
        %slice3A_1389 = vector.extract_strided_slice %get3A_1281 {offsets = [1], sizes = [1], strides = [1]} : vector<16xi32> to vector<1xi32>
        %squeeze3A_1390 = vector.extract %slice3A_1389[0] : i32 from vector<1xi32>
        %jit3A_1391 = arith.constant 128 : i32
        %div3A_1392 = arith.divsi %squeeze3A_1390, %jit3A_1391 : i32
        %sign3A_1393 = arith.constant 0 : i32
        %sign3A_1394 = arith.cmpi sgt, %squeeze3A_1390, %sign3A_1393 : i32
        %sign3A_1395 = arith.extui %sign3A_1394 : i1 to i32
        %sign3A_1396 = arith.constant 0 : i32
        %sign3A_1397 = arith.cmpi slt, %squeeze3A_1390, %sign3A_1396 : i32
        %sign3A_1398 = arith.extui %sign3A_1397 : i1 to i32
        %sign3A_1399 = arith.subi %sign3A_1395, %sign3A_1398 : i32
        %sign3A_1400 = arith.constant 0 : i32
        %sign3A_1401 = arith.cmpi sgt, %jit3A_1391, %sign3A_1400 : i32
        %sign3A_1402 = arith.extui %sign3A_1401 : i1 to i32
        %sign3A_1403 = arith.constant 0 : i32
        %sign3A_1404 = arith.cmpi slt, %jit3A_1391, %sign3A_1403 : i32
        %sign3A_1405 = arith.extui %sign3A_1404 : i1 to i32
        %sign3A_1406 = arith.subi %sign3A_1402, %sign3A_1405 : i32
        %ne3A_1407 = arith.cmpi ne, %sign3A_1399, %sign3A_1406 : i32
        %rem3A_1408 = arith.remsi %squeeze3A_1390, %jit3A_1391 : i32
        %ne3A_1409 = arith.constant 0 : i32
        %ne3A_1410 = arith.cmpi ne, %rem3A_1408, %ne3A_1409 : i32
        %and3A_1411 = arith.andi %ne3A_1407, %ne3A_1410 : i1
        %sub3A_1412 = arith.constant 1 : i32
        %sub3A_1413 = arith.subi %div3A_1392, %sub3A_1412 : i32
        %select_n3A_1414 = arith.select %and3A_1411, %sub3A_1413, %div3A_1392 : i32
        %mul3A_1415 = arith.constant 128 : i32
        %mul3A_1416 = arith.muli %select_n3A_1414, %mul3A_1415 : i32
        %multiple_of3A_1417 = tpu.assume_multiple %mul3A_1416, 128 : i32
        %dma_start3A_1418 = arith.constant 0 : i32
        %dma_start3A_1419 = arith.constant 128 : i32
        %dma_start3A_1420 = tpu.memref_slice %arg11[%dma_start3A_1418, %dma_start3A_1419] : memref<32x256xf32, #tpu.memory_space<vmem>> -> memref<32x128xf32, #tpu.memory_space<vmem>>
        %dma_start3A_1421 = arith.constant 0 : i32
        %dma_start3A_1422 = tpu.memref_slice %arg4[%dma_start3A_1421, %multiple_of3A_1388] : memref<32x1000000xf32, #tpu.memory_space<hbm>> -> memref<32x128xf32, #tpu.memory_space<hbm>>
        %dma_start3A_1423 = arith.constant 0 : i32
        %dma_start3A_1424 = arith.constant 128 : i32
        %dma_start3A_1425 = tpu.memref_slice %arg11[%dma_start3A_1423, %dma_start3A_1424] : memref<32x256xf32, #tpu.memory_space<vmem>> -> memref<32x128xf32, #tpu.memory_space<vmem>>
        %dma_start3A_1426 = arith.constant 0 : i32
        %dma_start3A_1427 = tpu.memref_slice %arg4[%dma_start3A_1426, %multiple_of3A_1388] : memref<32x1000000xf32, #tpu.memory_space<hbm>> -> memref<32x128xf32, #tpu.memory_space<hbm>>
        tpu.enqueue_dma source(%dma_start3A_1427 : memref<32x128xf32, #tpu.memory_space<hbm>>) target(%dma_start3A_1425 : memref<32x128xf32, #tpu.memory_space<vmem>>) target_semaphore(%arg21 : memref<!tpu.dma_semaphore, #tpu.memory_space<semaphore_mem>>)
        %dma_start3A_1428 = arith.constant 0 : i32
        %dma_start3A_1429 = arith.constant 128 : i32
        %dma_start3A_1430 = tpu.memref_slice %arg15[%dma_start3A_1428, %dma_start3A_1429] : memref<32x256xf32, #tpu.memory_space<vmem>> -> memref<32x128xf32, #tpu.memory_space<vmem>>
        %dma_start3A_1431 = arith.constant 0 : i32
        %dma_start3A_1432 = tpu.memref_slice %arg5[%dma_start3A_1431, %multiple_of3A_1417] : memref<32x1000000xf32, #tpu.memory_space<hbm>> -> memref<32x128xf32, #tpu.memory_space<hbm>>
        %dma_start3A_1433 = arith.constant 0 : i32
        %dma_start3A_1434 = arith.constant 128 : i32
        %dma_start3A_1435 = tpu.memref_slice %arg15[%dma_start3A_1433, %dma_start3A_1434] : memref<32x256xf32, #tpu.memory_space<vmem>> -> memref<32x128xf32, #tpu.memory_space<vmem>>
        %dma_start3A_1436 = arith.constant 0 : i32
        %dma_start3A_1437 = tpu.memref_slice %arg5[%dma_start3A_1436, %multiple_of3A_1417] : memref<32x1000000xf32, #tpu.memory_space<hbm>> -> memref<32x128xf32, #tpu.memory_space<hbm>>
        tpu.enqueue_dma source(%dma_start3A_1437 : memref<32x128xf32, #tpu.memory_space<hbm>>) target(%dma_start3A_1435 : memref<32x128xf32, #tpu.memory_space<vmem>>) target_semaphore(%arg25 : memref<!tpu.dma_semaphore, #tpu.memory_space<semaphore_mem>>)
      } else {
      }
      %dma_wait3A_886 = arith.constant 0 : i32
      %dma_wait3A_887 = arith.constant 0 : i32
      %dma_wait3A_888 = tpu.memref_slice %arg4[%dma_wait3A_886, %dma_wait3A_887] : memref<32x1000000xf32, #tpu.memory_space<hbm>> -> memref<32x256xf32, #tpu.memory_space<hbm>>
      %dma_wait3A_889 = arith.constant 0 : i32
      %dma_wait3A_890 = arith.constant 0 : i32
      %dma_wait3A_891 = tpu.memref_slice %arg4[%dma_wait3A_889, %dma_wait3A_890] : memref<32x1000000xf32, #tpu.memory_space<hbm>> -> memref<32x256xf32, #tpu.memory_space<hbm>>
      tpu.wait_dma2 semaphore(%arg22 : memref<!tpu.dma_semaphore, #tpu.memory_space<semaphore_mem>>) src(%dma_wait3A_891 : memref<32x256xf32, #tpu.memory_space<hbm>>) dst(%arg12 : memref<32x256xf32, #tpu.memory_space<vmem>>)
      %dma_wait3A_892 = arith.constant 0 : i32
      %dma_wait3A_893 = arith.constant 0 : i32
      %dma_wait3A_894 = tpu.memref_slice %arg5[%dma_wait3A_892, %dma_wait3A_893] : memref<32x1000000xf32, #tpu.memory_space<hbm>> -> memref<32x256xf32, #tpu.memory_space<hbm>>
      %dma_wait3A_895 = arith.constant 0 : i32
      %dma_wait3A_896 = arith.constant 0 : i32
      %dma_wait3A_897 = tpu.memref_slice %arg5[%dma_wait3A_895, %dma_wait3A_896] : memref<32x1000000xf32, #tpu.memory_space<hbm>> -> memref<32x256xf32, #tpu.memory_space<hbm>>
      tpu.wait_dma2 semaphore(%arg26 : memref<!tpu.dma_semaphore, #tpu.memory_space<semaphore_mem>>) src(%dma_wait3A_897 : memref<32x256xf32, #tpu.memory_space<hbm>>) dst(%arg16 : memref<32x256xf32, #tpu.memory_space<vmem>>)
      %mul3A_898 = arith.constant 2 : i32
      %mul3A_899 = arith.muli %add3A_878, %mul3A_898 : i32
      %get3A_900 = arith.index_cast %mul3A_899 : i32 to index
      %get3A_901 = tpu.vector_load %arg8[%get3A_900] {strides = array<i32>} : memref<528xi32, #tpu.memory_space<vmem>>, vector<16xi32>,
      %mul3A_902 = arith.constant 2 : i32
      %mul3A_903 = arith.muli %add3A_878, %mul3A_902 : i32
      %get3A_904 = arith.index_cast %mul3A_903 : i32 to index
      %get3A_905 = tpu.vector_load %arg9[%get3A_904] {strides = array<i32>} : memref<528xi32, #tpu.memory_space<vmem>>, vector<16xi32>,
      %slice3A_906 = vector.extract_strided_slice %get3A_901 {offsets = [0], sizes = [1], strides = [1]} : vector<16xi32> to vector<1xi32>
      %squeeze3A_907 = vector.extract %slice3A_906[0] : i32 from vector<1xi32>
      %jit3A_908 = arith.constant 128 : i32
      %eq3A_909 = arith.constant 0 : i32
      %eq3A_910 = arith.cmpi eq, %jit3A_908, %eq3A_909 : i32
      %jit3A_911 = arith.constant 1 : i32
      %select_n3A_912 = arith.select %eq3A_910, %jit3A_911, %jit3A_908 : i32
      %rem3A_913 = arith.remsi %squeeze3A_907, %select_n3A_912 : i32
      %ne3A_914 = arith.constant 0 : i32
      %ne3A_915 = arith.cmpi ne, %rem3A_913, %ne3A_914 : i32
      %lt3A_916 = arith.constant 0 : i32
      %lt3A_917 = arith.cmpi slt, %rem3A_913, %lt3A_916 : i32
      %lt3A_918 = arith.constant 0 : i32
      %lt3A_919 = arith.cmpi slt, %select_n3A_912, %lt3A_918 : i32
      %ne3A_920 = arith.xori %lt3A_917, %lt3A_919 : i1
      %and3A_921 = arith.andi %ne3A_920, %ne3A_915 : i1
      %add3A_922 = arith.addi %rem3A_913, %select_n3A_912 : i32
      %select_n3A_923 = arith.select %and3A_921, %add3A_922, %rem3A_913 : i32
      %add3A_924 = arith.constant 0 : i32
      %add3A_925 = arith.addi %select_n3A_923, %add3A_924 : i32
      %broadcast_in_dim3A_926 = vector.broadcast %add3A_925 : i32 to vector<16xi32>
      %slice3A_927 = vector.extract_strided_slice %get3A_905 {offsets = [0], sizes = [1], strides = [1]} : vector<16xi32> to vector<1xi32>
      %squeeze3A_928 = vector.extract %slice3A_927[0] : i32 from vector<1xi32>
      %jit3A_929 = arith.constant 128 : i32
      %eq3A_930 = arith.constant 0 : i32
      %eq3A_931 = arith.cmpi eq, %jit3A_929, %eq3A_930 : i32
      %jit3A_932 = arith.constant 1 : i32
      %select_n3A_933 = arith.select %eq3A_931, %jit3A_932, %jit3A_929 : i32
      %rem3A_934 = arith.remsi %squeeze3A_928, %select_n3A_933 : i32
      %ne3A_935 = arith.constant 0 : i32
      %ne3A_936 = arith.cmpi ne, %rem3A_934, %ne3A_935 : i32
      %lt3A_937 = arith.constant 0 : i32
      %lt3A_938 = arith.cmpi slt, %rem3A_934, %lt3A_937 : i32
      %lt3A_939 = arith.constant 0 : i32
      %lt3A_940 = arith.cmpi slt, %select_n3A_933, %lt3A_939 : i32
      %ne3A_941 = arith.xori %lt3A_938, %lt3A_940 : i1
      %and3A_942 = arith.andi %ne3A_941, %ne3A_936 : i1
      %add3A_943 = arith.addi %rem3A_934, %select_n3A_933 : i32
      %select_n3A_944 = arith.select %and3A_942, %add3A_943, %rem3A_934 : i32
      %add3A_945 = arith.constant 0 : i32
      %add3A_946 = arith.addi %select_n3A_944, %add3A_945 : i32
      %broadcast_in_dim3A_947 = vector.broadcast %add3A_946 : i32 to vector<16xi32>
      %gather3A_948 = tpu.vector_load_idx %arg12[%iota3A, %broadcast_in_dim3A_926] : memref<32x256xf32, #tpu.memory_space<vmem>>[vector<16xi32>, vector<16xi32>], vector<16xf32>,
      %gather3A_949 = tpu.vector_load_idx %arg12[%add3A_10, %broadcast_in_dim3A_926] : memref<32x256xf32, #tpu.memory_space<vmem>>[vector<16xi32>, vector<16xi32>], vector<16xf32>,
      %gather3A_950 = tpu.vector_load_idx %arg16[%iota3A, %broadcast_in_dim3A_947] : memref<32x256xf32, #tpu.memory_space<vmem>>[vector<16xi32>, vector<16xi32>], vector<16xf32>,
      %gather3A_951 = tpu.vector_load_idx %arg16[%add3A_10, %broadcast_in_dim3A_947] : memref<32x256xf32, #tpu.memory_space<vmem>>[vector<16xi32>, vector<16xi32>], vector<16xf32>,
      %mul3A_952 = arith.mulf %gather3A_948, %gather3A_950 : vector<16xf32>
      %mul3A_953 = arith.mulf %mul3A_952, %get3A_3 : vector<16xf32>
      %mul3A_954 = arith.mulf %gather3A_949, %gather3A_951 : vector<16xf32>
      %mul3A_955 = arith.mulf %mul3A_954, %get3A_5 : vector<16xf32>
      %add3A_956 = arith.addf %mul3A_953, %mul3A_955 : vector<16xf32>
      %reduce_sum3A_957 = arith.constant true
      %reduce_sum3A_958 = vector.broadcast %reduce_sum3A_957 : i1 to vector<16xi1>
      %reduce_sum3A_959 = tpu.scan <sum>, %add3A_956 masked %reduce_sum3A_958 : vector<16xf32>, vector<16xi1> -> vector<16xf32>
      %reduce_sum3A_960 = vector.extract %reduce_sum3A_959[15] : f32 from vector<16xf32>
      %mul3A_961 = arith.constant 2 : i32
      %mul3A_962 = arith.muli %add3A_878, %mul3A_961 : i32
      %add3A_963 = arith.constant 0 : i32
      %add3A_964 = arith.addi %mul3A_962, %add3A_963 : i32
      %jit3A_965 = arith.constant 16 : i32
      %eq3A_966 = arith.constant 0 : i32
      %eq3A_967 = arith.cmpi eq, %jit3A_965, %eq3A_966 : i32
      %jit3A_968 = arith.constant 1 : i32
      %select_n3A_969 = arith.select %eq3A_967, %jit3A_968, %jit3A_965 : i32
      %rem3A_970 = arith.remsi %add3A_964, %select_n3A_969 : i32
      %ne3A_971 = arith.constant 0 : i32
      %ne3A_972 = arith.cmpi ne, %rem3A_970, %ne3A_971 : i32
      %lt3A_973 = arith.constant 0 : i32
      %lt3A_974 = arith.cmpi slt, %rem3A_970, %lt3A_973 : i32
      %lt3A_975 = arith.constant 0 : i32
      %lt3A_976 = arith.cmpi slt, %select_n3A_969, %lt3A_975 : i32
      %ne3A_977 = arith.xori %lt3A_974, %lt3A_976 : i1
      %and3A_978 = arith.andi %ne3A_977, %ne3A_972 : i1
      %add3A_979 = arith.addi %rem3A_970, %select_n3A_969 : i32
      %select_n3A_980 = arith.select %and3A_978, %add3A_979, %rem3A_970 : i32
      %eq3A_981 = vector.broadcast %select_n3A_980 : i32 to vector<16xi32>
      %eq3A_982 = arith.cmpi eq, %iota3A, %eq3A_981 : vector<16xi32>
      %broadcast_in_dim3A_983 = vector.broadcast %reduce_sum3A_960 : f32 to vector<16xf32>
      %select_n3A_984 = arith.select %eq3A_982, %broadcast_in_dim3A_983, %select_n3A_876 : vector<16xi1>, vector<16xf32>
      %slice3A_985 = vector.extract_strided_slice %get3A_901 {offsets = [1], sizes = [1], strides = [1]} : vector<16xi32> to vector<1xi32>
      %squeeze3A_986 = vector.extract %slice3A_985[0] : i32 from vector<1xi32>
      %jit3A_987 = arith.constant 128 : i32
      %eq3A_988 = arith.constant 0 : i32
      %eq3A_989 = arith.cmpi eq, %jit3A_987, %eq3A_988 : i32
      %jit3A_990 = arith.constant 1 : i32
      %select_n3A_991 = arith.select %eq3A_989, %jit3A_990, %jit3A_987 : i32
      %rem3A_992 = arith.remsi %squeeze3A_986, %select_n3A_991 : i32
      %ne3A_993 = arith.constant 0 : i32
      %ne3A_994 = arith.cmpi ne, %rem3A_992, %ne3A_993 : i32
      %lt3A_995 = arith.constant 0 : i32
      %lt3A_996 = arith.cmpi slt, %rem3A_992, %lt3A_995 : i32
      %lt3A_997 = arith.constant 0 : i32
      %lt3A_998 = arith.cmpi slt, %select_n3A_991, %lt3A_997 : i32
      %ne3A_999 = arith.xori %lt3A_996, %lt3A_998 : i1
      %and3A_1000 = arith.andi %ne3A_999, %ne3A_994 : i1
      %add3A_1001 = arith.addi %rem3A_992, %select_n3A_991 : i32
      %select_n3A_1002 = arith.select %and3A_1000, %add3A_1001, %rem3A_992 : i32
      %add3A_1003 = arith.constant 128 : i32
      %add3A_1004 = arith.addi %select_n3A_1002, %add3A_1003 : i32
      %broadcast_in_dim3A_1005 = vector.broadcast %add3A_1004 : i32 to vector<16xi32>
      %slice3A_1006 = vector.extract_strided_slice %get3A_905 {offsets = [1], sizes = [1], strides = [1]} : vector<16xi32> to vector<1xi32>
      %squeeze3A_1007 = vector.extract %slice3A_1006[0] : i32 from vector<1xi32>
      %jit3A_1008 = arith.constant 128 : i32
      %eq3A_1009 = arith.constant 0 : i32
      %eq3A_1010 = arith.cmpi eq, %jit3A_1008, %eq3A_1009 : i32
      %jit3A_1011 = arith.constant 1 : i32
      %select_n3A_1012 = arith.select %eq3A_1010, %jit3A_1011, %jit3A_1008 : i32
      %rem3A_1013 = arith.remsi %squeeze3A_1007, %select_n3A_1012 : i32
      %ne3A_1014 = arith.constant 0 : i32
      %ne3A_1015 = arith.cmpi ne, %rem3A_1013, %ne3A_1014 : i32
      %lt3A_1016 = arith.constant 0 : i32
      %lt3A_1017 = arith.cmpi slt, %rem3A_1013, %lt3A_1016 : i32
      %lt3A_1018 = arith.constant 0 : i32
      %lt3A_1019 = arith.cmpi slt, %select_n3A_1012, %lt3A_1018 : i32
      %ne3A_1020 = arith.xori %lt3A_1017, %lt3A_1019 : i1
      %and3A_1021 = arith.andi %ne3A_1020, %ne3A_1015 : i1
      %add3A_1022 = arith.addi %rem3A_1013, %select_n3A_1012 : i32
      %select_n3A_1023 = arith.select %and3A_1021, %add3A_1022, %rem3A_1013 : i32
      %add3A_1024 = arith.constant 128 : i32
      %add3A_1025 = arith.addi %select_n3A_1023, %add3A_1024 : i32
      %broadcast_in_dim3A_1026 = vector.broadcast %add3A_1025 : i32 to vector<16xi32>
      %gather3A_1027 = tpu.vector_load_idx %arg12[%iota3A, %broadcast_in_dim3A_1005] : memref<32x256xf32, #tpu.memory_space<vmem>>[vector<16xi32>, vector<16xi32>], vector<16xf32>,
      %gather3A_1028 = tpu.vector_load_idx %arg12[%add3A_10, %broadcast_in_dim3A_1005] : memref<32x256xf32, #tpu.memory_space<vmem>>[vector<16xi32>, vector<16xi32>], vector<16xf32>,
      %gather3A_1029 = tpu.vector_load_idx %arg16[%iota3A, %broadcast_in_dim3A_1026] : memref<32x256xf32, #tpu.memory_space<vmem>>[vector<16xi32>, vector<16xi32>], vector<16xf32>,
      %gather3A_1030 = tpu.vector_load_idx %arg16[%add3A_10, %broadcast_in_dim3A_1026] : memref<32x256xf32, #tpu.memory_space<vmem>>[vector<16xi32>, vector<16xi32>], vector<16xf32>,
      %mul3A_1031 = arith.mulf %gather3A_1027, %gather3A_1029 : vector<16xf32>
      %mul3A_1032 = arith.mulf %mul3A_1031, %get3A_3 : vector<16xf32>
      %mul3A_1033 = arith.mulf %gather3A_1028, %gather3A_1030 : vector<16xf32>
      %mul3A_1034 = arith.mulf %mul3A_1033, %get3A_5 : vector<16xf32>
      %add3A_1035 = arith.addf %mul3A_1032, %mul3A_1034 : vector<16xf32>
      %reduce_sum3A_1036 = arith.constant true
      %reduce_sum3A_1037 = vector.broadcast %reduce_sum3A_1036 : i1 to vector<16xi1>
      %reduce_sum3A_1038 = tpu.scan <sum>, %add3A_1035 masked %reduce_sum3A_1037 : vector<16xf32>, vector<16xi1> -> vector<16xf32>
      %reduce_sum3A_1039 = vector.extract %reduce_sum3A_1038[15] : f32 from vector<16xf32>
      %mul3A_1040 = arith.constant 2 : i32
      %mul3A_1041 = arith.muli %add3A_878, %mul3A_1040 : i32
      %add3A_1042 = arith.constant 1 : i32
      %add3A_1043 = arith.addi %mul3A_1041, %add3A_1042 : i32
      %jit3A_1044 = arith.constant 16 : i32
      %eq3A_1045 = arith.constant 0 : i32
      %eq3A_1046 = arith.cmpi eq, %jit3A_1044, %eq3A_1045 : i32
      %jit3A_1047 = arith.constant 1 : i32
      %select_n3A_1048 = arith.select %eq3A_1046, %jit3A_1047, %jit3A_1044 : i32
      %rem3A_1049 = arith.remsi %add3A_1043, %select_n3A_1048 : i32
      %ne3A_1050 = arith.constant 0 : i32
      %ne3A_1051 = arith.cmpi ne, %rem3A_1049, %ne3A_1050 : i32
      %lt3A_1052 = arith.constant 0 : i32
      %lt3A_1053 = arith.cmpi slt, %rem3A_1049, %lt3A_1052 : i32
      %lt3A_1054 = arith.constant 0 : i32
      %lt3A_1055 = arith.cmpi slt, %select_n3A_1048, %lt3A_1054 : i32
      %ne3A_1056 = arith.xori %lt3A_1053, %lt3A_1055 : i1
      %and3A_1057 = arith.andi %ne3A_1056, %ne3A_1051 : i1
      %add3A_1058 = arith.addi %rem3A_1049, %select_n3A_1048 : i32
      %select_n3A_1059 = arith.select %and3A_1057, %add3A_1058, %rem3A_1049 : i32
      %eq3A_1060 = vector.broadcast %select_n3A_1059 : i32 to vector<16xi32>
      %eq3A_1061 = arith.cmpi eq, %iota3A, %eq3A_1060 : vector<16xi32>
      %broadcast_in_dim3A_1062 = vector.broadcast %reduce_sum3A_1039 : f32 to vector<16xf32>
      %select_n3A_1063 = arith.select %eq3A_1061, %broadcast_in_dim3A_1062, %select_n3A_984 : vector<16xi1>, vector<16xf32>
      %add3A_1064 = arith.constant 3 : i32
      %add3A_1065 = arith.addi %mul3A_490, %add3A_1064 : i32
      %add3A_1066 = arith.constant 3 : i32
      %add3A_1067 = arith.addi %add3A_1065, %add3A_1066 : i32
      %lt3A_1068 = arith.constant 256 : i32
      %lt3A_1069 = arith.cmpi slt, %add3A_1067, %lt3A_1068 : i32
      %convert_element_type3A_1070 = arith.extui %lt3A_1069 : i1 to i32
      %cond3A_1071 = arith.constant 0 : i32
      %cond3A_1072 = arith.cmpi ne, %convert_element_type3A_1070, %cond3A_1071 : i32
      scf.if %cond3A_1072 {
        %add3A_1272 = arith.constant 3 : i32
        %add3A_1273 = arith.addi %add3A_1065, %add3A_1272 : i32
        %mul3A_1274 = arith.constant 2 : i32
        %mul3A_1275 = arith.muli %add3A_1273, %mul3A_1274 : i32
        %get3A_1276 = arith.index_cast %mul3A_1275 : i32 to index
        %get3A_1277 = tpu.vector_load %arg8[%get3A_1276] {strides = array<i32>} : memref<528xi32, #tpu.memory_space<vmem>>, vector<16xi32>,
        %mul3A_1278 = arith.constant 2 : i32
        %mul3A_1279 = arith.muli %add3A_1273, %mul3A_1278 : i32
        %get3A_1280 = arith.index_cast %mul3A_1279 : i32 to index
        %get3A_1281 = tpu.vector_load %arg9[%get3A_1280] {strides = array<i32>} : memref<528xi32, #tpu.memory_space<vmem>>, vector<16xi32>,
        %slice3A_1282 = vector.extract_strided_slice %get3A_1277 {offsets = [0], sizes = [1], strides = [1]} : vector<16xi32> to vector<1xi32>
        %squeeze3A_1283 = vector.extract %slice3A_1282[0] : i32 from vector<1xi32>
        %jit3A_1284 = arith.constant 128 : i32
        %div3A_1285 = arith.divsi %squeeze3A_1283, %jit3A_1284 : i32
        %sign3A_1286 = arith.constant 0 : i32
        %sign3A_1287 = arith.cmpi sgt, %squeeze3A_1283, %sign3A_1286 : i32
        %sign3A_1288 = arith.extui %sign3A_1287 : i1 to i32
        %sign3A_1289 = arith.constant 0 : i32
        %sign3A_1290 = arith.cmpi slt, %squeeze3A_1283, %sign3A_1289 : i32
        %sign3A_1291 = arith.extui %sign3A_1290 : i1 to i32
        %sign3A_1292 = arith.subi %sign3A_1288, %sign3A_1291 : i32
        %sign3A_1293 = arith.constant 0 : i32
        %sign3A_1294 = arith.cmpi sgt, %jit3A_1284, %sign3A_1293 : i32
        %sign3A_1295 = arith.extui %sign3A_1294 : i1 to i32
        %sign3A_1296 = arith.constant 0 : i32
        %sign3A_1297 = arith.cmpi slt, %jit3A_1284, %sign3A_1296 : i32
        %sign3A_1298 = arith.extui %sign3A_1297 : i1 to i32
        %sign3A_1299 = arith.subi %sign3A_1295, %sign3A_1298 : i32
        %ne3A_1300 = arith.cmpi ne, %sign3A_1292, %sign3A_1299 : i32
        %rem3A_1301 = arith.remsi %squeeze3A_1283, %jit3A_1284 : i32
        %ne3A_1302 = arith.constant 0 : i32
        %ne3A_1303 = arith.cmpi ne, %rem3A_1301, %ne3A_1302 : i32
        %and3A_1304 = arith.andi %ne3A_1300, %ne3A_1303 : i1
        %sub3A_1305 = arith.constant 1 : i32
        %sub3A_1306 = arith.subi %div3A_1285, %sub3A_1305 : i32
        %select_n3A_1307 = arith.select %and3A_1304, %sub3A_1306, %div3A_1285 : i32
        %mul3A_1308 = arith.constant 128 : i32
        %mul3A_1309 = arith.muli %select_n3A_1307, %mul3A_1308 : i32
        %multiple_of3A_1310 = tpu.assume_multiple %mul3A_1309, 128 : i32
        %slice3A_1311 = vector.extract_strided_slice %get3A_1281 {offsets = [0], sizes = [1], strides = [1]} : vector<16xi32> to vector<1xi32>
        %squeeze3A_1312 = vector.extract %slice3A_1311[0] : i32 from vector<1xi32>
        %jit3A_1313 = arith.constant 128 : i32
        %div3A_1314 = arith.divsi %squeeze3A_1312, %jit3A_1313 : i32
        %sign3A_1315 = arith.constant 0 : i32
        %sign3A_1316 = arith.cmpi sgt, %squeeze3A_1312, %sign3A_1315 : i32
        %sign3A_1317 = arith.extui %sign3A_1316 : i1 to i32
        %sign3A_1318 = arith.constant 0 : i32
        %sign3A_1319 = arith.cmpi slt, %squeeze3A_1312, %sign3A_1318 : i32
        %sign3A_1320 = arith.extui %sign3A_1319 : i1 to i32
        %sign3A_1321 = arith.subi %sign3A_1317, %sign3A_1320 : i32
        %sign3A_1322 = arith.constant 0 : i32
        %sign3A_1323 = arith.cmpi sgt, %jit3A_1313, %sign3A_1322 : i32
        %sign3A_1324 = arith.extui %sign3A_1323 : i1 to i32
        %sign3A_1325 = arith.constant 0 : i32
        %sign3A_1326 = arith.cmpi slt, %jit3A_1313, %sign3A_1325 : i32
        %sign3A_1327 = arith.extui %sign3A_1326 : i1 to i32
        %sign3A_1328 = arith.subi %sign3A_1324, %sign3A_1327 : i32
        %ne3A_1329 = arith.cmpi ne, %sign3A_1321, %sign3A_1328 : i32
        %rem3A_1330 = arith.remsi %squeeze3A_1312, %jit3A_1313 : i32
        %ne3A_1331 = arith.constant 0 : i32
        %ne3A_1332 = arith.cmpi ne, %rem3A_1330, %ne3A_1331 : i32
        %and3A_1333 = arith.andi %ne3A_1329, %ne3A_1332 : i1
        %sub3A_1334 = arith.constant 1 : i32
        %sub3A_1335 = arith.subi %div3A_1314, %sub3A_1334 : i32
        %select_n3A_1336 = arith.select %and3A_1333, %sub3A_1335, %div3A_1314 : i32
        %mul3A_1337 = arith.constant 128 : i32
        %mul3A_1338 = arith.muli %select_n3A_1336, %mul3A_1337 : i32
        %multiple_of3A_1339 = tpu.assume_multiple %mul3A_1338, 128 : i32
        %dma_start3A_1340 = arith.constant 0 : i32
        %dma_start3A_1341 = arith.constant 0 : i32
        %dma_start3A_1342 = tpu.memref_slice %arg12[%dma_start3A_1340, %dma_start3A_1341] : memref<32x256xf32, #tpu.memory_space<vmem>> -> memref<32x128xf32, #tpu.memory_space<vmem>>
        %dma_start3A_1343 = arith.constant 0 : i32
        %dma_start3A_1344 = tpu.memref_slice %arg4[%dma_start3A_1343, %multiple_of3A_1310] : memref<32x1000000xf32, #tpu.memory_space<hbm>> -> memref<32x128xf32, #tpu.memory_space<hbm>>
        %dma_start3A_1345 = arith.constant 0 : i32
        %dma_start3A_1346 = arith.constant 0 : i32
        %dma_start3A_1347 = tpu.memref_slice %arg12[%dma_start3A_1345, %dma_start3A_1346] : memref<32x256xf32, #tpu.memory_space<vmem>> -> memref<32x128xf32, #tpu.memory_space<vmem>>
        %dma_start3A_1348 = arith.constant 0 : i32
        %dma_start3A_1349 = tpu.memref_slice %arg4[%dma_start3A_1348, %multiple_of3A_1310] : memref<32x1000000xf32, #tpu.memory_space<hbm>> -> memref<32x128xf32, #tpu.memory_space<hbm>>
        tpu.enqueue_dma source(%dma_start3A_1349 : memref<32x128xf32, #tpu.memory_space<hbm>>) target(%dma_start3A_1347 : memref<32x128xf32, #tpu.memory_space<vmem>>) target_semaphore(%arg22 : memref<!tpu.dma_semaphore, #tpu.memory_space<semaphore_mem>>)
        %dma_start3A_1350 = arith.constant 0 : i32
        %dma_start3A_1351 = arith.constant 0 : i32
        %dma_start3A_1352 = tpu.memref_slice %arg16[%dma_start3A_1350, %dma_start3A_1351] : memref<32x256xf32, #tpu.memory_space<vmem>> -> memref<32x128xf32, #tpu.memory_space<vmem>>
        %dma_start3A_1353 = arith.constant 0 : i32
        %dma_start3A_1354 = tpu.memref_slice %arg5[%dma_start3A_1353, %multiple_of3A_1339] : memref<32x1000000xf32, #tpu.memory_space<hbm>> -> memref<32x128xf32, #tpu.memory_space<hbm>>
        %dma_start3A_1355 = arith.constant 0 : i32
        %dma_start3A_1356 = arith.constant 0 : i32
        %dma_start3A_1357 = tpu.memref_slice %arg16[%dma_start3A_1355, %dma_start3A_1356] : memref<32x256xf32, #tpu.memory_space<vmem>> -> memref<32x128xf32, #tpu.memory_space<vmem>>
        %dma_start3A_1358 = arith.constant 0 : i32
        %dma_start3A_1359 = tpu.memref_slice %arg5[%dma_start3A_1358, %multiple_of3A_1339] : memref<32x1000000xf32, #tpu.memory_space<hbm>> -> memref<32x128xf32, #tpu.memory_space<hbm>>
        tpu.enqueue_dma source(%dma_start3A_1359 : memref<32x128xf32, #tpu.memory_space<hbm>>) target(%dma_start3A_1357 : memref<32x128xf32, #tpu.memory_space<vmem>>) target_semaphore(%arg26 : memref<!tpu.dma_semaphore, #tpu.memory_space<semaphore_mem>>)
        %slice3A_1360 = vector.extract_strided_slice %get3A_1277 {offsets = [1], sizes = [1], strides = [1]} : vector<16xi32> to vector<1xi32>
        %squeeze3A_1361 = vector.extract %slice3A_1360[0] : i32 from vector<1xi32>
        %jit3A_1362 = arith.constant 128 : i32
        %div3A_1363 = arith.divsi %squeeze3A_1361, %jit3A_1362 : i32
        %sign3A_1364 = arith.constant 0 : i32
        %sign3A_1365 = arith.cmpi sgt, %squeeze3A_1361, %sign3A_1364 : i32
        %sign3A_1366 = arith.extui %sign3A_1365 : i1 to i32
        %sign3A_1367 = arith.constant 0 : i32
        %sign3A_1368 = arith.cmpi slt, %squeeze3A_1361, %sign3A_1367 : i32
        %sign3A_1369 = arith.extui %sign3A_1368 : i1 to i32
        %sign3A_1370 = arith.subi %sign3A_1366, %sign3A_1369 : i32
        %sign3A_1371 = arith.constant 0 : i32
        %sign3A_1372 = arith.cmpi sgt, %jit3A_1362, %sign3A_1371 : i32
        %sign3A_1373 = arith.extui %sign3A_1372 : i1 to i32
        %sign3A_1374 = arith.constant 0 : i32
        %sign3A_1375 = arith.cmpi slt, %jit3A_1362, %sign3A_1374 : i32
        %sign3A_1376 = arith.extui %sign3A_1375 : i1 to i32
        %sign3A_1377 = arith.subi %sign3A_1373, %sign3A_1376 : i32
        %ne3A_1378 = arith.cmpi ne, %sign3A_1370, %sign3A_1377 : i32
        %rem3A_1379 = arith.remsi %squeeze3A_1361, %jit3A_1362 : i32
        %ne3A_1380 = arith.constant 0 : i32
        %ne3A_1381 = arith.cmpi ne, %rem3A_1379, %ne3A_1380 : i32
        %and3A_1382 = arith.andi %ne3A_1378, %ne3A_1381 : i1
        %sub3A_1383 = arith.constant 1 : i32
        %sub3A_1384 = arith.subi %div3A_1363, %sub3A_1383 : i32
        %select_n3A_1385 = arith.select %and3A_1382, %sub3A_1384, %div3A_1363 : i32
        %mul3A_1386 = arith.constant 128 : i32
        %mul3A_1387 = arith.muli %select_n3A_1385, %mul3A_1386 : i32
        %multiple_of3A_1388 = tpu.assume_multiple %mul3A_1387, 128 : i32
        %slice3A_1389 = vector.extract_strided_slice %get3A_1281 {offsets = [1], sizes = [1], strides = [1]} : vector<16xi32> to vector<1xi32>
        %squeeze3A_1390 = vector.extract %slice3A_1389[0] : i32 from vector<1xi32>
        %jit3A_1391 = arith.constant 128 : i32
        %div3A_1392 = arith.divsi %squeeze3A_1390, %jit3A_1391 : i32
        %sign3A_1393 = arith.constant 0 : i32
        %sign3A_1394 = arith.cmpi sgt, %squeeze3A_1390, %sign3A_1393 : i32
        %sign3A_1395 = arith.extui %sign3A_1394 : i1 to i32
        %sign3A_1396 = arith.constant 0 : i32
        %sign3A_1397 = arith.cmpi slt, %squeeze3A_1390, %sign3A_1396 : i32
        %sign3A_1398 = arith.extui %sign3A_1397 : i1 to i32
        %sign3A_1399 = arith.subi %sign3A_1395, %sign3A_1398 : i32
        %sign3A_1400 = arith.constant 0 : i32
        %sign3A_1401 = arith.cmpi sgt, %jit3A_1391, %sign3A_1400 : i32
        %sign3A_1402 = arith.extui %sign3A_1401 : i1 to i32
        %sign3A_1403 = arith.constant 0 : i32
        %sign3A_1404 = arith.cmpi slt, %jit3A_1391, %sign3A_1403 : i32
        %sign3A_1405 = arith.extui %sign3A_1404 : i1 to i32
        %sign3A_1406 = arith.subi %sign3A_1402, %sign3A_1405 : i32
        %ne3A_1407 = arith.cmpi ne, %sign3A_1399, %sign3A_1406 : i32
        %rem3A_1408 = arith.remsi %squeeze3A_1390, %jit3A_1391 : i32
        %ne3A_1409 = arith.constant 0 : i32
        %ne3A_1410 = arith.cmpi ne, %rem3A_1408, %ne3A_1409 : i32
        %and3A_1411 = arith.andi %ne3A_1407, %ne3A_1410 : i1
        %sub3A_1412 = arith.constant 1 : i32
        %sub3A_1413 = arith.subi %div3A_1392, %sub3A_1412 : i32
        %select_n3A_1414 = arith.select %and3A_1411, %sub3A_1413, %div3A_1392 : i32
        %mul3A_1415 = arith.constant 128 : i32
        %mul3A_1416 = arith.muli %select_n3A_1414, %mul3A_1415 : i32
        %multiple_of3A_1417 = tpu.assume_multiple %mul3A_1416, 128 : i32
        %dma_start3A_1418 = arith.constant 0 : i32
        %dma_start3A_1419 = arith.constant 128 : i32
        %dma_start3A_1420 = tpu.memref_slice %arg12[%dma_start3A_1418, %dma_start3A_1419] : memref<32x256xf32, #tpu.memory_space<vmem>> -> memref<32x128xf32, #tpu.memory_space<vmem>>
        %dma_start3A_1421 = arith.constant 0 : i32
        %dma_start3A_1422 = tpu.memref_slice %arg4[%dma_start3A_1421, %multiple_of3A_1388] : memref<32x1000000xf32, #tpu.memory_space<hbm>> -> memref<32x128xf32, #tpu.memory_space<hbm>>
        %dma_start3A_1423 = arith.constant 0 : i32
        %dma_start3A_1424 = arith.constant 128 : i32
        %dma_start3A_1425 = tpu.memref_slice %arg12[%dma_start3A_1423, %dma_start3A_1424] : memref<32x256xf32, #tpu.memory_space<vmem>> -> memref<32x128xf32, #tpu.memory_space<vmem>>
        %dma_start3A_1426 = arith.constant 0 : i32
        %dma_start3A_1427 = tpu.memref_slice %arg4[%dma_start3A_1426, %multiple_of3A_1388] : memref<32x1000000xf32, #tpu.memory_space<hbm>> -> memref<32x128xf32, #tpu.memory_space<hbm>>
        tpu.enqueue_dma source(%dma_start3A_1427 : memref<32x128xf32, #tpu.memory_space<hbm>>) target(%dma_start3A_1425 : memref<32x128xf32, #tpu.memory_space<vmem>>) target_semaphore(%arg22 : memref<!tpu.dma_semaphore, #tpu.memory_space<semaphore_mem>>)
        %dma_start3A_1428 = arith.constant 0 : i32
        %dma_start3A_1429 = arith.constant 128 : i32
        %dma_start3A_1430 = tpu.memref_slice %arg16[%dma_start3A_1428, %dma_start3A_1429] : memref<32x256xf32, #tpu.memory_space<vmem>> -> memref<32x128xf32, #tpu.memory_space<vmem>>
        %dma_start3A_1431 = arith.constant 0 : i32
        %dma_start3A_1432 = tpu.memref_slice %arg5[%dma_start3A_1431, %multiple_of3A_1417] : memref<32x1000000xf32, #tpu.memory_space<hbm>> -> memref<32x128xf32, #tpu.memory_space<hbm>>
        %dma_start3A_1433 = arith.constant 0 : i32
        %dma_start3A_1434 = arith.constant 128 : i32
        %dma_start3A_1435 = tpu.memref_slice %arg16[%dma_start3A_1433, %dma_start3A_1434] : memref<32x256xf32, #tpu.memory_space<vmem>> -> memref<32x128xf32, #tpu.memory_space<vmem>>
        %dma_start3A_1436 = arith.constant 0 : i32
        %dma_start3A_1437 = tpu.memref_slice %arg5[%dma_start3A_1436, %multiple_of3A_1417] : memref<32x1000000xf32, #tpu.memory_space<hbm>> -> memref<32x128xf32, #tpu.memory_space<hbm>>
        tpu.enqueue_dma source(%dma_start3A_1437 : memref<32x128xf32, #tpu.memory_space<hbm>>) target(%dma_start3A_1435 : memref<32x128xf32, #tpu.memory_space<vmem>>) target_semaphore(%arg26 : memref<!tpu.dma_semaphore, #tpu.memory_space<semaphore_mem>>)
      } else {
      }
      %dma_wait3A_1073 = arith.constant 0 : i32
      %dma_wait3A_1074 = arith.constant 0 : i32
      %dma_wait3A_1075 = tpu.memref_slice %arg4[%dma_wait3A_1073, %dma_wait3A_1074] : memref<32x1000000xf32, #tpu.memory_space<hbm>> -> memref<32x256xf32, #tpu.memory_space<hbm>>
      %dma_wait3A_1076 = arith.constant 0 : i32
      %dma_wait3A_1077 = arith.constant 0 : i32
      %dma_wait3A_1078 = tpu.memref_slice %arg4[%dma_wait3A_1076, %dma_wait3A_1077] : memref<32x1000000xf32, #tpu.memory_space<hbm>> -> memref<32x256xf32, #tpu.memory_space<hbm>>
      tpu.wait_dma2 semaphore(%arg23 : memref<!tpu.dma_semaphore, #tpu.memory_space<semaphore_mem>>) src(%dma_wait3A_1078 : memref<32x256xf32, #tpu.memory_space<hbm>>) dst(%arg13 : memref<32x256xf32, #tpu.memory_space<vmem>>)
      %dma_wait3A_1079 = arith.constant 0 : i32
      %dma_wait3A_1080 = arith.constant 0 : i32
      %dma_wait3A_1081 = tpu.memref_slice %arg5[%dma_wait3A_1079, %dma_wait3A_1080] : memref<32x1000000xf32, #tpu.memory_space<hbm>> -> memref<32x256xf32, #tpu.memory_space<hbm>>
      %dma_wait3A_1082 = arith.constant 0 : i32
      %dma_wait3A_1083 = arith.constant 0 : i32
      %dma_wait3A_1084 = tpu.memref_slice %arg5[%dma_wait3A_1082, %dma_wait3A_1083] : memref<32x1000000xf32, #tpu.memory_space<hbm>> -> memref<32x256xf32, #tpu.memory_space<hbm>>
      tpu.wait_dma2 semaphore(%arg27 : memref<!tpu.dma_semaphore, #tpu.memory_space<semaphore_mem>>) src(%dma_wait3A_1084 : memref<32x256xf32, #tpu.memory_space<hbm>>) dst(%arg17 : memref<32x256xf32, #tpu.memory_space<vmem>>)
      %mul3A_1085 = arith.constant 2 : i32
      %mul3A_1086 = arith.muli %add3A_1065, %mul3A_1085 : i32
      %get3A_1087 = arith.index_cast %mul3A_1086 : i32 to index
      %get3A_1088 = tpu.vector_load %arg8[%get3A_1087] {strides = array<i32>} : memref<528xi32, #tpu.memory_space<vmem>>, vector<16xi32>,
      %mul3A_1089 = arith.constant 2 : i32
      %mul3A_1090 = arith.muli %add3A_1065, %mul3A_1089 : i32
      %get3A_1091 = arith.index_cast %mul3A_1090 : i32 to index
      %get3A_1092 = tpu.vector_load %arg9[%get3A_1091] {strides = array<i32>} : memref<528xi32, #tpu.memory_space<vmem>>, vector<16xi32>,
      %slice3A_1093 = vector.extract_strided_slice %get3A_1088 {offsets = [0], sizes = [1], strides = [1]} : vector<16xi32> to vector<1xi32>
      %squeeze3A_1094 = vector.extract %slice3A_1093[0] : i32 from vector<1xi32>
      %jit3A_1095 = arith.constant 128 : i32
      %eq3A_1096 = arith.constant 0 : i32
      %eq3A_1097 = arith.cmpi eq, %jit3A_1095, %eq3A_1096 : i32
      %jit3A_1098 = arith.constant 1 : i32
      %select_n3A_1099 = arith.select %eq3A_1097, %jit3A_1098, %jit3A_1095 : i32
      %rem3A_1100 = arith.remsi %squeeze3A_1094, %select_n3A_1099 : i32
      %ne3A_1101 = arith.constant 0 : i32
      %ne3A_1102 = arith.cmpi ne, %rem3A_1100, %ne3A_1101 : i32
      %lt3A_1103 = arith.constant 0 : i32
      %lt3A_1104 = arith.cmpi slt, %rem3A_1100, %lt3A_1103 : i32
      %lt3A_1105 = arith.constant 0 : i32
      %lt3A_1106 = arith.cmpi slt, %select_n3A_1099, %lt3A_1105 : i32
      %ne3A_1107 = arith.xori %lt3A_1104, %lt3A_1106 : i1
      %and3A_1108 = arith.andi %ne3A_1107, %ne3A_1102 : i1
      %add3A_1109 = arith.addi %rem3A_1100, %select_n3A_1099 : i32
      %select_n3A_1110 = arith.select %and3A_1108, %add3A_1109, %rem3A_1100 : i32
      %add3A_1111 = arith.constant 0 : i32
      %add3A_1112 = arith.addi %select_n3A_1110, %add3A_1111 : i32
      %broadcast_in_dim3A_1113 = vector.broadcast %add3A_1112 : i32 to vector<16xi32>
      %slice3A_1114 = vector.extract_strided_slice %get3A_1092 {offsets = [0], sizes = [1], strides = [1]} : vector<16xi32> to vector<1xi32>
      %squeeze3A_1115 = vector.extract %slice3A_1114[0] : i32 from vector<1xi32>
      %jit3A_1116 = arith.constant 128 : i32
      %eq3A_1117 = arith.constant 0 : i32
      %eq3A_1118 = arith.cmpi eq, %jit3A_1116, %eq3A_1117 : i32
      %jit3A_1119 = arith.constant 1 : i32
      %select_n3A_1120 = arith.select %eq3A_1118, %jit3A_1119, %jit3A_1116 : i32
      %rem3A_1121 = arith.remsi %squeeze3A_1115, %select_n3A_1120 : i32
      %ne3A_1122 = arith.constant 0 : i32
      %ne3A_1123 = arith.cmpi ne, %rem3A_1121, %ne3A_1122 : i32
      %lt3A_1124 = arith.constant 0 : i32
      %lt3A_1125 = arith.cmpi slt, %rem3A_1121, %lt3A_1124 : i32
      %lt3A_1126 = arith.constant 0 : i32
      %lt3A_1127 = arith.cmpi slt, %select_n3A_1120, %lt3A_1126 : i32
      %ne3A_1128 = arith.xori %lt3A_1125, %lt3A_1127 : i1
      %and3A_1129 = arith.andi %ne3A_1128, %ne3A_1123 : i1
      %add3A_1130 = arith.addi %rem3A_1121, %select_n3A_1120 : i32
      %select_n3A_1131 = arith.select %and3A_1129, %add3A_1130, %rem3A_1121 : i32
      %add3A_1132 = arith.constant 0 : i32
      %add3A_1133 = arith.addi %select_n3A_1131, %add3A_1132 : i32
      %broadcast_in_dim3A_1134 = vector.broadcast %add3A_1133 : i32 to vector<16xi32>
      %gather3A_1135 = tpu.vector_load_idx %arg13[%iota3A, %broadcast_in_dim3A_1113] : memref<32x256xf32, #tpu.memory_space<vmem>>[vector<16xi32>, vector<16xi32>], vector<16xf32>,
      %gather3A_1136 = tpu.vector_load_idx %arg13[%add3A_10, %broadcast_in_dim3A_1113] : memref<32x256xf32, #tpu.memory_space<vmem>>[vector<16xi32>, vector<16xi32>], vector<16xf32>,
      %gather3A_1137 = tpu.vector_load_idx %arg17[%iota3A, %broadcast_in_dim3A_1134] : memref<32x256xf32, #tpu.memory_space<vmem>>[vector<16xi32>, vector<16xi32>], vector<16xf32>,
      %gather3A_1138 = tpu.vector_load_idx %arg17[%add3A_10, %broadcast_in_dim3A_1134] : memref<32x256xf32, #tpu.memory_space<vmem>>[vector<16xi32>, vector<16xi32>], vector<16xf32>,
      %mul3A_1139 = arith.mulf %gather3A_1135, %gather3A_1137 : vector<16xf32>
      %mul3A_1140 = arith.mulf %mul3A_1139, %get3A_3 : vector<16xf32>
      %mul3A_1141 = arith.mulf %gather3A_1136, %gather3A_1138 : vector<16xf32>
      %mul3A_1142 = arith.mulf %mul3A_1141, %get3A_5 : vector<16xf32>
      %add3A_1143 = arith.addf %mul3A_1140, %mul3A_1142 : vector<16xf32>
      %reduce_sum3A_1144 = arith.constant true
      %reduce_sum3A_1145 = vector.broadcast %reduce_sum3A_1144 : i1 to vector<16xi1>
      %reduce_sum3A_1146 = tpu.scan <sum>, %add3A_1143 masked %reduce_sum3A_1145 : vector<16xf32>, vector<16xi1> -> vector<16xf32>
      %reduce_sum3A_1147 = vector.extract %reduce_sum3A_1146[15] : f32 from vector<16xf32>
      %mul3A_1148 = arith.constant 2 : i32
      %mul3A_1149 = arith.muli %add3A_1065, %mul3A_1148 : i32
      %add3A_1150 = arith.constant 0 : i32
      %add3A_1151 = arith.addi %mul3A_1149, %add3A_1150 : i32
      %jit3A_1152 = arith.constant 16 : i32
      %eq3A_1153 = arith.constant 0 : i32
      %eq3A_1154 = arith.cmpi eq, %jit3A_1152, %eq3A_1153 : i32
      %jit3A_1155 = arith.constant 1 : i32
      %select_n3A_1156 = arith.select %eq3A_1154, %jit3A_1155, %jit3A_1152 : i32
      %rem3A_1157 = arith.remsi %add3A_1151, %select_n3A_1156 : i32
      %ne3A_1158 = arith.constant 0 : i32
      %ne3A_1159 = arith.cmpi ne, %rem3A_1157, %ne3A_1158 : i32
      %lt3A_1160 = arith.constant 0 : i32
      %lt3A_1161 = arith.cmpi slt, %rem3A_1157, %lt3A_1160 : i32
      %lt3A_1162 = arith.constant 0 : i32
      %lt3A_1163 = arith.cmpi slt, %select_n3A_1156, %lt3A_1162 : i32
      %ne3A_1164 = arith.xori %lt3A_1161, %lt3A_1163 : i1
      %and3A_1165 = arith.andi %ne3A_1164, %ne3A_1159 : i1
      %add3A_1166 = arith.addi %rem3A_1157, %select_n3A_1156 : i32
      %select_n3A_1167 = arith.select %and3A_1165, %add3A_1166, %rem3A_1157 : i32
      %eq3A_1168 = vector.broadcast %select_n3A_1167 : i32 to vector<16xi32>
      %eq3A_1169 = arith.cmpi eq, %iota3A, %eq3A_1168 : vector<16xi32>
      %broadcast_in_dim3A_1170 = vector.broadcast %reduce_sum3A_1147 : f32 to vector<16xf32>
      %select_n3A_1171 = arith.select %eq3A_1169, %broadcast_in_dim3A_1170, %select_n3A_1063 : vector<16xi1>, vector<16xf32>
      %slice3A_1172 = vector.extract_strided_slice %get3A_1088 {offsets = [1], sizes = [1], strides = [1]} : vector<16xi32> to vector<1xi32>
      %squeeze3A_1173 = vector.extract %slice3A_1172[0] : i32 from vector<1xi32>
      %jit3A_1174 = arith.constant 128 : i32
      %eq3A_1175 = arith.constant 0 : i32
      %eq3A_1176 = arith.cmpi eq, %jit3A_1174, %eq3A_1175 : i32
      %jit3A_1177 = arith.constant 1 : i32
      %select_n3A_1178 = arith.select %eq3A_1176, %jit3A_1177, %jit3A_1174 : i32
      %rem3A_1179 = arith.remsi %squeeze3A_1173, %select_n3A_1178 : i32
      %ne3A_1180 = arith.constant 0 : i32
      %ne3A_1181 = arith.cmpi ne, %rem3A_1179, %ne3A_1180 : i32
      %lt3A_1182 = arith.constant 0 : i32
      %lt3A_1183 = arith.cmpi slt, %rem3A_1179, %lt3A_1182 : i32
      %lt3A_1184 = arith.constant 0 : i32
      %lt3A_1185 = arith.cmpi slt, %select_n3A_1178, %lt3A_1184 : i32
      %ne3A_1186 = arith.xori %lt3A_1183, %lt3A_1185 : i1
      %and3A_1187 = arith.andi %ne3A_1186, %ne3A_1181 : i1
      %add3A_1188 = arith.addi %rem3A_1179, %select_n3A_1178 : i32
      %select_n3A_1189 = arith.select %and3A_1187, %add3A_1188, %rem3A_1179 : i32
      %add3A_1190 = arith.constant 128 : i32
      %add3A_1191 = arith.addi %select_n3A_1189, %add3A_1190 : i32
      %broadcast_in_dim3A_1192 = vector.broadcast %add3A_1191 : i32 to vector<16xi32>
      %slice3A_1193 = vector.extract_strided_slice %get3A_1092 {offsets = [1], sizes = [1], strides = [1]} : vector<16xi32> to vector<1xi32>
      %squeeze3A_1194 = vector.extract %slice3A_1193[0] : i32 from vector<1xi32>
      %jit3A_1195 = arith.constant 128 : i32
      %eq3A_1196 = arith.constant 0 : i32
      %eq3A_1197 = arith.cmpi eq, %jit3A_1195, %eq3A_1196 : i32
      %jit3A_1198 = arith.constant 1 : i32
      %select_n3A_1199 = arith.select %eq3A_1197, %jit3A_1198, %jit3A_1195 : i32
      %rem3A_1200 = arith.remsi %squeeze3A_1194, %select_n3A_1199 : i32
      %ne3A_1201 = arith.constant 0 : i32
      %ne3A_1202 = arith.cmpi ne, %rem3A_1200, %ne3A_1201 : i32
      %lt3A_1203 = arith.constant 0 : i32
      %lt3A_1204 = arith.cmpi slt, %rem3A_1200, %lt3A_1203 : i32
      %lt3A_1205 = arith.constant 0 : i32
      %lt3A_1206 = arith.cmpi slt, %select_n3A_1199, %lt3A_1205 : i32
      %ne3A_1207 = arith.xori %lt3A_1204, %lt3A_1206 : i1
      %and3A_1208 = arith.andi %ne3A_1207, %ne3A_1202 : i1
      %add3A_1209 = arith.addi %rem3A_1200, %select_n3A_1199 : i32
      %select_n3A_1210 = arith.select %and3A_1208, %add3A_1209, %rem3A_1200 : i32
      %add3A_1211 = arith.constant 128 : i32
      %add3A_1212 = arith.addi %select_n3A_1210, %add3A_1211 : i32
      %broadcast_in_dim3A_1213 = vector.broadcast %add3A_1212 : i32 to vector<16xi32>
      %gather3A_1214 = tpu.vector_load_idx %arg13[%iota3A, %broadcast_in_dim3A_1192] : memref<32x256xf32, #tpu.memory_space<vmem>>[vector<16xi32>, vector<16xi32>], vector<16xf32>,
      %gather3A_1215 = tpu.vector_load_idx %arg13[%add3A_10, %broadcast_in_dim3A_1192] : memref<32x256xf32, #tpu.memory_space<vmem>>[vector<16xi32>, vector<16xi32>], vector<16xf32>,
      %gather3A_1216 = tpu.vector_load_idx %arg17[%iota3A, %broadcast_in_dim3A_1213] : memref<32x256xf32, #tpu.memory_space<vmem>>[vector<16xi32>, vector<16xi32>], vector<16xf32>,
      %gather3A_1217 = tpu.vector_load_idx %arg17[%add3A_10, %broadcast_in_dim3A_1213] : memref<32x256xf32, #tpu.memory_space<vmem>>[vector<16xi32>, vector<16xi32>], vector<16xf32>,
      %mul3A_1218 = arith.mulf %gather3A_1214, %gather3A_1216 : vector<16xf32>
      %mul3A_1219 = arith.mulf %mul3A_1218, %get3A_3 : vector<16xf32>
      %mul3A_1220 = arith.mulf %gather3A_1215, %gather3A_1217 : vector<16xf32>
      %mul3A_1221 = arith.mulf %mul3A_1220, %get3A_5 : vector<16xf32>
      %add3A_1222 = arith.addf %mul3A_1219, %mul3A_1221 : vector<16xf32>
      %reduce_sum3A_1223 = arith.constant true
      %reduce_sum3A_1224 = vector.broadcast %reduce_sum3A_1223 : i1 to vector<16xi1>
      %reduce_sum3A_1225 = tpu.scan <sum>, %add3A_1222 masked %reduce_sum3A_1224 : vector<16xf32>, vector<16xi1> -> vector<16xf32>
      %reduce_sum3A_1226 = vector.extract %reduce_sum3A_1225[15] : f32 from vector<16xf32>
      %mul3A_1227 = arith.constant 2 : i32
      %mul3A_1228 = arith.muli %add3A_1065, %mul3A_1227 : i32
      %add3A_1229 = arith.constant 1 : i32
      %add3A_1230 = arith.addi %mul3A_1228, %add3A_1229 : i32
      %jit3A_1231 = arith.constant 16 : i32
      %eq3A_1232 = arith.constant 0 : i32
      %eq3A_1233 = arith.cmpi eq, %jit3A_1231, %eq3A_1232 : i32
      %jit3A_1234 = arith.constant 1 : i32
      %select_n3A_1235 = arith.select %eq3A_1233, %jit3A_1234, %jit3A_1231 : i32
      %rem3A_1236 = arith.remsi %add3A_1230, %select_n3A_1235 : i32
      %ne3A_1237 = arith.constant 0 : i32
      %ne3A_1238 = arith.cmpi ne, %rem3A_1236, %ne3A_1237 : i32
      %lt3A_1239 = arith.constant 0 : i32
      %lt3A_1240 = arith.cmpi slt, %rem3A_1236, %lt3A_1239 : i32
      %lt3A_1241 = arith.constant 0 : i32
      %lt3A_1242 = arith.cmpi slt, %select_n3A_1235, %lt3A_1241 : i32
      %ne3A_1243 = arith.xori %lt3A_1240, %lt3A_1242 : i1
      %and3A_1244 = arith.andi %ne3A_1243, %ne3A_1238 : i1
      %add3A_1245 = arith.addi %rem3A_1236, %select_n3A_1235 : i32
      %select_n3A_1246 = arith.select %and3A_1244, %add3A_1245, %rem3A_1236 : i32
      %eq3A_1247 = vector.broadcast %select_n3A_1246 : i32 to vector<16xi32>
      %eq3A_1248 = arith.cmpi eq, %iota3A, %eq3A_1247 : vector<16xi32>
      %broadcast_in_dim3A_1249 = vector.broadcast %reduce_sum3A_1226 : f32 to vector<16xf32>
      %select_n3A_1250 = arith.select %eq3A_1248, %broadcast_in_dim3A_1249, %select_n3A_1171 : vector<16xi1>, vector<16xf32>
      %jit3A_1251 = arith.constant 2 : i32
      %eq3A_1252 = arith.constant 0 : i32
      %eq3A_1253 = arith.cmpi eq, %jit3A_1251, %eq3A_1252 : i32
      %jit3A_1254 = arith.constant 1 : i32
      %select_n3A_1255 = arith.select %eq3A_1253, %jit3A_1254, %jit3A_1251 : i32
      %rem3A_1256 = arith.remsi %scan3A_487, %select_n3A_1255 : i32
      %ne3A_1257 = arith.constant 0 : i32
      %ne3A_1258 = arith.cmpi ne, %rem3A_1256, %ne3A_1257 : i32
      %lt3A_1259 = arith.constant 0 : i32
      %lt3A_1260 = arith.cmpi slt, %rem3A_1256, %lt3A_1259 : i32
      %lt3A_1261 = arith.constant 0 : i32
      %lt3A_1262 = arith.cmpi slt, %select_n3A_1255, %lt3A_1261 : i32
      %ne3A_1263 = arith.xori %lt3A_1260, %lt3A_1262 : i1
      %and3A_1264 = arith.andi %ne3A_1263, %ne3A_1258 : i1
      %add3A_1265 = arith.addi %rem3A_1256, %select_n3A_1255 : i32
      %select_n3A_1266 = arith.select %and3A_1264, %add3A_1265, %rem3A_1256 : i32
      %eq3A_1267 = arith.constant 1 : i32
      %eq3A_1268 = arith.cmpi eq, %select_n3A_1266, %eq3A_1267 : i32
      %convert_element_type3A_1269 = arith.extui %eq3A_1268 : i1 to i32
      %cond3A_1270 = arith.constant 0 : i32
      %cond3A_1271 = arith.cmpi ne, %convert_element_type3A_1269, %cond3A_1270 : i32
      scf.if %cond3A_1271 {
        %add3A_1272 = vector.broadcast %squeeze3A : f32 to vector<16xf32>
        %add3A_1273 = arith.addf %select_n3A_1250, %add3A_1272 : vector<16xf32>
        %jit3A_1274 = arith.constant 2 : i32
        %div3A_1275 = arith.divsi %scan3A_487, %jit3A_1274 : i32
        %sign3A_1276 = arith.constant 0 : i32
        %sign3A_1277 = arith.cmpi sgt, %scan3A_487, %sign3A_1276 : i32
        %sign3A_1278 = arith.extui %sign3A_1277 : i1 to i32
        %sign3A_1279 = arith.constant 0 : i32
        %sign3A_1280 = arith.cmpi slt, %scan3A_487, %sign3A_1279 : i32
        %sign3A_1281 = arith.extui %sign3A_1280 : i1 to i32
        %sign3A_1282 = arith.subi %sign3A_1278, %sign3A_1281 : i32
        %sign3A_1283 = arith.constant 0 : i32
        %sign3A_1284 = arith.cmpi sgt, %jit3A_1274, %sign3A_1283 : i32
        %sign3A_1285 = arith.extui %sign3A_1284 : i1 to i32
        %sign3A_1286 = arith.constant 0 : i32
        %sign3A_1287 = arith.cmpi slt, %jit3A_1274, %sign3A_1286 : i32
        %sign3A_1288 = arith.extui %sign3A_1287 : i1 to i32
        %sign3A_1289 = arith.subi %sign3A_1285, %sign3A_1288 : i32
        %ne3A_1290 = arith.cmpi ne, %sign3A_1282, %sign3A_1289 : i32
        %rem3A_1291 = arith.remsi %scan3A_487, %jit3A_1274 : i32
        %ne3A_1292 = arith.constant 0 : i32
        %ne3A_1293 = arith.cmpi ne, %rem3A_1291, %ne3A_1292 : i32
        %and3A_1294 = arith.andi %ne3A_1290, %ne3A_1293 : i1
        %sub3A_1295 = arith.constant 1 : i32
        %sub3A_1296 = arith.subi %div3A_1275, %sub3A_1295 : i32
        %select_n3A_1297 = arith.select %and3A_1294, %sub3A_1296, %div3A_1275 : i32
        %mul3A_1298 = arith.constant 16 : i32
        %mul3A_1299 = arith.muli %select_n3A_1297, %mul3A_1298 : i32
        %swap3A = arith.index_cast %mul3A_1299 : i32 to index
        %swap3A_1300 = tpu.vector_load %arg19[%swap3A] {strides = array<i32>} : memref<512xf32, #tpu.memory_space<vmem>>, vector<16xf32>,
        tpu.vector_store %arg19[%swap3A], %add3A_1273 {strides = array<i32>} : memref<512xf32, #tpu.memory_space<vmem>>, vector<16xf32>,
      } else {
      }
      scf.yield %select_n3A_1250 : vector<16xf32>
    }
    %scan3A_486 = arith.constant 64 : i32
    "tpu.region"() ({
      %run_scoped3A = tpu.sem_alloc : memref<!tpu.dma_semaphore, #tpu.memory_space<semaphore_mem>>
      %dma_start3A_487 = tpu.memref_slice %arg7[%mul3A_2] : memref<16384xf32, #tpu.memory_space<hbm>> -> memref<512xf32, #tpu.memory_space<hbm>>
      %dma_start3A_488 = tpu.memref_slice %arg7[%mul3A_2] : memref<16384xf32, #tpu.memory_space<hbm>> -> memref<512xf32, #tpu.memory_space<hbm>>
      tpu.enqueue_dma source(%arg19 : memref<512xf32, #tpu.memory_space<vmem>>) target(%dma_start3A_488 : memref<512xf32, #tpu.memory_space<hbm>>) target_semaphore(%run_scoped3A : memref<!tpu.dma_semaphore, #tpu.memory_space<semaphore_mem>>)
      %dma_wait3A = tpu.memref_slice %arg7[%mul3A_2] : memref<16384xf32, #tpu.memory_space<hbm>> -> memref<512xf32, #tpu.memory_space<hbm>>
      %dma_wait3A_489 = tpu.memref_slice %arg7[%mul3A_2] : memref<16384xf32, #tpu.memory_space<hbm>> -> memref<512xf32, #tpu.memory_space<hbm>>
      tpu.wait_dma2 semaphore(%run_scoped3A : memref<!tpu.dma_semaphore, #tpu.memory_space<semaphore_mem>>) src(%arg19 : memref<512xf32, #tpu.memory_space<vmem>>) dst(%dma_wait3A_489 : memref<512xf32, #tpu.memory_space<hbm>>)
      tpu.yield
    }) : () -> ()
    return
  }
}

</mosaic_0001>

<sc_bundles>
// kernel: kernel.3.cloned.1.call-start
scs
__scs_entry_jumppad:
0x0: {  	(pc) =	sbr.rel $0x88, $3  }
0x1: {  	(tag) =	ssettag $0x0;
	lr =	simm.s32 $0x1  }
0x2: {  	[smem:$0x3F9B] =	sst lr;
	_ =	strace $0xD0000000  }
0x3: {  	_ = 	snop  }
0x4: {  	_ = 	snop  }
0x5: {  	_ = 	snop  }
0x6: {  	_ = 	snop  }
0x7: {  	_ = 	snop  }
__scs_overlays_trampoline_lowered:
0x8: {  	[smem:$0x3FAA] =	sst s0  }
0x9: {  	[smem:$0x3FAB] =	sst s1  }
0xa: {  	[smem:$0x3FAC] =	sst s2  }
0xb: {  	[smem:$0x3FAD] =	sst s3  }
0xc: {  	[smem:$0x3FAE] =	sst s4  }
0xd: {  	[smem:$0x3FAF] =	sst s5  }
0xe: {  	[smem:$0x3FB0] =	sst s6  }
0xf: {  	[smem:$0x3FB1] =	sst s7  }
0x10: {  	[smem:$0x3FB2] =	sst s8  }
0x11: {  	[smem:$0x3FB3] =	sst s9;
	s0 =	simm.s32 @!p0 $0x0  }
0x12: {  	s1 =	sld [smem:$0x3F99];
	s0 =	simm.s32 @p0 $0x1  }
0x13: {  	[smem:$0x3FB4] =	sst s0;
	s0 =	simm.s32 @!p1 $0x0  }
0x14: {  	s2 =	sld [smem:$0x3F98];
	s0 =	simm.s32 @p1 $0x1  }
0x15: {  	[smem:$0x3FB5] =	sst s0;
	s0 =	simm.s32 @!p2 $0x0  }
0x16: {  	s3 =	sld [smem:$0x3FDB];
	s0 =	simm.s32 @p2 $0x1  }
0x17: {  	s4 =	simm.s32 $0x1BF5;
	[smem:$0x3FB7] =	sst s0  }
0x18: {  	s0 =	sld [smem:$0x3F9A];
	_ =	swait.ge [sflag:s4], $0x0  }
0x19: {  	s7 =	sld [smem:$0x3F9B]  }
0x1a: {  	s8 =	sadd.s32 $0xFFFFE003, lr  }
0x1b: {  	s9 =	sadd.s32 $0xFFFFFEF7, lr;
	s5 =	simm.s32 $0xFFFFFFFF;
	p2 =	slt.u32 s8, $0xFFFFF086  }
0x1c: {  	p1 =	slt.u32 s9, $0xF7A;
	s5 =	simm.s32 @!p2 $0x0  }
0x1d: {  	s5 =	simm.s32 @p1 $0x1;
	p0 =	seq.s32 s7, s2  }
0x1e: {  	s7 =	smul.u32 @!p0 $0xF7A, s2;
	p2 =	seq.s32 @!p0 s5, $0x0  }
0x1f: {  	s9 =	smul.u32 $0xF7A, s1;
	s8 =	simm.s32 @!p0 $0x1BF5;
	p2 =	por !p2, p0  }
0x20: {  	[sflag:s8] =	ssyncset.s32 @!p0 $0xFFFFF086;
	s6 =	sadd.s32 @!p0 s3, s7;
	s7 =	simm.s32 @!p0 $0x108  }
0x21: {  	s3 =	sadd.s32 s3, s9;
	s6 =	sadd.s32 @!p0 $0x88, s6;
	s7 =	simm.s32 @p2 $0x1082  }
0x22: {  	[simem:s7], [sflag:s8] =	dma.local @!p0 [hbm:s6], $0xF7A  }
0x23: {  	s9 =	sor.u32 $0xD0000000, s2;
	s6 =	simm.s32 $0x108;
	_ =	swait.ge @!p0 [sflag:s8], $0x0  }
0x24: {  	s3 =	sadd.s32 $0x88, s3;
	s6 =	simm.s32 @!p1 $0x1082;
	[sflag:s4] =	ssyncset.s32 $0xFFFFF086  }
0x25: {  	[simem:s6], [sflag:s4] =	dma.local [hbm:s3], $0xF7A  }
0x26: {  	[smem:$0x3F9B] =	sst s1;
	(tag) =	ssettag s2;
	_ =	strace s9  }
0x27: {  	s1 =	sld [smem:$0x3FAB]  }
0x28: {  	s2 =	sld [smem:$0x3FAC]  }
0x29: {  	s4 =	sld [smem:$0x3FAE]  }
0x2a: {  	p0 =	seq.s32 s5, $0x0;
	s5 =	sld [smem:$0x3FAF]  }
0x2b: {  	s6 =	sld [smem:$0x3FB0]  }
0x2c: {  	s7 =	sld [smem:$0x3FB1]  }
0x2d: {  	s3 =	simm.s32 $0x108;
	s8 =	sld [smem:$0x3FB2]  }
0x2e: {  	s3 =	simm.s32 @!p0 $0x1082;
	s9 =	sld [smem:$0x3FB3]  }
0x2f: {  	lr =	sadd.s32 s0, s3;
	s0 =	sld [smem:$0x3FAA]  }
0x30: {  	s3 =	sld [smem:$0x3FAD]  }
0x31: {  	[smem:$0x3FB6] =	sst s10  }
0x32: {  	s10 =	sld [smem:$0x3FB4];
	_ =	sdelay $0x3  }
0x33: {  	p0 =	seq.s32 s10, $0x1;
	s10 =	sld [smem:$0x3FB6];
	_ =	sdelay $0x3  }
0x34: {  	[smem:$0x3FB6] =	sst s10  }
0x35: {  	s10 =	sld [smem:$0x3FB5];
	_ =	sdelay $0x3  }
0x36: {  	p1 =	seq.s32 s10, $0x1;
	s10 =	sld [smem:$0x3FB6];
	_ =	sdelay $0x3  }
0x37: {  	[smem:$0x3FB6] =	sst s10  }
0x38: {  	s10 =	sld [smem:$0x3FB7]  }
0x39: {  	_ = 	snop;
	(pc) =	sbr.ind lr, $3  }
0x3a: {  	_ = 	snop  }
0x3b: {  	_ = 	snop  }
0x3c: {  	p2 =	seq.s32 s10, $0x1;
	s10 =	sld [smem:$0x3FB6]  }
0x3d: {  	_ =	shalt  }
0x3e: {  	_ =	shalt  }
0x3f: {  	_ =	shalt  }
0x40: {  	_ =	shalt  }
0x41: {  	_ =	shalt  }
0x42: {  	_ =	shalt  }
0x43: {  	_ =	shalt  }
0x44: {  	_ =	shalt  }
0x45: {  	_ =	shalt  }
0x46: {  	_ =	shalt  }
0x47: {  	_ =	shalt  }
0x48: {  	_ =	shalt  }
0x49: {  	_ =	shalt  }
0x4a: {  	_ =	shalt  }
0x4b: {  	_ =	shalt  }
0x4c: {  	_ =	shalt  }
0x4d: {  	_ =	shalt  }
0x4e: {  	_ =	shalt  }
0x4f: {  	_ =	shalt  }
0x50: {  	_ =	shalt  }
0x51: {  	_ =	shalt  }
0x52: {  	_ =	shalt  }
0x53: {  	_ =	shalt  }
0x54: {  	_ =	shalt  }
0x55: {  	_ =	shalt  }
0x56: {  	_ =	shalt  }
0x57: {  	_ =	shalt  }
0x58: {  	_ =	shalt  }
0x59: {  	_ =	shalt  }
0x5a: {  	_ =	shalt  }
0x5b: {  	_ =	shalt  }
0x5c: {  	_ =	shalt  }
0x5d: {  	_ =	shalt  }
0x5e: {  	_ =	shalt  }
0x5f: {  	_ =	shalt  }
0x60: {  	_ =	shalt  }
0x61: {  	_ =	shalt  }
0x62: {  	_ =	shalt  }
0x63: {  	_ =	shalt  }
0x64: {  	_ =	shalt  }
0x65: {  	_ =	shalt  }
0x66: {  	_ =	shalt  }
0x67: {  	_ =	shalt  }
0x68: {  	_ =	shalt  }
0x69: {  	_ =	shalt  }
0x6a: {  	_ =	shalt  }
0x6b: {  	_ =	shalt  }
0x6c: {  	_ =	shalt  }
0x6d: {  	_ =	shalt  }
0x6e: {  	_ =	shalt  }
0x6f: {  	_ =	shalt  }
0x70: {  	_ =	shalt  }
0x71: {  	_ =	shalt  }
0x72: {  	_ =	shalt  }
0x73: {  	_ =	shalt  }
0x74: {  	_ =	shalt  }
0x75: {  	_ =	shalt  }
0x76: {  	_ =	shalt  }
0x77: {  	_ =	shalt  }
0x78: {  	_ =	shalt  }
0x79: {  	_ =	shalt  }
0x7a: {  	_ =	shalt  }
0x7b: {  	_ =	shalt  }
0x7c: {  	_ =	shalt  }
0x7d: {  	_ =	shalt  }
0x7e: {  	_ =	shalt  }
0x7f: {  	_ =	shalt  }
0x80: {  	_ =	shalt  }
0x81: {  	_ =	shalt  }
0x82: {  	_ =	shalt  }
0x83: {  	_ =	shalt  }
0x84: {  	_ =	shalt  }
0x85: {  	_ =	shalt  }
0x86: {  	_ =	shalt  }
0x87: {  	_ =	shalt  }
.Lfunc_end0:
.L_simem_size_0:
called_computation_lowered:
.L_overlay_start_0:
0x88: {  	s2 =	sld [smem:$0x3FD9]  }
0x89: {  	s3 =	sld [smem:$0x3FFE];
	_ =	sdelay $0x1  }
0x8a: {  	s1 =	srdreg.scid  }
0x8b: {  	s0 =	sand.u32 $0x1, s1  }
0x8c: {  	s17 =	sshll.u32 s0, $0xA;
	s2 =	sadd.s32 s3, s2  }
0x8d: {  	s2 =	sadd.s32 s2, s17  }
0x8e: {  	[smem:$0x3FC2] =	sst s2  }
0x8f: {  	_ = 	snop  }
0x90: {  	s2 =	sld [smem:$0x3FC9]  }
0x91: {  	s18 =	sld [smem:$0x3FC8]  }
0x92: {  	s4 =	sld [smem:$0x3FC7]  }
0x93: {  	s5 =	sld [smem:$0x3FC6]  }
0x94: {  	s6 =	sld [smem:$0x3FD0];
	(tm) =	ssettm $0x1  }
0x95: {  	s7 =	sld [smem:$0x3FFB];
	_ =	sdelay $0x3  }
0x96: {  	_ =	strace s7  }
0x97: {  	s7 =	sld [smem:$0x3FFC];
	_ =	sdelay $0x3  }
0x98: {  	_ =	strace s7  }
0x99: {  	s7 =	sld [smem:$0x3FFD];
	_ =	sdelay $0x3  }
0x9a: {  	_ =	strace s7  }
0x9b: {  	_ =	strace $0x8FFFFFFF  }
0x9c: {  	s19 =	sld [smem:$0x3FDB];
	_ =	sdelay $0x1  }
0x9d: {  	s8 =	simm.s32 $_scs_section_size  }
0x9e: {  	s9 =	simm.s32 $_size__tile_overlayer_lowered;
	s10 =	simm.s32 $_tile_overlayer_lowered  }
0x9f: {  	s22 =	simm.s32 $0x1BFF;
	s21 =	sshll.u32 s10, $0x1;
	s7 =	sadd.s32 s8, s19  }
0xa0: {  	s11 =	simm.s32 $0x0;
	s20 =	sshll.u32 s9, $0x1;
	s9 =	sadd.s32 s21, s7  }
0xa1: {  	[timem:s11], [sflag:s22] =	dma.local [hbm:s9], s20  }
0xa2: {  	_ =	swait.ge [sflag:s22], s20  }
0xa3: {  	s8 =	ssub.s32 $0x0, s20;
	[sflag:s22] =	ssyncset.done $0x0  }
0xa4: {  	[sflag:s22] =	ssyncadd.s32 s8;
	_ =	sdelay $0x1  }
0xa5: {  	s23 =	simm.s32 $0x1B8B  }
0xa6: {  	_ =	swait.ge [sflag:s23], $0x1  }
0xa7: {  	[sflag:s23] =	ssyncset.done $0x0  }
0xa8: {  	s25 =	simm.s32 $0x1B8E;
	s24 =	sld [smem:$0x3FFE];
	[sflag:s23] =	ssyncadd.s32 $0xFFFFFFFF  }
0xa9: {  	s26 =	simm.s32 $execute0_lowered;
	[smem:$0x3FD2] =	sst s25  }
0xaa: {  	s9 =	sshll.u32 s26, $0x1;
	_ =	strace $0x80000046;
	[dreg:$0x1] =	wrdreg $0xFFFFFFFF  }
0xab: {  	s28 =	simm.s32 $_size_execute0_lowered;
	s7 =	sadd.s32 s7, s9;
	[dreg:$0x0] =	wrdreg $0x0  }
0xac: {  	s9 =	sshll.u32 s28, $0x1;
	[dreg:$0x2] =	wrdreg s7  }
0xad: {  	[dreg:$0x3] =	wrdreg s9  }
0xae: {  	[dreg:$0x4] =	wrdreg $0xC0  }
0xaf: {  	_ =	task [dreg:s11], $0x5FFFF  }
0xb0: {  	[dreg:$0x1] =	wrdreg $0xFFFFFFFF  }
0xb1: {  	[dreg:$0x0] =	wrdreg $0x60  }
0xb2: {  	[dreg:$0x2] =	wrdreg s2  }
0xb3: {  	[dreg:$0x3] =	wrdreg s18  }
0xb4: {  	[dreg:$0x4] =	wrdreg s4  }
0xb5: {  	[dreg:$0x5] =	wrdreg s5  }
0xb6: {  	[dreg:$0x6] =	wrdreg s24  }
0xb7: {  	[dreg:$0x7] =	wrdreg s6  }
0xb8: {  	[dreg:$0x8] =	wrdreg $0x9  }
0xb9: {  	_ =	task.clear_ibuf [dreg:s11], $0x9FFFF;
	_ =	strace $0x90000046  }
0xba: {  	s29 =	simm.s32 $0x9;
	_ =	strace $0x80000048  }
0xbb: {  	_ =	swait.ge [sflag:s29], $0x1  }
0xbc: {  	[sflag:s29] =	ssyncadd.s32 $0xFFFFFFFF  }
0xbd: {  	_ =	strace $0x90000048  }
0xbe: {  	_ =	sfence  }
0xbf: {  	s30 =	sld [smem:$0x0];
	_ =	sdelay $0x2  }
0xc0: {  	s31 =	sshll.u32 s1, $0xD;
	s1 =	sshrl.u32 s1, $0x2  }
0xc1: {  	s3 =	sand.u32 $0x4000, s31;
	s1 =	sadd.s32 s1, s30  }
0xc2: {  	s0 =	sor.u32 s3, s0;
	s1 =	sshll.u32 s1, $0x11  }
0xc3: {  	s0 =	sor.u32 s1, s0  }
0xc4: {  	s0 =	sadd.s32 $0x8F2B, s0  }
0xc5: {  	[sflag:s0] =	ssyncadd.remote.s32 $0x1  }
0xc6: {  	_ =	sfence.sel $0xFFFF  }
0xc7: {  	[dreg:$0x0] =	wrdreg $0xFFFFFFFF;
	(pc) =	sbr.abs _section_cstart, $3  }
0xc8: {  	[dreg:$0x1] =	wrdreg $0xFFFFFFFF  }
0xc9: {  	_ =	task.clear_ibuf [dreg:s11], $0x2FFFF;
	_ =	strace $0x9FFFFFFF  }
0xca: {  	(tm) =	ssettm $0x7FFFFFFF  }
0xcb: {  	_ =	shalt  }
tec
execute0_lowered:
.L_overlay_start_1:
0x0: {  	(tag) =	ssettag $0x1  }
0x1: {  	v0 =	vimm.s32 $0xB80;
	vm14 =	vcmask $0x300  }
0x2: {  	vm13 =	vcmask $0x704;
	vm12 =	vcmask $0xB08;
	vm11 =	vcmask $0xF0C  }
0x3: {  	vm10 =	vcmask $0x1310;
	vm9 =	vcmask $0x1714;
	vm8 =	vcmask $0x1B18  }
0x4: {  	vm7 =	vcmask $0x1F1C;
	vm6 =	vcmask $0x2320;
	vm5 =	vcmask $0x2724  }
0x5: {  	vm4 =	vcmask $0x2B28;
	vm3 =	vcmask $0x2F2C;
	vm2 =	vcmask $0x3330  }
0x6: {  	vm1 =	vcmask $0x3734;
	vm0 =	vcmask $0x3B38;
	v1 =	vimm.s32 $0x1B80  }
0x7: {  	s0 =	rddreg [dreg:$0x0];
	v2 =	vimm.s32 $0xF80;
	v3 =	vimm.s32 $0x1F80;
	v0 =	vsel vm14, $0x0, v0  }
0x8: {  	s4 =	rddreg [dreg:$0x1];
	v1 =	vsel vm14, $0x1000, v1;
	v2 =	vsel vm14, $0x400, v2;
	v3 =	vsel vm14, $0x1400, v3  }
0x9: {  	s1 =	rddreg [dreg:$0x2];
	v0 =	vsel vm13, $0x80, v0;
	v1 =	vsel vm13, $0x1080, v1;
	v2 =	vsel vm13, $0x480, v2  }
0xa: {  	s2 =	rddreg [dreg:$0x3];
	v3 =	vsel vm13, $0x1480, v3;
	v0 =	vsel vm12, $0x100, v0;
	v1 =	vsel vm12, $0x1100, v1  }
0xb: {  	s5 =	rddreg [dreg:$0x4];
	v2 =	vsel vm12, $0x500, v2;
	v3 =	vsel vm12, $0x1500, v3;
	v0 =	vsel vm11, $0x180, v0  }
0xc: {  	s6 =	rddreg [dreg:$0x5];
	s3 =	simm.s32 $0x0;
	v1 =	vsel vm11, $0x1180, v1;
	v2 =	vsel vm11, $0x580, v2;
	v3 =	vsel vm11, $0x1580, v3  }
0xd: {  	s7 =	srdreg.scid;
	s10 =	stileid.u32;
	s20 =	simm.s32 $0x9;
	v0 =	vsel vm10, $0x200, v0;
	v1 =	vsel vm10, $0x1200, v1;
	v2 =	vsel vm10, $0x600, v2  }
0xe: {  	s13 =	simm.s32 $0x1;
	s14 =	simm.s32 $0x500;
	s18 =	simm.s32 $0x8500;
	v3 =	vsel vm10, $0x1600, v3;
	v0 =	vsel vm9, $0x280, v0;
	v1 =	vsel vm9, $0x1280, v1  }
0xf: {  	s31 =	simm.s32 $0x2500;
	s12 =	simm.s32 $0xA500;
	s21 =	simm.s32 $0x4500;
	v2 =	vsel vm9, $0x680, v2;
	v3 =	vsel vm9, $0x1680, v3;
	v0 =	vsel vm8, $0x300, v0  }
0x10: {  	s17 =	simm.s32 $0xE500;
	s28 =	simm.s32 $0x8100;
	s29 =	simm.s32 $0xE900;
	v1 =	vsel vm8, $0x1300, v1;
	v2 =	vsel vm8, $0x700, v2;
	v3 =	vsel vm8, $0x1700, v3  }
0x11: {  	s30 =	simm.s32 $0xF100;
	s11 =	simm.s32 $0x4;
	s15 =	simm.s32 $0x8;
	v0 =	vsel vm7, $0x380, v0;
	v1 =	vsel vm7, $0x1380, v1;
	v2 =	vsel vm7, $0x780, v2  }
0x12: {  	s19 =	simm.s32 $0x0;
	[smem:$0x7FF] =	sst s3;
	s7 =	sand.u32 $0x1, s7;
	v3 =	vsel vm7, $0x1780, v3;
	v0 =	vsel vm6, $0x800, v0;
	v1 =	vsel vm6, $0x1800, v1  }
0x13: {  	s10 =	sshll.u32 s10, $0x7;
	s5 =	sadd.s32 $0x400, s5;
	_ =	strace $0x80000047;
	v2 =	vsel vm6, $0xC00, v2;
	v3 =	vsel vm6, $0x1C00, v3;
	v0 =	vsel vm5, $0x880, v0  }
0x14: {  	s8 =	ssub.s32 $0x2, s7;
	s7 =	sshll.u32 s7, $0x6;
	[dreg:$0x7] =	wrdreg s5;
	v1 =	vsel vm5, $0x1880, v1;
	v2 =	vsel vm5, $0xC80, v2;
	v3 =	vsel vm5, $0x1C80, v3  }
0x15: {  	s5 =	simm.s32 $0x2;
	s9 =	sshrl.u32 s8, $0x1;
	s7 =	sor.u32 s7, s10;
	v0 =	vsel vm4, $0x900, v0;
	v1 =	vsel vm4, $0x1900, v1;
	v2 =	vsel vm4, $0xD00, v2  }
0x16: {  	s10 =	simm.s32 $0x5;
	s23 =	ssub.s32 s8, s9;
	s0 =	sadd.s32 s0, s7;
	v3 =	vsel vm4, $0x1D00, v3;
	v0 =	vsel vm3, $0x980, v0;
	v1 =	vsel vm3, $0x1980, v1  }
.Ltmp0:
0x17: {  	s24 =	sadd.s32 s4, s7;
	s25 =	sadd.s32 s6, s7;
	v2 =	vsel vm3, $0xD80, v2;
	v3 =	vsel vm3, $0x1D80, v3;
	v0 =	vsel vm2, $0xA00, v0;
	(pc) =	sbr.rel .LBB2_1-.Ltmp0, $4  }
0x18: {  	s9 =	simm.s32 $0x6500;
	s4 =	simm.s32 $0x10100;
	[dreg:$0x8] =	wrdreg s0;
	v1 =	vsel vm2, $0x1A00, v1;
	v2 =	vsel vm2, $0xE00, v2;
	v3 =	vsel vm2, $0x1E00, v3  }
0x19: {  	s6 =	simm.s32 $0x6;
	s7 =	simm.s32 $0x3;
	[dreg:$0x9] =	wrdreg s24;
	v0 =	vsel vm1, $0xA80, v0;
	v1 =	vsel vm1, $0x1A80, v1;
	v4 =	vsel vm1, $0xE80, v2  }
0x1a: {  	s8 =	simm.s32 $0x7;
	[dreg:$0xa] =	wrdreg s25;
	s26 =	smax.u32 s23, $0x1;
	v5 =	vsel vm1, $0x1E80, v3;
	v2 =	vlaneseq.u32;
	v0 =	vsel vm0, $0xB00, v0  }
0x1b: {  	s25 =	simm.s32 $0xC500;
	s0 =	simm.s32 $0xF900;
	[dreg:$0xb] =	wrdreg s26;
	v1 =	vsel vm0, $0x1B00, v1;
	v3 =	vsel vm0, $0xF00, v4;
	v4 =	vsel vm0, $0x1F00, v5  }
.LBB2_9:
0x1c: {  	s16 =	rddreg [dreg:$0xa];
	s19 =	simm.s32 $0x10580;
	s20 =	simm.s32 $0x9  }
0x1d: {  	[hbm4b:s16+s3] =	stream.linear.scatter [tilespmem:s19], [sflag:$0x9], $0x200, $0x38;
	[tilespmem:$0x10780] =	vst v63  }
0x1e: {  	_ =	swait.ge [sflag:s20], $0x200  }
0x1f: {  	s24 =	rddreg [dreg:$0xc]  }
0x20: {  	s26 =	rddreg [dreg:$0xb];
	s19 =	sadd.s32 $0x1, s24  }
0x21: {  	p0 =	sne.s32 s19, s26  }
.Ltmp1:
0x22: {  	_ = 	snop;
	(pc) =	sbr.rel @!p0 .LBB2_10-.Ltmp1, $3  }
0x23: {  	_ =	sdelay $0x1  }
0x24: {  	[sflag:s20] =	ssyncset.done $0x0  }
0x25: {  	[sflag:s20] =	ssyncadd.s32 $0xFFFFFE00  }
.LBB2_1:
0x26: {  	[dreg:$0xc] =	wrdreg s19  }
0x27: {  	s16 =	rddreg [dreg:$0x7];
	s24 =	simm.s32 $0x10500  }
0x28: {  	[tilespmem:s24], [sflag:$0x9] =	stream.linear.gather [hbm4b:s16+s3], $0x80, $0x38;
	[tilespmem:$0x10780] =	vst v63  }
0x29: {  	_ =	swait.ge [sflag:s20], $0x80  }
0x2a: {  	[sflag:s20] =	ssyncset.done $0x0  }
0x2b: {  	s26 =	rddreg [dreg:$0x8];
	[sflag:s20] =	ssyncadd.s32 $0xFFFFFF80  }
0x2c: {  	[tilespmem:s3], [sflag:$0x9] =	stream.linear.gather [hbm4b:s26+s3], $0x200, $0x38;
	[tilespmem:$0x10780] =	vst v63  }
0x2d: {  	_ =	swait.ge [sflag:s20], $0x200  }
0x2e: {  	[sflag:s20] =	ssyncset.done $0x0  }
0x2f: {  	s22 =	simm.s32 $0x280;
	s19 =	rddreg [dreg:$0x9];
	[sflag:s20] =	ssyncadd.s32 $0xFFFFFE00  }
0x30: {  	[tilespmem:s22], [sflag:$0x9] =	stream.linear.gather [hbm4b:s19+s3], $0x200, $0x38;
	[tilespmem:$0x10780] =	vst v63  }
0x31: {  	_ =	swait.ge [sflag:s20], $0x200  }
0x32: {  	[sflag:s20] =	ssyncset.done $0x0  }
0x33: {  	[sflag:s20] =	ssyncadd.s32 $0xFFFFFE00  }
0x34: {  	v8 =	vld [tilespmem:$0x0];
	_ =	sdelay $0x4  }
0x35: {  	(v2sf) =	vpush v8, $0x0;
	_ =	sdelay $0x9  }
0x36: {  	v9 =	vld [tilespmem:$0x280];
	_ =	sdelay $0x4  }
0x37: {  	s23 =	spop (v2sf);
	(v2sf) =	vpush v9, $0x0  }
0x38: {  	s24 =	sand.u32 $0x7F, s23  }
0x39: {  	s26 =	sshra.s32 s23, $0x1F;
	p0 =	slt.s32 s23, $0x1;
	p1 =	sne.s32 s24, $0x0  }
0x3a: {  	s20 =	sshrl.u32 s26, $0x19;
	p0 =	por !p0, !p1  }
0x3b: {  	s19 =	simm.s32 $0x1;
	s16 =	sadd.s32 s20, s23;
	p0 =	por !p0, !p0  }
0x3c: {  	s16 =	sshrl.u32 s16, $0x7;
	s19 =	simm.s32 @!p0 $0x0  }
0x3d: {  	s16 =	ssub.s32 s16, s19  }
0x3e: {  	s16 =	sshll.u32 s16, $0x7  }
0x3f: {  	v5 =	vld [tilespmem:$0x10500];
	s16 =	sand.u32 $0x1FFFFF80, s16  }
0x40: {  	v6 =	vld [tilespmem:$0x10510];
	s16 =	sadd.s32 s1, s16  }
0x41: {  	v7 =	vld.msk [tilespmem:$0x10520 ss:$0x0], $0xffff;
	[tilespmem:s14], [sflag:$0x1] =	stream.linear.gather [hbm4b:s16+s3], $0x400, $0x38  }
0x42: {  	s23 =	simm.s32 $0xD00;
	s22 =	sadd.s32 $0xF4280, s16  }
0x43: {  	[tilespmem:s23], [sflag:$0x1] =	stream.linear.gather [hbm4b:s22+s3], $0x400, $0x38;
	[tilespmem:$0x10780] =	vst v63  }
0x44: {  	s26 =	simm.s32 $0x1500;
	s24 =	sadd.s32 $0x1E8500, s16  }
0x45: {  	[tilespmem:s26], [sflag:$0x1] =	stream.linear.gather [hbm4b:s24+s3], $0x400, $0x38;
	[tilespmem:$0x10780] =	vst v63  }
0x46: {  	s16 =	sadd.s32 $0x2DC780, s16;
	s22 =	simm.s32 $0x1D00;
	s23 =	spop (v2sf)  }
0x47: {  	(v2sf) =	vpush v8, $0x1;
	[tilespmem:s22], [sflag:$0x1] =	stream.linear.gather [hbm4b:s16+s3], $0x400, $0x38;
	[tilespmem:$0x10780] =	vst v63  }
0x48: {  	s24 =	sand.u32 $0x7F, s23  }
0x49: {  	s26 =	sshra.s32 s23, $0x1F;
	p3 =	slt.s32 s23, $0x1;
	p4 =	sne.s32 s24, $0x0  }
0x4a: {  	s20 =	sshrl.u32 s26, $0x19;
	p0 =	por !p3, !p4  }
0x4b: {  	s19 =	simm.s32 $0x1;
	s16 =	sadd.s32 s20, s23;
	p0 =	por !p0, !p0  }
0x4c: {  	s16 =	sshrl.u32 s16, $0x7;
	s19 =	simm.s32 @!p0 $0x0  }
0x4d: {  	s16 =	ssub.s32 s16, s19  }
0x4e: {  	s16 =	sshll.u32 s16, $0x7  }
0x4f: {  	s16 =	sand.u32 $0x1FFFFF80, s16  }
0x50: {  	s16 =	sadd.s32 s2, s16  }
0x51: {  	[tilespmem:s18], [sflag:$0x5] =	stream.linear.gather [hbm4b:s16+s3], $0x400, $0x38;
	[tilespmem:$0x10780] =	vst v63  }
0x52: {  	s23 =	simm.s32 $0x8D00;
	s22 =	sadd.s32 $0xF4280, s16  }
0x53: {  	[tilespmem:s23], [sflag:$0x5] =	stream.linear.gather [hbm4b:s22+s3], $0x400, $0x38;
	[tilespmem:$0x10780] =	vst v63  }
0x54: {  	s26 =	simm.s32 $0x9500;
	s24 =	sadd.s32 $0x1E8500, s16  }
0x55: {  	[tilespmem:s26], [sflag:$0x5] =	stream.linear.gather [hbm4b:s24+s3], $0x400, $0x38;
	[tilespmem:$0x10780] =	vst v63  }
0x56: {  	s20 =	simm.s32 $0x9D00;
	s16 =	sadd.s32 $0x2DC780, s16;
	s22 =	spop (v2sf)  }
0x57: {  	(v2sf) =	vpush v9, $0x1;
	[tilespmem:s20], [sflag:$0x5] =	stream.linear.gather [hbm4b:s16+s3], $0x400, $0x38;
	[tilespmem:$0x10780] =	vst v63  }
0x58: {  	s23 =	sand.u32 $0x7F, s22  }
0x59: {  	s24 =	sshra.s32 s22, $0x1F;
	p5 =	slt.s32 s22, $0x1;
	p6 =	sne.s32 s23, $0x0  }
0x5a: {  	s26 =	sshrl.u32 s24, $0x19;
	p0 =	por !p5, !p6  }
0x5b: {  	s19 =	simm.s32 $0x1;
	s16 =	sadd.s32 s26, s22;
	p0 =	por !p0, !p0  }
0x5c: {  	s16 =	sshrl.u32 s16, $0x7;
	s19 =	simm.s32 @!p0 $0x0  }
0x5d: {  	s16 =	ssub.s32 s16, s19  }
0x5e: {  	s16 =	sshll.u32 s16, $0x7  }
0x5f: {  	s16 =	sand.u32 $0x1FFFFF80, s16  }
0x60: {  	s20 =	simm.s32 $0x900;
	s16 =	sadd.s32 s1, s16  }
0x61: {  	[tilespmem:s20], [sflag:$0x1] =	stream.linear.gather [hbm4b:s16+s3], $0x400, $0x38;
	[tilespmem:$0x10780] =	vst v63  }
0x62: {  	s23 =	simm.s32 $0x1100;
	s22 =	sadd.s32 $0xF4280, s16  }
0x63: {  	[tilespmem:s23], [sflag:$0x1] =	stream.linear.gather [hbm4b:s22+s3], $0x400, $0x38;
	[tilespmem:$0x10780] =	vst v63  }
0x64: {  	s26 =	simm.s32 $0x1900;
	s24 =	sadd.s32 $0x1E8500, s16  }
0x65: {  	[tilespmem:s26], [sflag:$0x1] =	stream.linear.gather [hbm4b:s24+s3], $0x400, $0x38;
	[tilespmem:$0x10780] =	vst v63  }
0x66: {  	s16 =	sadd.s32 $0x2DC780, s16;
	s20 =	simm.s32 $0x2100;
	s22 =	spop (v2sf)  }
0x67: {  	[tilespmem:s20], [sflag:$0x1] =	stream.linear.gather [hbm4b:s16+s3], $0x400, $0x38;
	[tilespmem:$0x10780] =	vst v63  }
0x68: {  	s23 =	sand.u32 $0x7F, s22  }
0x69: {  	s24 =	sshra.s32 s22, $0x1F;
	p1 =	slt.s32 s22, $0x1;
	p2 =	sne.s32 s23, $0x0  }
0x6a: {  	s26 =	sshrl.u32 s24, $0x19;
	p0 =	por !p1, !p2  }
0x6b: {  	s19 =	simm.s32 $0x1;
	s16 =	sadd.s32 s26, s22;
	p0 =	por !p0, !p0  }
0x6c: {  	s16 =	sshrl.u32 s16, $0x7;
	s19 =	simm.s32 @!p0 $0x0  }
0x6d: {  	s16 =	ssub.s32 s16, s19  }
0x6e: {  	s16 =	sshll.u32 s16, $0x7  }
0x6f: {  	s16 =	sand.u32 $0x1FFFFF80, s16  }
0x70: {  	s20 =	simm.s32 $0x8900;
	s16 =	sadd.s32 s2, s16  }
0x71: {  	[tilespmem:s20], [sflag:$0x5] =	stream.linear.gather [hbm4b:s16+s3], $0x400, $0x38;
	[tilespmem:$0x10780] =	vst v63  }
0x72: {  	s23 =	simm.s32 $0x9100;
	s22 =	sadd.s32 $0xF4280, s16  }
0x73: {  	[tilespmem:s23], [sflag:$0x5] =	stream.linear.gather [hbm4b:s22+s3], $0x400, $0x38;
	[tilespmem:$0x10780] =	vst v63  }
0x74: {  	s26 =	simm.s32 $0x9900;
	s24 =	sadd.s32 $0x1E8500, s16  }
0x75: {  	[tilespmem:s26], [sflag:$0x5] =	stream.linear.gather [hbm4b:s24+s3], $0x400, $0x38;
	[tilespmem:$0x10780] =	vst v63  }
0x76: {  	s16 =	sadd.s32 $0x2DC780, s16;
	s22 =	simm.s32 $0xA100  }
0x77: {  	[tilespmem:s22], [sflag:$0x5] =	stream.linear.gather [hbm4b:s16+s3], $0x400, $0x38;
	[tilespmem:$0x10780] =	vst v63  }
0x78: {  	v8 =	vld [tilespmem:$0x2];
	_ =	sdelay $0x4  }
0x79: {  	(v2sf) =	vpush v8, $0x0;
	_ =	sdelay $0x9  }
0x7a: {  	v9 =	vld [tilespmem:$0x282];
	_ =	sdelay $0x4  }
0x7b: {  	s23 =	spop (v2sf);
	(v2sf) =	vpush v9, $0x0  }
0x7c: {  	s24 =	sand.u32 $0x7F, s23  }
0x7d: {  	s26 =	sshra.s32 s23, $0x1F;
	p3 =	slt.s32 s23, $0x1;
	p4 =	sne.s32 s24, $0x0  }
0x7e: {  	s20 =	sshrl.u32 s26, $0x19;
	p0 =	por !p3, !p4  }
0x7f: {  	s19 =	simm.s32 $0x1;
	s16 =	sadd.s32 s20, s23;
	p0 =	por !p0, !p0  }
0x80: {  	s16 =	sshrl.u32 s16, $0x7;
	s19 =	simm.s32 @!p0 $0x0  }
0x81: {  	s16 =	ssub.s32 s16, s19  }
0x82: {  	s16 =	sshll.u32 s16, $0x7  }
0x83: {  	s16 =	sand.u32 $0x1FFFFF80, s16  }
0x84: {  	s16 =	sadd.s32 s1, s16  }
0x85: {  	[tilespmem:s31], [sflag:$0x2] =	stream.linear.gather [hbm4b:s16+s3], $0x400, $0x38;
	[tilespmem:$0x10780] =	vst v63  }
0x86: {  	s23 =	simm.s32 $0x2D00;
	s22 =	sadd.s32 $0xF4280, s16  }
0x87: {  	[tilespmem:s23], [sflag:$0x2] =	stream.linear.gather [hbm4b:s22+s3], $0x400, $0x38;
	[tilespmem:$0x10780] =	vst v63  }
0x88: {  	s26 =	simm.s32 $0x3500;
	s24 =	sadd.s32 $0x1E8500, s16  }
0x89: {  	[tilespmem:s26], [sflag:$0x2] =	stream.linear.gather [hbm4b:s24+s3], $0x400, $0x38;
	[tilespmem:$0x10780] =	vst v63  }
0x8a: {  	s16 =	sadd.s32 $0x2DC780, s16;
	s22 =	simm.s32 $0x3D00;
	s23 =	spop (v2sf)  }
0x8b: {  	(v2sf) =	vpush v8, $0x1;
	[tilespmem:s22], [sflag:$0x2] =	stream.linear.gather [hbm4b:s16+s3], $0x400, $0x38;
	[tilespmem:$0x10780] =	vst v63  }
0x8c: {  	s24 =	sand.u32 $0x7F, s23  }
0x8d: {  	s26 =	sshra.s32 s23, $0x1F;
	p5 =	slt.s32 s23, $0x1;
	p6 =	sne.s32 s24, $0x0  }
0x8e: {  	s20 =	sshrl.u32 s26, $0x19;
	p0 =	por !p5, !p6  }
0x8f: {  	s19 =	simm.s32 $0x1;
	s16 =	sadd.s32 s20, s23;
	p0 =	por !p0, !p0  }
0x90: {  	s16 =	sshrl.u32 s16, $0x7;
	s19 =	simm.s32 @!p0 $0x0  }
0x91: {  	s16 =	ssub.s32 s16, s19  }
0x92: {  	s16 =	sshll.u32 s16, $0x7  }
0x93: {  	s16 =	sand.u32 $0x1FFFFF80, s16  }
0x94: {  	s16 =	sadd.s32 s2, s16  }
0x95: {  	[tilespmem:s12], [sflag:$0x6] =	stream.linear.gather [hbm4b:s16+s3], $0x400, $0x38;
	[tilespmem:$0x10780] =	vst v63  }
0x96: {  	s23 =	simm.s32 $0xAD00;
	s22 =	sadd.s32 $0xF4280, s16  }
0x97: {  	[tilespmem:s23], [sflag:$0x6] =	stream.linear.gather [hbm4b:s22+s3], $0x400, $0x38;
	[tilespmem:$0x10780] =	vst v63  }
0x98: {  	s26 =	simm.s32 $0xB500;
	s24 =	sadd.s32 $0x1E8500, s16  }
0x99: {  	[tilespmem:s26], [sflag:$0x6] =	stream.linear.gather [hbm4b:s24+s3], $0x400, $0x38;
	[tilespmem:$0x10780] =	vst v63  }
0x9a: {  	s20 =	simm.s32 $0xBD00;
	s16 =	sadd.s32 $0x2DC780, s16;
	s22 =	spop (v2sf)  }
0x9b: {  	(v2sf) =	vpush v9, $0x1;
	[tilespmem:s20], [sflag:$0x6] =	stream.linear.gather [hbm4b:s16+s3], $0x400, $0x38;
	[tilespmem:$0x10780] =	vst v63  }
0x9c: {  	s23 =	sand.u32 $0x7F, s22  }
0x9d: {  	s24 =	sshra.s32 s22, $0x1F;
	p1 =	slt.s32 s22, $0x1;
	p2 =	sne.s32 s23, $0x0  }
0x9e: {  	s26 =	sshrl.u32 s24, $0x19;
	p0 =	por !p1, !p2  }
0x9f: {  	s19 =	simm.s32 $0x1;
	s16 =	sadd.s32 s26, s22;
	p0 =	por !p0, !p0  }
0xa0: {  	s16 =	sshrl.u32 s16, $0x7;
	s19 =	simm.s32 @!p0 $0x0  }
0xa1: {  	s16 =	ssub.s32 s16, s19  }
0xa2: {  	s16 =	sshll.u32 s16, $0x7  }
0xa3: {  	s16 =	sand.u32 $0x1FFFFF80, s16  }
0xa4: {  	s20 =	simm.s32 $0x2900;
	s16 =	sadd.s32 s1, s16  }
0xa5: {  	[tilespmem:s20], [sflag:$0x2] =	stream.linear.gather [hbm4b:s16+s3], $0x400, $0x38;
	[tilespmem:$0x10780] =	vst v63  }
0xa6: {  	s23 =	simm.s32 $0x3100;
	s22 =	sadd.s32 $0xF4280, s16  }
0xa7: {  	[tilespmem:s23], [sflag:$0x2] =	stream.linear.gather [hbm4b:s22+s3], $0x400, $0x38;
	[tilespmem:$0x10780] =	vst v63  }
0xa8: {  	s26 =	simm.s32 $0x3900;
	s24 =	sadd.s32 $0x1E8500, s16  }
0xa9: {  	[tilespmem:s26], [sflag:$0x2] =	stream.linear.gather [hbm4b:s24+s3], $0x400, $0x38;
	[tilespmem:$0x10780] =	vst v63  }
0xaa: {  	s16 =	sadd.s32 $0x2DC780, s16;
	s20 =	simm.s32 $0x4100;
	s22 =	spop (v2sf)  }
0xab: {  	[tilespmem:s20], [sflag:$0x2] =	stream.linear.gather [hbm4b:s16+s3], $0x400, $0x38;
	[tilespmem:$0x10780] =	vst v63  }
0xac: {  	s23 =	sand.u32 $0x7F, s22  }
0xad: {  	s24 =	sshra.s32 s22, $0x1F;
	p3 =	slt.s32 s22, $0x1;
	p4 =	sne.s32 s23, $0x0  }
0xae: {  	s26 =	sshrl.u32 s24, $0x19;
	p0 =	por !p3, !p4  }
0xaf: {  	s19 =	simm.s32 $0x1;
	s16 =	sadd.s32 s26, s22;
	p0 =	por !p0, !p0  }
0xb0: {  	s16 =	sshrl.u32 s16, $0x7;
	s19 =	simm.s32 @!p0 $0x0  }
0xb1: {  	s16 =	ssub.s32 s16, s19  }
0xb2: {  	s16 =	sshll.u32 s16, $0x7  }
0xb3: {  	s16 =	sand.u32 $0x1FFFFF80, s16  }
0xb4: {  	s20 =	simm.s32 $0xA900;
	s16 =	sadd.s32 s2, s16  }
0xb5: {  	[tilespmem:s20], [sflag:$0x6] =	stream.linear.gather [hbm4b:s16+s3], $0x400, $0x38;
	[tilespmem:$0x10780] =	vst v63  }
0xb6: {  	s23 =	simm.s32 $0xB100;
	s22 =	sadd.s32 $0xF4280, s16  }
0xb7: {  	[tilespmem:s23], [sflag:$0x6] =	stream.linear.gather [hbm4b:s22+s3], $0x400, $0x38;
	[tilespmem:$0x10780] =	vst v63  }
0xb8: {  	s26 =	simm.s32 $0xB900;
	s24 =	sadd.s32 $0x1E8500, s16  }
0xb9: {  	[tilespmem:s26], [sflag:$0x6] =	stream.linear.gather [hbm4b:s24+s3], $0x400, $0x38;
	[tilespmem:$0x10780] =	vst v63  }
0xba: {  	s16 =	sadd.s32 $0x2DC780, s16;
	s22 =	simm.s32 $0xC100  }
0xbb: {  	[tilespmem:s22], [sflag:$0x6] =	stream.linear.gather [hbm4b:s16+s3], $0x400, $0x38;
	[tilespmem:$0x10780] =	vst v63  }
0xbc: {  	v8 =	vld [tilespmem:$0x4];
	_ =	sdelay $0x4  }
0xbd: {  	(v2sf) =	vpush v8, $0x0;
	_ =	sdelay $0x9  }
0xbe: {  	v9 =	vld [tilespmem:$0x284];
	_ =	sdelay $0x4  }
0xbf: {  	s23 =	spop (v2sf);
	(v2sf) =	vpush v9, $0x0  }
0xc0: {  	s24 =	sand.u32 $0x7F, s23  }
0xc1: {  	s26 =	sshra.s32 s23, $0x1F;
	p5 =	slt.s32 s23, $0x1;
	p6 =	sne.s32 s24, $0x0  }
0xc2: {  	s20 =	sshrl.u32 s26, $0x19;
	p0 =	por !p5, !p6  }
0xc3: {  	s19 =	simm.s32 $0x1;
	s16 =	sadd.s32 s20, s23;
	p0 =	por !p0, !p0  }
0xc4: {  	s16 =	sshrl.u32 s16, $0x7;
	s19 =	simm.s32 @!p0 $0x0  }
0xc5: {  	s16 =	ssub.s32 s16, s19  }
0xc6: {  	s16 =	sshll.u32 s16, $0x7  }
0xc7: {  	s16 =	sand.u32 $0x1FFFFF80, s16  }
0xc8: {  	s16 =	sadd.s32 s1, s16  }
0xc9: {  	[tilespmem:s21], [sflag:$0x3] =	stream.linear.gather [hbm4b:s16+s3], $0x400, $0x38;
	[tilespmem:$0x10780] =	vst v63  }
0xca: {  	s23 =	simm.s32 $0x4D00;
	s22 =	sadd.s32 $0xF4280, s16  }
0xcb: {  	[tilespmem:s23], [sflag:$0x3] =	stream.linear.gather [hbm4b:s22+s3], $0x400, $0x38;
	[tilespmem:$0x10780] =	vst v63  }
0xcc: {  	s26 =	simm.s32 $0x5500;
	s24 =	sadd.s32 $0x1E8500, s16  }
0xcd: {  	[tilespmem:s26], [sflag:$0x3] =	stream.linear.gather [hbm4b:s24+s3], $0x400, $0x38;
	[tilespmem:$0x10780] =	vst v63  }
0xce: {  	s16 =	sadd.s32 $0x2DC780, s16;
	s22 =	simm.s32 $0x5D00;
	s23 =	spop (v2sf)  }
0xcf: {  	(v2sf) =	vpush v8, $0x1;
	[tilespmem:s22], [sflag:$0x3] =	stream.linear.gather [hbm4b:s16+s3], $0x400, $0x38;
	[tilespmem:$0x10780] =	vst v63  }
0xd0: {  	s24 =	sand.u32 $0x7F, s23  }
0xd1: {  	s26 =	sshra.s32 s23, $0x1F;
	p1 =	slt.s32 s23, $0x1;
	p2 =	sne.s32 s24, $0x0  }
0xd2: {  	s20 =	sshrl.u32 s26, $0x19;
	p0 =	por !p1, !p2  }
0xd3: {  	s19 =	simm.s32 $0x1;
	s16 =	sadd.s32 s20, s23;
	p0 =	por !p0, !p0  }
0xd4: {  	s16 =	sshrl.u32 s16, $0x7;
	s19 =	simm.s32 @!p0 $0x0  }
0xd5: {  	s16 =	ssub.s32 s16, s19  }
0xd6: {  	s16 =	sshll.u32 s16, $0x7  }
0xd7: {  	s16 =	sand.u32 $0x1FFFFF80, s16  }
0xd8: {  	s16 =	sadd.s32 s2, s16  }
0xd9: {  	[tilespmem:s25], [sflag:$0x7] =	stream.linear.gather [hbm4b:s16+s3], $0x400, $0x38;
	[tilespmem:$0x10780] =	vst v63  }
0xda: {  	s23 =	simm.s32 $0xCD00;
	s22 =	sadd.s32 $0xF4280, s16  }
0xdb: {  	[tilespmem:s23], [sflag:$0x7] =	stream.linear.gather [hbm4b:s22+s3], $0x400, $0x38;
	[tilespmem:$0x10780] =	vst v63  }
0xdc: {  	s26 =	simm.s32 $0xD500;
	s24 =	sadd.s32 $0x1E8500, s16  }
0xdd: {  	[tilespmem:s26], [sflag:$0x7] =	stream.linear.gather [hbm4b:s24+s3], $0x400, $0x38;
	[tilespmem:$0x10780] =	vst v63  }
0xde: {  	s16 =	sadd.s32 $0x2DC780, s16;
	s22 =	simm.s32 $0xDD00;
	s23 =	spop (v2sf)  }
0xdf: {  	(v2sf) =	vpush v9, $0x1;
	[tilespmem:s22], [sflag:$0x7] =	stream.linear.gather [hbm4b:s16+s3], $0x400, $0x38;
	[tilespmem:$0x10780] =	vst v63  }
0xe0: {  	s24 =	sand.u32 $0x7F, s23  }
0xe1: {  	s26 =	sshra.s32 s23, $0x1F;
	p3 =	slt.s32 s23, $0x1;
	p4 =	sne.s32 s24, $0x0  }
0xe2: {  	s22 =	sshrl.u32 s26, $0x19;
	p0 =	por !p3, !p4  }
0xe3: {  	s19 =	simm.s32 $0x1;
	s16 =	sadd.s32 s22, s23;
	p0 =	por !p0, !p0  }
0xe4: {  	s16 =	sshrl.u32 s16, $0x7;
	s19 =	simm.s32 @!p0 $0x0  }
0xe5: {  	s16 =	ssub.s32 s16, s19  }
0xe6: {  	s16 =	sshll.u32 s16, $0x7  }
0xe7: {  	s16 =	sand.u32 $0x1FFFFF80, s16  }
0xe8: {  	s23 =	simm.s32 $0x4900;
	s16 =	sadd.s32 s1, s16  }
0xe9: {  	[tilespmem:s23], [sflag:$0x3] =	stream.linear.gather [hbm4b:s16+s3], $0x400, $0x38;
	[tilespmem:$0x10780] =	vst v63  }
0xea: {  	s26 =	simm.s32 $0x5100;
	s24 =	sadd.s32 $0xF4280, s16  }
0xeb: {  	[tilespmem:s26], [sflag:$0x3] =	stream.linear.gather [hbm4b:s24+s3], $0x400, $0x38;
	[tilespmem:$0x10780] =	vst v63  }
0xec: {  	s22 =	sadd.s32 $0x1E8500, s16;
	s23 =	simm.s32 $0x5900  }
0xed: {  	[tilespmem:s23], [sflag:$0x3] =	stream.linear.gather [hbm4b:s22+s3], $0x400, $0x38;
	[tilespmem:$0x10780] =	vst v63  }
0xee: {  	s16 =	sadd.s32 $0x2DC780, s16;
	s24 =	simm.s32 $0x6100;
	s26 =	spop (v2sf)  }
0xef: {  	[tilespmem:s24], [sflag:$0x3] =	stream.linear.gather [hbm4b:s16+s3], $0x400, $0x38;
	[tilespmem:$0x10780] =	vst v63  }
0xf0: {  	s22 =	sand.u32 $0x7F, s26  }
0xf1: {  	s23 =	sshra.s32 s26, $0x1F;
	p5 =	slt.s32 s26, $0x1;
	p6 =	sne.s32 s22, $0x0  }
0xf2: {  	s24 =	sshrl.u32 s23, $0x19;
	p0 =	por !p5, !p6  }
0xf3: {  	s19 =	simm.s32 $0x1;
	s16 =	sadd.s32 s24, s26;
	p0 =	por !p0, !p0  }
0xf4: {  	s16 =	sshrl.u32 s16, $0x7;
	s19 =	simm.s32 @!p0 $0x0  }
0xf5: {  	s16 =	ssub.s32 s16, s19  }
0xf6: {  	s16 =	sshll.u32 s16, $0x7  }
0xf7: {  	s16 =	sand.u32 $0x1FFFFF80, s16  }
0xf8: {  	s26 =	simm.s32 $0xC900;
	s16 =	sadd.s32 s2, s16  }
0xf9: {  	[tilespmem:s26], [sflag:$0x7] =	stream.linear.gather [hbm4b:s16+s3], $0x400, $0x38;
	[tilespmem:$0x10780] =	vst v63  }
0xfa: {  	s22 =	simm.s32 $0xD100;
	s20 =	sadd.s32 $0xF4280, s16  }
0xfb: {  	[tilespmem:s22], [sflag:$0x7] =	stream.linear.gather [hbm4b:s20+s3], $0x400, $0x38;
	[tilespmem:$0x10780] =	vst v63  }
.Ltmp2:
0xfc: {  	s24 =	simm.s32 $0xD900;
	s23 =	sadd.s32 $0x1E8500, s16;
	(pc) =	sbr.rel .LBB2_2-.Ltmp2, $4  }
0xfd: {  	[tilespmem:s24], [sflag:$0x7] =	stream.linear.gather [hbm4b:s23+s3], $0x400, $0x38;
	[tilespmem:$0x10780] =	vst v63  }
0xfe: {  	s16 =	sadd.s32 $0x2DC780, s16;
	s26 =	simm.s32 $0xE100  }
0xff: {  	[tilespmem:s26], [sflag:$0x7] =	stream.linear.gather [hbm4b:s16+s3], $0x400, $0x38;
	[tilespmem:$0x10780] =	vst v63  }
0x100: {  	v8 =	vimm.f32 $0.0e+00;
	s19 =	simm.s32 $0x0;
	s20 =	simm.s32 $0x0;
	s16 =	simm.s32 $0x0  }
.LBB2_8:
0x101: {  	_ =	swait.ge [sflag:s11], $0x2000  }
0x102: {  	[sflag:s11] =	ssyncset.done $0x0  }
0x103: {  	[sflag:s11] =	ssyncadd.s32 $0xFFFFE000  }
0x104: {  	_ =	swait.ge [sflag:s15], $0x2000  }
0x105: {  	[sflag:s15] =	ssyncset.done $0x0  }
0x106: {  	[sflag:s15] =	ssyncadd.s32 $0xFFFFE000  }
0x107: {  	v15 =	vld [tilespmem:s22+$0x6];
	_ =	sdelay $0x1  }
0x108: {  	v16 =	vld [tilespmem:s22+$0x286];
	_ =	sdelay $0x2  }
0x109: {  	(v2sf) =	vpush v15, $0x0;
	_ =	sdelay $0x1  }
0x10a: {  	(v2sf) =	vpush v16, $0x0;
	_ =	sdelay $0x8  }
0x10b: {  	v15 =	vand.u32 $0x7F, v15  }
0x10c: {  	v15 =	vbroadcast v15, $0x1  }
0x10d: {  	v16 =	vand.u32 $0x7F, v16  }
0x10e: {  	v16 =	vbroadcast v16, $0x1;
	v21 =	vor.u32 v3, v15  }
0x10f: {  	v15 =	vor.u32 v4, v15;
	s26 =	spop (v2sf)  }
0x110: {  	v22 =	vor.u32 v3, v16;
	s22 =	sand.u32 $0x7F, s26  }
0x111: {  	s23 =	spop (v2sf);
	v17 =	vor.u32 s22, v0  }
0x112: {  	s23 =	sand.u32 $0x7F, s23;
	v18 =	vor.u32 s22, v1  }
0x113: {  	v21 =	vld.idx.msk [tilespmem:v21+s9+$0x0], $0xffff;
	v19 =	vor.u32 s23, v0  }
0x114: {  	v15 =	vld.idx.msk [tilespmem:v15+s9+$0x0], $0xffff;
	v20 =	vor.u32 s23, v1  }
0x115: {  	v16 =	vor.u32 v4, v16;
	v22 =	vld.idx.msk [tilespmem:v22+s17+$0x0], $0xffff  }
0x116: {  	v17 =	vld.idx.msk [tilespmem:v17+s9+$0x0], $0xffff  }
0x117: {  	v18 =	vld.idx.msk [tilespmem:v18+s9+$0x0], $0xffff  }
0x118: {  	v19 =	vld.idx.msk [tilespmem:v19+s17+$0x0], $0xffff  }
0x119: {  	v20 =	vld.idx.msk [tilespmem:v20+s17+$0x0], $0xffff  }
0x11a: {  	v16 =	vld.idx.msk [tilespmem:v16+s17+$0x0], $0xffff;
	_ =	sdelay $0x3  }
0x11b: {  	v17 =	vmul.f32 v19, v17;
	v18 =	vmul.f32 v20, v18  }
0x11c: {  	v57 =	vmul.f32 v22, v21;
	v15 =	vmul.f32 v16, v15  }
0x11d: {  	v58 =	vmul.f32 v17, v5;
	v59 =	vmul.f32 v18, v6  }
0x11e: {  	v60 =	vmul.f32 v57, v5;
	v15 =	vmul.f32 v15, v6  }
0x11f: {  	v16 =	vadd.f32 v59, v58  }
0x120: {  	v15 =	vadd.f32 v15, v60  }
0x121: {  	s22 =	sand.u32 $0x8, s19;
	s23 =	sand.u32 $0x1, s20;
	(xrf2) =	vadd.scan.msk.f32 $0xffff, v16  }
0x122: {  	v10 =	vbroadcast v10, $0xF;
	v9 =	vbroadcast v9, $0xF;
	v61 =	vmov s22;
	s24 =	sor.u32 $0x1, s22;
	p0 =	seq.s32 s23, $0x0;
	(xrf2) =	vadd.scan.msk.f32 $0xffff, v15  }
0x123: {  	s26 =	sadd.s32 $0x2, s19;
	vm0 =	veq.s32 v61, v2;
	v62 =	vmov s24;
	v8 =	vpsel p0, $0x0, v8  }
0x124: {  	s23 =	sand.u32 $0xA, s26;
	vm9 =	veq.s32 v62, v2;
	v8 =	vsel vm0, v10, v8  }
0x125: {  	s24 =	sor.u32 $0x3, s22;
	v10 =	vbroadcast v12, $0xF;
	v8 =	vsel vm9, v9, v8;
	v9 =	vmov s23  }
0x126: {  	v11 =	vbroadcast v11, $0xF;
	vm10 =	veq.s32 v9, v2;
	v9 =	vmov s24  }
0x127: {  	s26 =	sadd.s32 $0x4, s19;
	v8 =	vsel vm10, v10, v8;
	vm11 =	veq.s32 v9, v2  }
0x128: {  	s23 =	sand.u32 $0xC, s26;
	v8 =	vsel vm11, v11, v8;
	v11 =	vbroadcast v13, $0xF  }
0x129: {  	s22 =	sor.u32 $0x5, s22;
	v9 =	vmov s23;
	v10 =	vbroadcast v14, $0xF  }
0x12a: {  	s24 =	sadd.s32 $0x6, s19;
	vm12 =	veq.s32 v9, v2;
	v9 =	vmov s22  }
0x12b: {  	s26 =	sand.u32 $0xE, s24;
	v8 =	vsel vm12, v10, v8;
	vm13 =	veq.s32 v9, v2;
	v63, _, _ =	vpop (xrf2)  }
0x12c: {  	s19 =	sadd.s32 $0x8, s19;
	s22 =	sor.u32 $0x1, s26;
	v9 =	vmov s26;
	v8 =	vsel vm13, v11, v8;
	v10 =	vbroadcast v63, $0xF;
	v11, _, _ =	vpop (xrf2)  }
0x12d: {  	p1 =	sne.s32 s19, $0x200;
	vm14 =	veq.s32 v9, v2;
	v9 =	vmov s22;
	v11 =	vbroadcast v11, $0xF  }
.Ltmp3:
0x12e: {  	vm15 =	veq.s32 v9, v2;
	v8 =	vsel vm14, v10, v8;
	(pc) =	sbr.rel @!p1 .LBB2_9-.Ltmp3, $4  }
0x12f: {  	v8 =	vsel vm15, v11, v8  }
0x130: {  	s22 =	sand.u32 @!p0 $0x7C0, s16;
	v9 =	vadd.f32 @!p0 v8, v7  }
0x131: {  	s22 =	sshrl.u32 @!p0 s22, $0x2  }
0x132: {  	s20 =	sadd.s32 $0x1, s20;
	s16 =	sadd.s32 $0x20, s16;
	[tilespmem:s22+$0x10580] =	vst @!p0 v9  }
.LBB2_2:
0x133: {  	s22 =	sshra.s32 s16, $0x2  }
0x134: {  	v9 =	vld [tilespmem:s22+$0x6];
	_ =	sdelay $0x4  }
0x135: {  	(v2sf) =	vpush v9, $0x0;
	_ =	sdelay $0xb  }
0x136: {  	v10 =	vld [tilespmem:s22+$0x286];
	_ =	sdelay $0x2  }
0x137: {  	s23 =	spop (v2sf)  }
0x138: {  	s24 =	sand.u32 $0x7F, s23  }
0x139: {  	(v2sf) =	vpush v10, $0x0;
	s26 =	sshra.s32 s23, $0x1F;
	p1 =	slt.s32 s23, $0x1;
	p0 =	sne.s32 s24, $0x0  }
0x13a: {  	s24 =	sshrl.u32 s26, $0x19;
	p0 =	por !p1, !p0  }
0x13b: {  	s23 =	sadd.s32 s24, s23;
	s24 =	simm.s32 $0x1;
	p0 =	por !p0, !p0  }
0x13c: {  	s23 =	sshrl.u32 s23, $0x7;
	s24 =	simm.s32 @!p0 $0x0  }
0x13d: {  	s23 =	ssub.s32 s23, s24  }
0x13e: {  	s23 =	sshll.u32 s23, $0x7  }
0x13f: {  	s23 =	sand.u32 $0x1FFFFF80, s23  }
0x140: {  	s23 =	sadd.s32 s1, s23  }
0x141: {  	[tilespmem:s9], [sflag:$0x4] =	stream.linear.gather [hbm4b:s23+s3], $0x400, $0x38;
	[tilespmem:$0x10780] =	vst v63  }
0x142: {  	s26 =	simm.s32 $0x6D00;
	s24 =	sadd.s32 $0xF4280, s23  }
0x143: {  	[tilespmem:s26], [sflag:$0x4] =	stream.linear.gather [hbm4b:s24+s3], $0x400, $0x38;
	[tilespmem:$0x10780] =	vst v63  }
0x144: {  	s24 =	sadd.s32 $0x1E8500, s23;
	s26 =	simm.s32 $0x7500  }
0x145: {  	[tilespmem:s26], [sflag:$0x4] =	stream.linear.gather [hbm4b:s24+s3], $0x400, $0x38;
	[tilespmem:$0x10780] =	vst v63  }
0x146: {  	s23 =	sadd.s32 $0x2DC780, s23;
	s26 =	simm.s32 $0x7D00  }
0x147: {  	[tilespmem:s26], [sflag:$0x4] =	stream.linear.gather [hbm4b:s23+s3], $0x400, $0x38;
	[tilespmem:$0x10780] =	vst v63  }
0x148: {  	s23 =	spop (v2sf)  }
0x149: {  	s26 =	sand.u32 $0x7F, s23  }
0x14a: {  	(v2sf) =	vpush v9, $0x1;
	p2 =	slt.s32 s23, $0x1;
	p1 =	sne.s32 s26, $0x0;
	s26 =	sshra.s32 s23, $0x1F  }
0x14b: {  	s24 =	sshrl.u32 s26, $0x19;
	p0 =	por !p2, !p1  }
0x14c: {  	s23 =	sadd.s32 s24, s23;
	p0 =	por !p0, !p0;
	s24 =	simm.s32 $0x1  }
0x14d: {  	s23 =	sshrl.u32 s23, $0x7;
	s24 =	simm.s32 @!p0 $0x0  }
0x14e: {  	s23 =	ssub.s32 s23, s24  }
0x14f: {  	s23 =	sshll.u32 s23, $0x7  }
0x150: {  	s23 =	sand.u32 $0x1FFFFF80, s23  }
0x151: {  	s23 =	sadd.s32 s2, s23  }
0x152: {  	[tilespmem:s17], [sflag:$0x8] =	stream.linear.gather [hbm4b:s23+s3], $0x400, $0x38;
	[tilespmem:$0x10780] =	vst v63  }
0x153: {  	s26 =	simm.s32 $0xED00;
	s24 =	sadd.s32 $0xF4280, s23  }
0x154: {  	[tilespmem:s26], [sflag:$0x8] =	stream.linear.gather [hbm4b:s24+s3], $0x400, $0x38;
	[tilespmem:$0x10780] =	vst v63  }
0x155: {  	s24 =	sadd.s32 $0x1E8500, s23;
	s26 =	simm.s32 $0xF500  }
0x156: {  	[tilespmem:s26], [sflag:$0x8] =	stream.linear.gather [hbm4b:s24+s3], $0x400, $0x38;
	[tilespmem:$0x10780] =	vst v63  }
0x157: {  	s23 =	sadd.s32 $0x2DC780, s23;
	s26 =	simm.s32 $0xFD00  }
0x158: {  	[tilespmem:s26], [sflag:$0x8] =	stream.linear.gather [hbm4b:s23+s3], $0x400, $0x38;
	[tilespmem:$0x10780] =	vst v63  }
0x159: {  	s23 =	spop (v2sf)  }
0x15a: {  	s26 =	sand.u32 $0x7F, s23  }
0x15b: {  	(v2sf) =	vpush v10, $0x1;
	p4 =	slt.s32 s23, $0x1;
	p3 =	sne.s32 s26, $0x0;
	s26 =	sshra.s32 s23, $0x1F  }
0x15c: {  	s24 =	sshrl.u32 s26, $0x19;
	p0 =	por !p4, !p3  }
0x15d: {  	s23 =	sadd.s32 s24, s23;
	p0 =	por !p0, !p0;
	s24 =	simm.s32 $0x1  }
0x15e: {  	s23 =	sshrl.u32 s23, $0x7;
	s24 =	simm.s32 @!p0 $0x0  }
0x15f: {  	s23 =	ssub.s32 s23, s24  }
0x160: {  	s23 =	sshll.u32 s23, $0x7  }
0x161: {  	s23 =	sand.u32 $0x1FFFFF80, s23  }
0x162: {  	s26 =	simm.s32 $0x6900;
	s23 =	sadd.s32 s1, s23  }
0x163: {  	[tilespmem:s26], [sflag:$0x4] =	stream.linear.gather [hbm4b:s23+s3], $0x400, $0x38;
	[tilespmem:$0x10780] =	vst v63  }
0x164: {  	s24 =	sadd.s32 $0xF4280, s23;
	s26 =	simm.s32 $0x7100  }
0x165: {  	[tilespmem:s26], [sflag:$0x4] =	stream.linear.gather [hbm4b:s24+s3], $0x400, $0x38;
	[tilespmem:$0x10780] =	vst v63  }
0x166: {  	s24 =	sadd.s32 $0x1E8500, s23;
	s26 =	simm.s32 $0x7900  }
0x167: {  	[tilespmem:s26], [sflag:$0x4] =	stream.linear.gather [hbm4b:s24+s3], $0x400, $0x38;
	[tilespmem:$0x10780] =	vst v63  }
0x168: {  	s23 =	sadd.s32 $0x2DC780, s23  }
0x169: {  	[tilespmem:s28], [sflag:$0x4] =	stream.linear.gather [hbm4b:s23+s3], $0x400, $0x38;
	[tilespmem:$0x10780] =	vst v63  }
0x16a: {  	s23 =	spop (v2sf)  }
0x16b: {  	s26 =	sand.u32 $0x7F, s23  }
0x16c: {  	p6 =	slt.s32 s23, $0x1;
	p5 =	sne.s32 s26, $0x0;
	s26 =	sshra.s32 s23, $0x1F  }
0x16d: {  	s24 =	sshrl.u32 s26, $0x19;
	p0 =	por !p6, !p5  }
0x16e: {  	s23 =	sadd.s32 s24, s23;
	p0 =	por !p0, !p0;
	s24 =	simm.s32 $0x1  }
0x16f: {  	s23 =	sshrl.u32 s23, $0x7;
	s24 =	simm.s32 @!p0 $0x0  }
0x170: {  	s23 =	ssub.s32 s23, s24  }
0x171: {  	s23 =	sshll.u32 s23, $0x7  }
0x172: {  	s23 =	sand.u32 $0x1FFFFF80, s23  }
0x173: {  	s23 =	sadd.s32 s2, s23  }
0x174: {  	[tilespmem:s29], [sflag:$0x8] =	stream.linear.gather [hbm4b:s23+s3], $0x400, $0x38;
	[tilespmem:$0x10780] =	vst v63  }
0x175: {  	s26 =	sadd.s32 $0xF4280, s23  }
0x176: {  	[tilespmem:s30], [sflag:$0x8] =	stream.linear.gather [hbm4b:s26+s3], $0x400, $0x38;
	[tilespmem:$0x10780] =	vst v63  }
0x177: {  	s26 =	sadd.s32 $0x1E8500, s23  }
0x178: {  	[tilespmem:s0], [sflag:$0x8] =	stream.linear.gather [hbm4b:s26+s3], $0x400, $0x38;
	[tilespmem:$0x10780] =	vst v63  }
0x179: {  	s23 =	sadd.s32 $0x2DC780, s23  }
0x17a: {  	[tilespmem:s4], [sflag:$0x8] =	stream.linear.gather [hbm4b:s23+s3], $0x400, $0x38;
	[tilespmem:$0x10780] =	vst v63  }
0x17b: {  	_ =	swait.ge [sflag:s13], $0x2000  }
0x17c: {  	[sflag:s13] =	ssyncset.done $0x0  }
0x17d: {  	[sflag:s13] =	ssyncadd.s32 $0xFFFFE000  }
0x17e: {  	_ =	swait.ge [sflag:s10], $0x2000  }
0x17f: {  	[sflag:s10] =	ssyncset.done $0x0  }
0x180: {  	[sflag:s10] =	ssyncadd.s32 $0xFFFFE000  }
0x181: {  	v9 =	vld [tilespmem:s22+$0x0];
	_ =	sdelay $0x1  }
0x182: {  	v10 =	vld [tilespmem:s22+$0x280];
	_ =	sdelay $0x2  }
0x183: {  	(v2sf) =	vpush v9, $0x0;
	_ =	sdelay $0x1  }
0x184: {  	(v2sf) =	vpush v10, $0x0;
	_ =	sdelay $0x8  }
0x185: {  	v9 =	vand.u32 $0x7F, v9  }
0x186: {  	v9 =	vbroadcast v9, $0x1  }
0x187: {  	v10 =	vand.u32 $0x7F, v10  }
0x188: {  	v10 =	vbroadcast v10, $0x1;
	v15 =	vor.u32 v3, v9  }
0x189: {  	v9 =	vor.u32 v4, v9;
	s24 =	spop (v2sf)  }
0x18a: {  	v16 =	vor.u32 v3, v10;
	s23 =	sand.u32 $0x7F, s24  }
0x18b: {  	s26 =	spop (v2sf);
	v11 =	vor.u32 s23, v0  }
0x18c: {  	v12 =	vor.u32 s23, v1;
	s26 =	sand.u32 $0x7F, s26  }
0x18d: {  	v15 =	vld.idx.msk [tilespmem:v15+s14+$0x0], $0xffff;
	v13 =	vor.u32 s26, v0  }
0x18e: {  	v9 =	vld.idx.msk [tilespmem:v9+s14+$0x0], $0xffff;
	v14 =	vor.u32 s26, v1  }
0x18f: {  	v10 =	vor.u32 v4, v10;
	v16 =	vld.idx.msk [tilespmem:v16+s18+$0x0], $0xffff  }
0x190: {  	v11 =	vld.idx.msk [tilespmem:v11+s14+$0x0], $0xffff  }
0x191: {  	v12 =	vld.idx.msk [tilespmem:v12+s14+$0x0], $0xffff  }
0x192: {  	v13 =	vld.idx.msk [tilespmem:v13+s18+$0x0], $0xffff  }
0x193: {  	v14 =	vld.idx.msk [tilespmem:v14+s18+$0x0], $0xffff  }
0x194: {  	v10 =	vld.idx.msk [tilespmem:v10+s18+$0x0], $0xffff;
	_ =	sdelay $0x3  }
0x195: {  	v11 =	vmul.f32 v13, v11;
	v12 =	vmul.f32 v14, v12  }
0x196: {  	v62 =	vmul.f32 v16, v15;
	v9 =	vmul.f32 v10, v9  }
0x197: {  	v10 =	vmul.f32 v11, v5;
	v11 =	vmul.f32 v12, v6  }
0x198: {  	v63 =	vmul.f32 v62, v5;
	v9 =	vmul.f32 v9, v6  }
0x199: {  	v10 =	vadd.f32 v11, v10  }
0x19a: {  	v9 =	vadd.f32 v9, v63  }
0x19b: {  	(xrf2) =	vadd.scan.msk.f32 $0xffff, v10  }
0x19c: {  	(xrf2) =	vadd.scan.msk.f32 $0xffff, v9;
	_ =	sdelay $0x4  }
0x19d: {  	p0 =	seq.s32 s19, $0x1F8  }
.Ltmp4:
0x19e: {  	_ = 	snop;
	(pc) =	sbr.rel @p0 .LBB2_4-.Ltmp4, $3  }
0x19f: {  	_ =	sdelay $0x1  }
0x1a0: {  	v10, _, _ =	vpop (xrf2)  }
0x1a1: {  	v9, _, _ =	vpop (xrf2)  }
0x1a2: {  	v11 =	vld [tilespmem:s22+$0x8];
	_ =	sdelay $0x4  }
0x1a3: {  	(v2sf) =	vpush v11, $0x0;
	_ =	sdelay $0xb  }
0x1a4: {  	v12 =	vld [tilespmem:s22+$0x288];
	_ =	sdelay $0x2  }
0x1a5: {  	s23 =	spop (v2sf)  }
0x1a6: {  	s24 =	sand.u32 $0x7F, s23  }
0x1a7: {  	(v2sf) =	vpush v12, $0x0;
	s26 =	sshra.s32 s23, $0x1F;
	p2 =	slt.s32 s23, $0x1;
	p1 =	sne.s32 s24, $0x0  }
0x1a8: {  	s24 =	sshrl.u32 s26, $0x19;
	p1 =	por !p2, !p1  }
0x1a9: {  	s23 =	sadd.s32 s24, s23;
	s24 =	simm.s32 $0x1;
	p1 =	por !p1, !p1  }
0x1aa: {  	s23 =	sshrl.u32 s23, $0x7;
	s24 =	simm.s32 @!p1 $0x0  }
0x1ab: {  	s23 =	ssub.s32 s23, s24  }
0x1ac: {  	s23 =	sshll.u32 s23, $0x7  }
0x1ad: {  	s23 =	sand.u32 $0x1FFFFF80, s23  }
0x1ae: {  	s23 =	sadd.s32 s1, s23  }
0x1af: {  	[tilespmem:s14], [sflag:$0x1] =	stream.linear.gather [hbm4b:s23+s3], $0x400, $0x38;
	[tilespmem:$0x10780] =	vst v63  }
0x1b0: {  	s26 =	simm.s32 $0xD00;
	s24 =	sadd.s32 $0xF4280, s23  }
0x1b1: {  	[tilespmem:s26], [sflag:$0x1] =	stream.linear.gather [hbm4b:s24+s3], $0x400, $0x38;
	[tilespmem:$0x10780] =	vst v63  }
0x1b2: {  	s24 =	sadd.s32 $0x1E8500, s23;
	s26 =	simm.s32 $0x1500  }
0x1b3: {  	[tilespmem:s26], [sflag:$0x1] =	stream.linear.gather [hbm4b:s24+s3], $0x400, $0x38;
	[tilespmem:$0x10780] =	vst v63  }
0x1b4: {  	s23 =	sadd.s32 $0x2DC780, s23;
	s26 =	simm.s32 $0x1D00  }
0x1b5: {  	[tilespmem:s26], [sflag:$0x1] =	stream.linear.gather [hbm4b:s23+s3], $0x400, $0x38;
	[tilespmem:$0x10780] =	vst v63  }
0x1b6: {  	s23 =	spop (v2sf)  }
0x1b7: {  	s26 =	sand.u32 $0x7F, s23  }
0x1b8: {  	(v2sf) =	vpush v11, $0x1;
	p6 =	slt.s32 s23, $0x1;
	p5 =	sne.s32 s26, $0x0;
	s26 =	sshra.s32 s23, $0x1F  }
0x1b9: {  	s24 =	sshrl.u32 s26, $0x19;
	p1 =	por !p6, !p5  }
0x1ba: {  	s23 =	sadd.s32 s24, s23;
	p1 =	por !p1, !p1;
	s24 =	simm.s32 $0x1  }
0x1bb: {  	s23 =	sshrl.u32 s23, $0x7;
	s24 =	simm.s32 @!p1 $0x0  }
0x1bc: {  	s23 =	ssub.s32 s23, s24  }
0x1bd: {  	s23 =	sshll.u32 s23, $0x7  }
0x1be: {  	s23 =	sand.u32 $0x1FFFFF80, s23  }
0x1bf: {  	s23 =	sadd.s32 s2, s23  }
0x1c0: {  	[tilespmem:s18], [sflag:$0x5] =	stream.linear.gather [hbm4b:s23+s3], $0x400, $0x38;
	[tilespmem:$0x10780] =	vst v63  }
0x1c1: {  	s26 =	simm.s32 $0x8D00;
	s24 =	sadd.s32 $0xF4280, s23  }
0x1c2: {  	[tilespmem:s26], [sflag:$0x5] =	stream.linear.gather [hbm4b:s24+s3], $0x400, $0x38;
	[tilespmem:$0x10780] =	vst v63  }
0x1c3: {  	s24 =	sadd.s32 $0x1E8500, s23;
	s26 =	simm.s32 $0x9500  }
0x1c4: {  	[tilespmem:s26], [sflag:$0x5] =	stream.linear.gather [hbm4b:s24+s3], $0x400, $0x38;
	[tilespmem:$0x10780] =	vst v63  }
0x1c5: {  	s23 =	sadd.s32 $0x2DC780, s23;
	s26 =	simm.s32 $0x9D00  }
0x1c6: {  	[tilespmem:s26], [sflag:$0x5] =	stream.linear.gather [hbm4b:s23+s3], $0x400, $0x38;
	[tilespmem:$0x10780] =	vst v63  }
0x1c7: {  	s23 =	spop (v2sf)  }
0x1c8: {  	s26 =	sand.u32 $0x7F, s23  }
0x1c9: {  	(v2sf) =	vpush v12, $0x1;
	p4 =	slt.s32 s23, $0x1;
	p3 =	sne.s32 s26, $0x0;
	s26 =	sshra.s32 s23, $0x1F  }
0x1ca: {  	s24 =	sshrl.u32 s26, $0x19;
	p1 =	por !p4, !p3  }
0x1cb: {  	s23 =	sadd.s32 s24, s23;
	p1 =	por !p1, !p1;
	s24 =	simm.s32 $0x1  }
0x1cc: {  	s23 =	sshrl.u32 s23, $0x7;
	s24 =	simm.s32 @!p1 $0x0  }
0x1cd: {  	s23 =	ssub.s32 s23, s24  }
0x1ce: {  	s23 =	sshll.u32 s23, $0x7  }
0x1cf: {  	s23 =	sand.u32 $0x1FFFFF80, s23  }
0x1d0: {  	s26 =	simm.s32 $0x900;
	s23 =	sadd.s32 s1, s23  }
0x1d1: {  	[tilespmem:s26], [sflag:$0x1] =	stream.linear.gather [hbm4b:s23+s3], $0x400, $0x38;
	[tilespmem:$0x10780] =	vst v63  }
0x1d2: {  	s24 =	sadd.s32 $0xF4280, s23;
	s26 =	simm.s32 $0x1100  }
0x1d3: {  	[tilespmem:s26], [sflag:$0x1] =	stream.linear.gather [hbm4b:s24+s3], $0x400, $0x38;
	[tilespmem:$0x10780] =	vst v63  }
0x1d4: {  	s24 =	sadd.s32 $0x1E8500, s23;
	s26 =	simm.s32 $0x1900  }
0x1d5: {  	[tilespmem:s26], [sflag:$0x1] =	stream.linear.gather [hbm4b:s24+s3], $0x400, $0x38;
	[tilespmem:$0x10780] =	vst v63  }
0x1d6: {  	s23 =	sadd.s32 $0x2DC780, s23;
	s26 =	simm.s32 $0x2100  }
0x1d7: {  	[tilespmem:s26], [sflag:$0x1] =	stream.linear.gather [hbm4b:s23+s3], $0x400, $0x38;
	[tilespmem:$0x10780] =	vst v63  }
0x1d8: {  	s23 =	spop (v2sf)  }
0x1d9: {  	s26 =	sand.u32 $0x7F, s23  }
0x1da: {  	p6 =	slt.s32 s23, $0x1;
	p5 =	sne.s32 s26, $0x0;
	s26 =	sshra.s32 s23, $0x1F  }
0x1db: {  	s24 =	sshrl.u32 s26, $0x19;
	p1 =	por !p6, !p5  }
0x1dc: {  	s23 =	sadd.s32 s24, s23;
	p1 =	por !p1, !p1;
	s24 =	simm.s32 $0x1  }
0x1dd: {  	s23 =	sshrl.u32 s23, $0x7;
	s24 =	simm.s32 @!p1 $0x0  }
0x1de: {  	s23 =	ssub.s32 s23, s24  }
0x1df: {  	s23 =	sshll.u32 s23, $0x7  }
0x1e0: {  	s23 =	sand.u32 $0x1FFFFF80, s23  }
0x1e1: {  	s26 =	simm.s32 $0x8900;
	s23 =	sadd.s32 s2, s23  }
0x1e2: {  	[tilespmem:s26], [sflag:$0x5] =	stream.linear.gather [hbm4b:s23+s3], $0x400, $0x38;
	[tilespmem:$0x10780] =	vst v63  }
0x1e3: {  	s24 =	sadd.s32 $0xF4280, s23;
	s26 =	simm.s32 $0x9100  }
0x1e4: {  	[tilespmem:s26], [sflag:$0x5] =	stream.linear.gather [hbm4b:s24+s3], $0x400, $0x38;
	[tilespmem:$0x10780] =	vst v63  }
0x1e5: {  	s24 =	sadd.s32 $0x1E8500, s23;
	s26 =	simm.s32 $0x9900  }
0x1e6: {  	[tilespmem:s26], [sflag:$0x5] =	stream.linear.gather [hbm4b:s24+s3], $0x400, $0x38;
	[tilespmem:$0x10780] =	vst v63  }
0x1e7: {  	s23 =	sadd.s32 $0x2DC780, s23;
	s26 =	simm.s32 $0xA100  }
0x1e8: {  	[tilespmem:s26], [sflag:$0x5] =	stream.linear.gather [hbm4b:s23+s3], $0x400, $0x38;
	[tilespmem:$0x10780] =	vst v63  }
.LBB2_4:
0x1e9: {  	_ =	swait.ge [sflag:s5], $0x2000  }
0x1ea: {  	[sflag:s5] =	ssyncset.done $0x0  }
0x1eb: {  	[sflag:s5] =	ssyncadd.s32 $0xFFFFE000  }
0x1ec: {  	_ =	swait.ge [sflag:s6], $0x2000  }
0x1ed: {  	[sflag:s6] =	ssyncset.done $0x0  }
0x1ee: {  	[sflag:s6] =	ssyncadd.s32 $0xFFFFE000  }
0x1ef: {  	v11 =	vld [tilespmem:s22+$0x2];
	_ =	sdelay $0x1  }
0x1f0: {  	v12 =	vld [tilespmem:s22+$0x282];
	_ =	sdelay $0x2  }
0x1f1: {  	(v2sf) =	vpush v11, $0x0;
	_ =	sdelay $0x1  }
0x1f2: {  	(v2sf) =	vpush v12, $0x0;
	_ =	sdelay $0x8  }
0x1f3: {  	v11 =	vand.u32 $0x7F, v11  }
0x1f4: {  	v11 =	vbroadcast v11, $0x1  }
0x1f5: {  	v12 =	vand.u32 $0x7F, v12  }
0x1f6: {  	v12 =	vbroadcast v12, $0x1;
	v17 =	vor.u32 v3, v11  }
0x1f7: {  	v11 =	vor.u32 v4, v11;
	s23 =	spop (v2sf)  }
0x1f8: {  	v18 =	vor.u32 v3, v12;
	s23 =	sand.u32 $0x7F, s23  }
0x1f9: {  	s24 =	spop (v2sf);
	v13 =	vor.u32 s23, v0  }
0x1fa: {  	s24 =	sand.u32 $0x7F, s24;
	v14 =	vor.u32 s23, v1  }
0x1fb: {  	v17 =	vld.idx.msk [tilespmem:v17+s31+$0x0], $0xffff;
	v15 =	vor.u32 s24, v0  }
0x1fc: {  	v11 =	vld.idx.msk [tilespmem:v11+s31+$0x0], $0xffff;
	v16 =	vor.u32 s24, v1  }
0x1fd: {  	v12 =	vor.u32 v4, v12;
	v18 =	vld.idx.msk [tilespmem:v18+s12+$0x0], $0xffff  }
0x1fe: {  	v13 =	vld.idx.msk [tilespmem:v13+s31+$0x0], $0xffff  }
0x1ff: {  	v14 =	vld.idx.msk [tilespmem:v14+s31+$0x0], $0xffff  }
0x200: {  	v15 =	vld.idx.msk [tilespmem:v15+s12+$0x0], $0xffff  }
0x201: {  	v16 =	vld.idx.msk [tilespmem:v16+s12+$0x0], $0xffff  }
0x202: {  	v12 =	vld.idx.msk [tilespmem:v12+s12+$0x0], $0xffff;
	_ =	sdelay $0x3  }
0x203: {  	v13 =	vmul.f32 v15, v13;
	v14 =	vmul.f32 v16, v14  }
0x204: {  	v11 =	vmul.f32 v12, v11;
	v15 =	vmul.f32 v18, v17  }
0x205: {  	v12 =	vmul.f32 v13, v5;
	v13 =	vmul.f32 v14, v6  }
0x206: {  	v11 =	vmul.f32 v11, v6;
	v14 =	vmul.f32 v15, v5  }
0x207: {  	v12 =	vadd.f32 v13, v12  }
0x208: {  	v11 =	vadd.f32 v11, v14  }
0x209: {  	(xrf2) =	vadd.scan.msk.f32 $0xffff, v12  }
0x20a: {  	(xrf2) =	vadd.scan.msk.f32 $0xffff, v11;
	_ =	sdelay $0x5  }
.Ltmp5:
0x20b: {  	_ = 	snop;
	(pc) =	sbr.rel @p0 .LBB2_6-.Ltmp5, $3  }
0x20c: {  	_ =	sdelay $0x1  }
0x20d: {  	v12, _, _ =	vpop (xrf2)  }
0x20e: {  	v11, _, _ =	vpop (xrf2)  }
0x20f: {  	v13 =	vld [tilespmem:s22+$0xA];
	_ =	sdelay $0x4  }
0x210: {  	(v2sf) =	vpush v13, $0x0;
	_ =	sdelay $0xb  }
0x211: {  	v14 =	vld [tilespmem:s22+$0x28A];
	_ =	sdelay $0x2  }
0x212: {  	s23 =	spop (v2sf)  }
0x213: {  	s24 =	sand.u32 $0x7F, s23  }
0x214: {  	(v2sf) =	vpush v14, $0x0;
	s26 =	sshra.s32 s23, $0x1F;
	p2 =	slt.s32 s23, $0x1;
	p1 =	sne.s32 s24, $0x0  }
0x215: {  	s24 =	sshrl.u32 s26, $0x19;
	p1 =	por !p2, !p1  }
0x216: {  	s23 =	sadd.s32 s24, s23;
	s24 =	simm.s32 $0x1;
	p1 =	por !p1, !p1  }
0x217: {  	s23 =	sshrl.u32 s23, $0x7;
	s24 =	simm.s32 @!p1 $0x0  }
0x218: {  	s23 =	ssub.s32 s23, s24  }
0x219: {  	s23 =	sshll.u32 s23, $0x7  }
0x21a: {  	s23 =	sand.u32 $0x1FFFFF80, s23  }
0x21b: {  	s23 =	sadd.s32 s1, s23  }
0x21c: {  	[tilespmem:s31], [sflag:$0x2] =	stream.linear.gather [hbm4b:s23+s3], $0x400, $0x38;
	[tilespmem:$0x10780] =	vst v63  }
0x21d: {  	s26 =	simm.s32 $0x2D00;
	s24 =	sadd.s32 $0xF4280, s23  }
0x21e: {  	[tilespmem:s26], [sflag:$0x2] =	stream.linear.gather [hbm4b:s24+s3], $0x400, $0x38;
	[tilespmem:$0x10780] =	vst v63  }
0x21f: {  	s24 =	sadd.s32 $0x1E8500, s23;
	s26 =	simm.s32 $0x3500  }
0x220: {  	[tilespmem:s26], [sflag:$0x2] =	stream.linear.gather [hbm4b:s24+s3], $0x400, $0x38;
	[tilespmem:$0x10780] =	vst v63  }
0x221: {  	s23 =	sadd.s32 $0x2DC780, s23;
	s26 =	simm.s32 $0x3D00  }
0x222: {  	[tilespmem:s26], [sflag:$0x2] =	stream.linear.gather [hbm4b:s23+s3], $0x400, $0x38;
	[tilespmem:$0x10780] =	vst v63  }
0x223: {  	s23 =	spop (v2sf)  }
0x224: {  	s26 =	sand.u32 $0x7F, s23  }
0x225: {  	(v2sf) =	vpush v13, $0x1;
	p6 =	slt.s32 s23, $0x1;
	p5 =	sne.s32 s26, $0x0;
	s26 =	sshra.s32 s23, $0x1F  }
0x226: {  	s24 =	sshrl.u32 s26, $0x19;
	p1 =	por !p6, !p5  }
0x227: {  	s23 =	sadd.s32 s24, s23;
	p1 =	por !p1, !p1;
	s24 =	simm.s32 $0x1  }
0x228: {  	s23 =	sshrl.u32 s23, $0x7;
	s24 =	simm.s32 @!p1 $0x0  }
0x229: {  	s23 =	ssub.s32 s23, s24  }
0x22a: {  	s23 =	sshll.u32 s23, $0x7  }
0x22b: {  	s23 =	sand.u32 $0x1FFFFF80, s23  }
0x22c: {  	s23 =	sadd.s32 s2, s23  }
0x22d: {  	[tilespmem:s12], [sflag:$0x6] =	stream.linear.gather [hbm4b:s23+s3], $0x400, $0x38;
	[tilespmem:$0x10780] =	vst v63  }
0x22e: {  	s26 =	simm.s32 $0xAD00;
	s24 =	sadd.s32 $0xF4280, s23  }
0x22f: {  	[tilespmem:s26], [sflag:$0x6] =	stream.linear.gather [hbm4b:s24+s3], $0x400, $0x38;
	[tilespmem:$0x10780] =	vst v63  }
0x230: {  	s24 =	sadd.s32 $0x1E8500, s23;
	s26 =	simm.s32 $0xB500  }
0x231: {  	[tilespmem:s26], [sflag:$0x6] =	stream.linear.gather [hbm4b:s24+s3], $0x400, $0x38;
	[tilespmem:$0x10780] =	vst v63  }
0x232: {  	s23 =	sadd.s32 $0x2DC780, s23;
	s26 =	simm.s32 $0xBD00  }
0x233: {  	[tilespmem:s26], [sflag:$0x6] =	stream.linear.gather [hbm4b:s23+s3], $0x400, $0x38;
	[tilespmem:$0x10780] =	vst v63  }
0x234: {  	s23 =	spop (v2sf)  }
0x235: {  	s26 =	sand.u32 $0x7F, s23  }
0x236: {  	(v2sf) =	vpush v14, $0x1;
	p4 =	slt.s32 s23, $0x1;
	p3 =	sne.s32 s26, $0x0;
	s26 =	sshra.s32 s23, $0x1F  }
0x237: {  	s24 =	sshrl.u32 s26, $0x19;
	p1 =	por !p4, !p3  }
0x238: {  	s23 =	sadd.s32 s24, s23;
	p1 =	por !p1, !p1;
	s24 =	simm.s32 $0x1  }
0x239: {  	s23 =	sshrl.u32 s23, $0x7;
	s24 =	simm.s32 @!p1 $0x0  }
0x23a: {  	s23 =	ssub.s32 s23, s24  }
0x23b: {  	s23 =	sshll.u32 s23, $0x7  }
0x23c: {  	s23 =	sand.u32 $0x1FFFFF80, s23  }
0x23d: {  	s26 =	simm.s32 $0x2900;
	s23 =	sadd.s32 s1, s23  }
0x23e: {  	[tilespmem:s26], [sflag:$0x2] =	stream.linear.gather [hbm4b:s23+s3], $0x400, $0x38;
	[tilespmem:$0x10780] =	vst v63  }
0x23f: {  	s24 =	sadd.s32 $0xF4280, s23;
	s26 =	simm.s32 $0x3100  }
0x240: {  	[tilespmem:s26], [sflag:$0x2] =	stream.linear.gather [hbm4b:s24+s3], $0x400, $0x38;
	[tilespmem:$0x10780] =	vst v63  }
0x241: {  	s24 =	sadd.s32 $0x1E8500, s23;
	s26 =	simm.s32 $0x3900  }
0x242: {  	[tilespmem:s26], [sflag:$0x2] =	stream.linear.gather [hbm4b:s24+s3], $0x400, $0x38;
	[tilespmem:$0x10780] =	vst v63  }
0x243: {  	s23 =	sadd.s32 $0x2DC780, s23;
	s26 =	simm.s32 $0x4100  }
0x244: {  	[tilespmem:s26], [sflag:$0x2] =	stream.linear.gather [hbm4b:s23+s3], $0x400, $0x38;
	[tilespmem:$0x10780] =	vst v63  }
0x245: {  	s23 =	spop (v2sf)  }
0x246: {  	s26 =	sand.u32 $0x7F, s23  }
0x247: {  	p6 =	slt.s32 s23, $0x1;
	p5 =	sne.s32 s26, $0x0;
	s26 =	sshra.s32 s23, $0x1F  }
0x248: {  	s24 =	sshrl.u32 s26, $0x19;
	p1 =	por !p6, !p5  }
0x249: {  	s23 =	sadd.s32 s24, s23;
	p1 =	por !p1, !p1;
	s24 =	simm.s32 $0x1  }
0x24a: {  	s23 =	sshrl.u32 s23, $0x7;
	s24 =	simm.s32 @!p1 $0x0  }
0x24b: {  	s23 =	ssub.s32 s23, s24  }
0x24c: {  	s23 =	sshll.u32 s23, $0x7  }
0x24d: {  	s23 =	sand.u32 $0x1FFFFF80, s23  }
0x24e: {  	s26 =	simm.s32 $0xA900;
	s23 =	sadd.s32 s2, s23  }
0x24f: {  	[tilespmem:s26], [sflag:$0x6] =	stream.linear.gather [hbm4b:s23+s3], $0x400, $0x38;
	[tilespmem:$0x10780] =	vst v63  }
0x250: {  	s24 =	sadd.s32 $0xF4280, s23;
	s26 =	simm.s32 $0xB100  }
0x251: {  	[tilespmem:s26], [sflag:$0x6] =	stream.linear.gather [hbm4b:s24+s3], $0x400, $0x38;
	[tilespmem:$0x10780] =	vst v63  }
0x252: {  	s24 =	sadd.s32 $0x1E8500, s23;
	s26 =	simm.s32 $0xB900  }
0x253: {  	[tilespmem:s26], [sflag:$0x6] =	stream.linear.gather [hbm4b:s24+s3], $0x400, $0x38;
	[tilespmem:$0x10780] =	vst v63  }
0x254: {  	s23 =	sadd.s32 $0x2DC780, s23;
	s26 =	simm.s32 $0xC100  }
0x255: {  	[tilespmem:s26], [sflag:$0x6] =	stream.linear.gather [hbm4b:s23+s3], $0x400, $0x38;
	[tilespmem:$0x10780] =	vst v63  }
.LBB2_6:
0x256: {  	_ =	swait.ge [sflag:s7], $0x2000  }
0x257: {  	[sflag:s7] =	ssyncset.done $0x0  }
0x258: {  	[sflag:s7] =	ssyncadd.s32 $0xFFFFE000  }
0x259: {  	_ =	swait.ge [sflag:s8], $0x2000  }
0x25a: {  	[sflag:s8] =	ssyncset.done $0x0  }
0x25b: {  	[sflag:s8] =	ssyncadd.s32 $0xFFFFE000  }
0x25c: {  	v13 =	vld [tilespmem:s22+$0x4];
	_ =	sdelay $0x1  }
0x25d: {  	v14 =	vld [tilespmem:s22+$0x284];
	_ =	sdelay $0x2  }
0x25e: {  	(v2sf) =	vpush v13, $0x0;
	_ =	sdelay $0x1  }
0x25f: {  	(v2sf) =	vpush v14, $0x0;
	_ =	sdelay $0x8  }
0x260: {  	v13 =	vand.u32 $0x7F, v13  }
0x261: {  	v13 =	vbroadcast v13, $0x1  }
0x262: {  	v14 =	vand.u32 $0x7F, v14  }
0x263: {  	v14 =	vbroadcast v14, $0x1;
	v19 =	vor.u32 v3, v13  }
0x264: {  	v13 =	vor.u32 v4, v13;
	s23 =	spop (v2sf)  }
0x265: {  	v20 =	vor.u32 v3, v14;
	s23 =	sand.u32 $0x7F, s23  }
0x266: {  	s24 =	spop (v2sf);
	v15 =	vor.u32 s23, v0  }
0x267: {  	s24 =	sand.u32 $0x7F, s24;
	v16 =	vor.u32 s23, v1  }
0x268: {  	v19 =	vld.idx.msk [tilespmem:v19+s21+$0x0], $0xffff;
	v17 =	vor.u32 s24, v0  }
0x269: {  	v13 =	vld.idx.msk [tilespmem:v13+s21+$0x0], $0xffff;
	v18 =	vor.u32 s24, v1  }
0x26a: {  	v14 =	vor.u32 v4, v14;
	v20 =	vld.idx.msk [tilespmem:v20+s25+$0x0], $0xffff  }
0x26b: {  	v15 =	vld.idx.msk [tilespmem:v15+s21+$0x0], $0xffff  }
0x26c: {  	v16 =	vld.idx.msk [tilespmem:v16+s21+$0x0], $0xffff  }
0x26d: {  	v17 =	vld.idx.msk [tilespmem:v17+s25+$0x0], $0xffff  }
0x26e: {  	v18 =	vld.idx.msk [tilespmem:v18+s25+$0x0], $0xffff  }
0x26f: {  	v14 =	vld.idx.msk [tilespmem:v14+s25+$0x0], $0xffff;
	_ =	sdelay $0x3  }
0x270: {  	v15 =	vmul.f32 v17, v15;
	v16 =	vmul.f32 v18, v16  }
0x271: {  	v62 =	vmul.f32 v20, v19;
	v13 =	vmul.f32 v14, v13  }
0x272: {  	v14 =	vmul.f32 v15, v5;
	v15 =	vmul.f32 v16, v6  }
0x273: {  	v63 =	vmul.f32 v62, v5;
	v13 =	vmul.f32 v13, v6  }
0x274: {  	v14 =	vadd.f32 v15, v14  }
0x275: {  	v13 =	vadd.f32 v13, v63  }
0x276: {  	(xrf2) =	vadd.scan.msk.f32 $0xffff, v14  }
0x277: {  	(xrf2) =	vadd.scan.msk.f32 $0xffff, v13;
	_ =	sdelay $0x5  }
.Ltmp6:
0x278: {  	_ = 	snop;
	(pc) =	sbr.rel @p0 .LBB2_8-.Ltmp6, $3  }
0x279: {  	_ =	sdelay $0x1  }
0x27a: {  	v14, _, _ =	vpop (xrf2)  }
0x27b: {  	v13, _, _ =	vpop (xrf2)  }
0x27c: {  	v15 =	vld [tilespmem:s22+$0xC];
	_ =	sdelay $0x4  }
0x27d: {  	(v2sf) =	vpush v15, $0x0;
	_ =	sdelay $0xb  }
0x27e: {  	v16 =	vld [tilespmem:s22+$0x28C];
	_ =	sdelay $0x2  }
0x27f: {  	s23 =	spop (v2sf)  }
0x280: {  	s24 =	sand.u32 $0x7F, s23  }
0x281: {  	(v2sf) =	vpush v16, $0x0;
	s26 =	sshra.s32 s23, $0x1F;
	p1 =	slt.s32 s23, $0x1;
	p0 =	sne.s32 s24, $0x0  }
0x282: {  	s24 =	sshrl.u32 s26, $0x19;
	p0 =	por !p1, !p0  }
0x283: {  	s23 =	sadd.s32 s24, s23;
	s24 =	simm.s32 $0x1;
	p0 =	por !p0, !p0  }
0x284: {  	s23 =	sshrl.u32 s23, $0x7;
	s24 =	simm.s32 @!p0 $0x0  }
0x285: {  	s23 =	ssub.s32 s23, s24  }
0x286: {  	s23 =	sshll.u32 s23, $0x7  }
0x287: {  	s23 =	sand.u32 $0x1FFFFF80, s23  }
0x288: {  	s23 =	sadd.s32 s1, s23  }
0x289: {  	[tilespmem:s21], [sflag:$0x3] =	stream.linear.gather [hbm4b:s23+s3], $0x400, $0x38;
	[tilespmem:$0x10780] =	vst v63  }
0x28a: {  	s26 =	simm.s32 $0x4D00;
	s24 =	sadd.s32 $0xF4280, s23  }
0x28b: {  	[tilespmem:s26], [sflag:$0x3] =	stream.linear.gather [hbm4b:s24+s3], $0x400, $0x38;
	[tilespmem:$0x10780] =	vst v63  }
0x28c: {  	s24 =	sadd.s32 $0x1E8500, s23;
	s26 =	simm.s32 $0x5500  }
0x28d: {  	[tilespmem:s26], [sflag:$0x3] =	stream.linear.gather [hbm4b:s24+s3], $0x400, $0x38;
	[tilespmem:$0x10780] =	vst v63  }
0x28e: {  	s23 =	sadd.s32 $0x2DC780, s23;
	s26 =	simm.s32 $0x5D00  }
0x28f: {  	[tilespmem:s26], [sflag:$0x3] =	stream.linear.gather [hbm4b:s23+s3], $0x400, $0x38;
	[tilespmem:$0x10780] =	vst v63  }
0x290: {  	s23 =	spop (v2sf)  }
0x291: {  	s26 =	sand.u32 $0x7F, s23  }
0x292: {  	(v2sf) =	vpush v15, $0x1;
	p2 =	slt.s32 s23, $0x1;
	p1 =	sne.s32 s26, $0x0;
	s26 =	sshra.s32 s23, $0x1F  }
0x293: {  	s24 =	sshrl.u32 s26, $0x19;
	p0 =	por !p2, !p1  }
0x294: {  	s23 =	sadd.s32 s24, s23;
	p0 =	por !p0, !p0;
	s24 =	simm.s32 $0x1  }
0x295: {  	s23 =	sshrl.u32 s23, $0x7;
	s24 =	simm.s32 @!p0 $0x0  }
0x296: {  	s23 =	ssub.s32 s23, s24  }
0x297: {  	s23 =	sshll.u32 s23, $0x7  }
0x298: {  	s23 =	sand.u32 $0x1FFFFF80, s23  }
0x299: {  	s23 =	sadd.s32 s2, s23  }
0x29a: {  	[tilespmem:s25], [sflag:$0x7] =	stream.linear.gather [hbm4b:s23+s3], $0x400, $0x38;
	[tilespmem:$0x10780] =	vst v63  }
0x29b: {  	s26 =	simm.s32 $0xCD00;
	s24 =	sadd.s32 $0xF4280, s23  }
0x29c: {  	[tilespmem:s26], [sflag:$0x7] =	stream.linear.gather [hbm4b:s24+s3], $0x400, $0x38;
	[tilespmem:$0x10780] =	vst v63  }
0x29d: {  	s24 =	sadd.s32 $0x1E8500, s23;
	s26 =	simm.s32 $0xD500  }
0x29e: {  	[tilespmem:s26], [sflag:$0x7] =	stream.linear.gather [hbm4b:s24+s3], $0x400, $0x38;
	[tilespmem:$0x10780] =	vst v63  }
0x29f: {  	s23 =	sadd.s32 $0x2DC780, s23;
	s26 =	simm.s32 $0xDD00  }
0x2a0: {  	[tilespmem:s26], [sflag:$0x7] =	stream.linear.gather [hbm4b:s23+s3], $0x400, $0x38;
	[tilespmem:$0x10780] =	vst v63  }
0x2a1: {  	s23 =	spop (v2sf)  }
0x2a2: {  	s26 =	sand.u32 $0x7F, s23  }
0x2a3: {  	(v2sf) =	vpush v16, $0x1;
	p4 =	slt.s32 s23, $0x1;
	p3 =	sne.s32 s26, $0x0;
	s26 =	sshra.s32 s23, $0x1F  }
0x2a4: {  	s24 =	sshrl.u32 s26, $0x19;
	p0 =	por !p4, !p3  }
0x2a5: {  	s23 =	sadd.s32 s24, s23;
	p0 =	por !p0, !p0;
	s24 =	simm.s32 $0x1  }
0x2a6: {  	s23 =	sshrl.u32 s23, $0x7;
	s24 =	simm.s32 @!p0 $0x0  }
0x2a7: {  	s23 =	ssub.s32 s23, s24  }
0x2a8: {  	s23 =	sshll.u32 s23, $0x7  }
0x2a9: {  	s23 =	sand.u32 $0x1FFFFF80, s23  }
0x2aa: {  	s26 =	simm.s32 $0x4900;
	s23 =	sadd.s32 s1, s23  }
0x2ab: {  	[tilespmem:s26], [sflag:$0x3] =	stream.linear.gather [hbm4b:s23+s3], $0x400, $0x38;
	[tilespmem:$0x10780] =	vst v63  }
0x2ac: {  	s24 =	sadd.s32 $0xF4280, s23;
	s26 =	simm.s32 $0x5100  }
0x2ad: {  	[tilespmem:s26], [sflag:$0x3] =	stream.linear.gather [hbm4b:s24+s3], $0x400, $0x38;
	[tilespmem:$0x10780] =	vst v63  }
0x2ae: {  	s24 =	sadd.s32 $0x1E8500, s23;
	s26 =	simm.s32 $0x5900  }
0x2af: {  	[tilespmem:s26], [sflag:$0x3] =	stream.linear.gather [hbm4b:s24+s3], $0x400, $0x38;
	[tilespmem:$0x10780] =	vst v63  }
0x2b0: {  	s23 =	sadd.s32 $0x2DC780, s23;
	s26 =	simm.s32 $0x6100  }
0x2b1: {  	[tilespmem:s26], [sflag:$0x3] =	stream.linear.gather [hbm4b:s23+s3], $0x400, $0x38;
	[tilespmem:$0x10780] =	vst v63  }
0x2b2: {  	s23 =	spop (v2sf)  }
0x2b3: {  	s26 =	sand.u32 $0x7F, s23  }
0x2b4: {  	p6 =	slt.s32 s23, $0x1;
	p5 =	sne.s32 s26, $0x0;
	s26 =	sshra.s32 s23, $0x1F  }
0x2b5: {  	s24 =	sshrl.u32 s26, $0x19;
	p0 =	por !p6, !p5  }
0x2b6: {  	s23 =	sadd.s32 s24, s23;
	p0 =	por !p0, !p0;
	s24 =	simm.s32 $0x1  }
0x2b7: {  	s23 =	sshrl.u32 s23, $0x7;
	s24 =	simm.s32 @!p0 $0x0  }
0x2b8: {  	s23 =	ssub.s32 s23, s24  }
0x2b9: {  	s23 =	sshll.u32 s23, $0x7  }
0x2ba: {  	s23 =	sand.u32 $0x1FFFFF80, s23  }
0x2bb: {  	s26 =	simm.s32 $0xC900;
	s23 =	sadd.s32 s2, s23  }
0x2bc: {  	[tilespmem:s26], [sflag:$0x7] =	stream.linear.gather [hbm4b:s23+s3], $0x400, $0x38;
	[tilespmem:$0x10780] =	vst v63  }
0x2bd: {  	s24 =	sadd.s32 $0xF4280, s23;
	s26 =	simm.s32 $0xD100  }
0x2be: {  	[tilespmem:s26], [sflag:$0x7] =	stream.linear.gather [hbm4b:s24+s3], $0x400, $0x38;
	[tilespmem:$0x10780] =	vst v63  }
.Ltmp7:
0x2bf: {  	_ = 	snop;
	(pc) =	sbr.rel .LBB2_8-.Ltmp7, $4  }
0x2c0: {  	s24 =	sadd.s32 $0x1E8500, s23;
	s26 =	simm.s32 $0xD900  }
0x2c1: {  	[tilespmem:s26], [sflag:$0x7] =	stream.linear.gather [hbm4b:s24+s3], $0x400, $0x38;
	[tilespmem:$0x10780] =	vst v63  }
0x2c2: {  	s23 =	sadd.s32 $0x2DC780, s23;
	s26 =	simm.s32 $0xE100  }
0x2c3: {  	[tilespmem:s26], [sflag:$0x7] =	stream.linear.gather [hbm4b:s23+s3], $0x400, $0x38;
	[tilespmem:$0x10780] =	vst v63  }
.LBB2_10:
0x2c4: {  	_ =	sfence.sel $0x180000  }
0x2c5: {  	[bflag:$0x0] =	sbarrier.arrive $0xFFFF  }
0x2c6: {  	_ =	strace $0x90000047  }
0x2c7: {  	s0 =	stileid.u32;
	[bflag:$0x2] =	sbarrier.arrive $0xFFFF  }
0x2c8: {  	p0 =	sne.s32 s0, $0x0;
	s0 =	rddreg [dreg:$0x6]  }
0x2c9: {  	s0 =	sadd.s32 @!p0 $0x100000, s0  }
0x2ca: {  	[sflag:s0] =	ssyncadd.tile.s32 @!p0 $0x1;
	_ =	shalt  }
.Lfunc_end2:
_tile_overlayer_lowered:
.L_overlay_start_2:
0x2cb: {  	(tag) =	ssettag $0x2  }
0x2cc: {  	s0 =	rddreg [dreg:$0x0];
	s2 =	stileid.u32  }
0x2cd: {  	s1 =	rddreg [dreg:$0x1];
	p0 =	sne.s32 s2, $0x0  }
0x2ce: {  	s3 =	rddreg [dreg:$0x2];
	[bflag:$0x3] =	sbarrier.arrive $0xFFFF;
	s2 =	simm.s32 @!p0 $0x1C09  }
0x2cf: {  	[timem:s3], [sflag:s2] =	dma.local @!p0 [hbm:s0], s1  }
0x2d0: {  	s0 =	simm.s32 @!p0 $0x9  }
0x2d1: {  	_ =	swait.ge @!p0 [sflag:s0], s1  }
0x2d2: {  	s1 =	ssub.s32 @!p0 $0x0, s1;
	[sflag:s0] =	ssyncset.done @!p0 $0x0  }
0x2d3: {  	[sflag:s0] =	ssyncadd.s32 @!p0 s1  }
0x2d4: {  	[bflag:$0x3] =	sbarrier.arrive $0xFFFF  }
0x2d5: {  	_ =	shalt  }

</sc_bundles>
